<compile_context>
chip_gen: v7x
topology: tpu7x:2x2x1
jax: 0.10.2.dev20260603
libtpu: 0.0.44.dev20260713+nightly
codegen_flags: <defaults>
</compile_context>

<pallas_src>
import functools

import jax
import jax.numpy as jnp
from jax import lax
from jax.experimental import pallas as pl
from jax.experimental.pallas import tpu as pltpu
from jax.experimental.pallas import tpu_sc as plsc

N = 10000
E = 320000
G = 16
D = 128
NPAD = 10240
NT = 16
NC = 2
CH = 2000
VR = CH // 16
UNROLL = 5

DEG_ROWS = E // NT // CH
S_ROWS = E // (NC * NT) // CH
E_DEG = E // NT
E_S = E // (NC * NT)
L_DEG = E_DEG + 96
L_S = E_S + 112
CHUNK = NPAD // NT
SELF_VR = CHUNK // 16


def _rsqrt_sc(d):
    y = lax.bitcast_convert_type(
        jnp.int32(0x5F3759DF) - (lax.bitcast_convert_type(d, jnp.int32) >> 1),
        jnp.float32)
    for _ in range(3):
        y = y * (1.5 - 0.5 * d * y * y)
    return y


def _sc_body(ei, i_hbm, out_s,
             deg_sh, dinv_sh, s_sh,
             zerobuf, onesrow, edeg, degidx,
             i_priv, dinv_priv, workbuf, idxbuf, valbuf, selfidx, selfval,
             sem_in, sem_z, sem_sc, sem_deg, sem_z2):
    c = lax.axis_index("c")
    t = lax.axis_index("s")
    w = c * NT + t

    sdeg = 128 * ((2500 * t) // NT)
    odeg = t * E_DEG - sdeg
    ss = 128 * ((2500 * w) // (NC * NT))
    os_ = w * E_S - ss
    deg_load = pltpu.async_copy(ei.at[:, pl.ds(sdeg, L_DEG)], edeg, sem_deg)
    loads = [
        pltpu.async_copy(i_hbm, i_priv, sem_in),
    ]

    zv = jnp.zeros((16,), jnp.float32)
    ov = zv + 1.0

    @plsc.parallel_loop(0, N // 16, unroll=4)
    def fill_zero(j):
        zerobuf[pl.ds(j * 16, 16)] = zv

    @plsc.parallel_loop(0, CH // 16, unroll=4)
    def fill_one(j):
        onesrow[pl.ds(j * 16, 16)] = ov

    z_deg = pltpu.async_copy(zerobuf.at[pl.ds(0, CHUNK)],
                             deg_sh.at[pl.ds(t * CHUNK, CHUNK)], sem_z)
    z_s = pltpu.async_copy(zerobuf, s_sh.at[pl.ds(t * N, N)], sem_z2)
    z_deg.wait()
    plsc.subcore_barrier()

    deg_load.wait()

    @plsc.parallel_loop(0, E_DEG // 16, unroll=4)
    def deg_fill(j):
        degidx[j // VR, 0, pl.ds((j % VR) * 16, 16)] = (
            edeg[1, pl.ds(odeg + j * 16, 16)])

    deg_descs = [
        pltpu.async_copy(onesrow, deg_sh.at[degidx.at[j, 0]], sem_sc, add=True)
        for j in range(DEG_ROWS)
    ]
    s_load = pltpu.async_copy(ei.at[:, pl.ds(ss, L_S)],
                              edeg.at[:, pl.ds(0, L_S)], sem_in)
    for dsc in loads:
        dsc.wait()
    s_load.wait()

    for r in range(S_ROWS):
        @plsc.parallel_loop(0, VR, unroll=4)
        def idx_step(k):
            sl = pl.ds(os_ + r * CH + k * 16, 16)
            sv = edeg[0, sl]
            dv = edeg[1, sl]
            g = plsc.load_gather(i_priv, [dv])
            idxbuf[r, 0, pl.ds(k * 16, 16)] = g * N + sv

    @pl.when(c == 0)
    def _self_idx():
        @plsc.parallel_loop(0, SELF_VR, unroll=4)
        def self_idx_step(k):
            sl = pl.ds(k * 16, 16)
            v = t * CHUNK + k * 16 + lax.iota(jnp.int32, 16)
            valid = v < N
            vc = jnp.minimum(v, N - 1)
            g = plsc.load_gather(i_priv, [vc])
            selfidx[0, 0, sl] = jnp.where(valid, g * N + vc, 0)

    z_s.wait()
    for dsc in deg_descs:
        dsc.wait()
    plsc.subcore_barrier()

    pltpu.sync_copy(deg_sh.at[pl.ds(t * CHUNK, CHUNK)], workbuf)

    @plsc.parallel_loop(0, CHUNK // 16, unroll=4)
    def dinv_step(j):
        d = workbuf[pl.ds(j * 16, 16)] + 1.0
        workbuf[pl.ds(j * 16, 16)] = _rsqrt_sc(d)
    pltpu.sync_copy(workbuf, dinv_sh.at[pl.ds(t * CHUNK, CHUNK)])
    plsc.subcore_barrier()

    pltpu.sync_copy(dinv_sh, dinv_priv)

    for r in range(S_ROWS):
        @plsc.parallel_loop(0, VR, unroll=4)
        def val_step(k):
            sl = pl.ds(os_ + r * CH + k * 16, 16)
            sv = edeg[0, sl]
            dv = edeg[1, sl]
            da = plsc.load_gather(dinv_priv, [sv])
            db = plsc.load_gather(dinv_priv, [dv])
            valbuf[r, 0, pl.ds(k * 16, 16)] = da * db

    s_descs = [
        pltpu.async_copy(valbuf.at[j, 0], s_sh.at[idxbuf.at[j, 0]], sem_sc,
                         add=True)
        for j in range(S_ROWS)
    ]

    @pl.when(c == 0)
    def _self_loops():
        @plsc.parallel_loop(0, SELF_VR, unroll=4)
        def self_val_step(k):
            sl = pl.ds(k * 16, 16)
            v = t * CHUNK + k * 16 + lax.iota(jnp.int32, 16)
            valid = v < N
            vc = jnp.minimum(v, N - 1)
            dv = plsc.load_gather(dinv_priv, [vc])
            selfval[0, 0, sl] = jnp.where(valid, dv * dv, 0.0)
        pltpu.async_copy(selfval.at[0, 0], s_sh.at[selfidx.at[0, 0]], sem_sc,
                         add=True).wait()

    for dsc in s_descs:
        dsc.wait()
    plsc.subcore_barrier()

    pltpu.sync_copy(s_sh.at[pl.ds(t * N, N)], zerobuf)
    pltpu.sync_copy(zerobuf, out_s.at[pl.ds(w * N, N)])


_sc_scatter = functools.partial(
    pl.kernel,
    out_type=jax.ShapeDtypeStruct((NC * NT * N,), jnp.float32),
    mesh=plsc.VectorSubcoreMesh(core_axis_name="c", subcore_axis_name="s"),
    compiler_params=pltpu.CompilerParams(needs_layout_passes=False),
    scratch_types=[
        pltpu.VMEM_SHARED((NPAD,), jnp.float32),
        pltpu.VMEM_SHARED((NPAD,), jnp.float32),
        pltpu.VMEM_SHARED((N * G,), jnp.float32),
        pltpu.VMEM((N,), jnp.float32),
        pltpu.VMEM((CH,), jnp.float32),
        pltpu.VMEM((2, L_DEG), jnp.int32),
        pltpu.VMEM((DEG_ROWS, 1, CH), jnp.int32),
        pltpu.VMEM((N,), jnp.int32),
        pltpu.VMEM((NPAD,), jnp.float32),
        pltpu.VMEM((CHUNK,), jnp.float32),
        pltpu.VMEM((S_ROWS, 1, CH), jnp.int32),
        pltpu.VMEM((S_ROWS, 1, CH), jnp.float32),
        pltpu.VMEM((1, 1, CHUNK), jnp.int32),
        pltpu.VMEM((1, 1, CHUNK), jnp.float32),
        pltpu.SemaphoreType.DMA,
        pltpu.SemaphoreType.DMA,
        pltpu.SemaphoreType.DMA,
        pltpu.SemaphoreType.DMA,
        pltpu.SemaphoreType.DMA,
    ],
)(_sc_body)


def _tc_a_body(x_ref, i_ref, w_ref, h_ref, n_ref):
    h_ref[...] = jnp.dot(x_ref[...], w_ref[...])
    giota = lax.broadcasted_iota(jnp.int32, (N, G), 1)
    onehot = jnp.where(i_ref[...] == giota, 1.0, 0.0)
    n_ref[...] = lax.dot_general(onehot, jnp.ones((N, 1), jnp.float32),
                                 (((0,), (0,)), ((), ())),
                                 precision=lax.Precision.HIGHEST)


def _tc_b_body(s_ref, h_ref, n_ref, b_ref, wd_ref, bd_ref, o_ref):
    S = s_ref[0] + s_ref[1]
    P = jnp.dot(S, h_ref[...], precision=lax.Precision.HIGHEST)
    pooled = P + n_ref[...] * b_ref[...]
    logits = jnp.dot(pooled, wd_ref[...],
                     precision=lax.Precision.HIGHEST) + bd_ref[...]
    m = jnp.max(logits, axis=1, keepdims=True)
    e = jnp.exp(logits - m)
    o_ref[...] = e / jnp.sum(e, axis=1, keepdims=True)


def kernel(x, edge_index, i, W, b, Wd, bd):
    ii = i.astype(jnp.int32)

    s_flat = _sc_scatter(edge_index.astype(jnp.int32), ii)
    s2 = s_flat.reshape(NC, G, N)

    H, ncol = pl.pallas_call(
        _tc_a_body,
        out_shape=[jax.ShapeDtypeStruct((N, D), jnp.float32),
                   jax.ShapeDtypeStruct((G, 1), jnp.float32)],
    )(x, ii.reshape(N, 1), W)

    out = pl.pallas_call(
        _tc_b_body,
        out_shape=jax.ShapeDtypeStruct((G, 10), jnp.float32),
    )(s2, H, ncol, b.reshape(1, D), Wd, bd.reshape(1, 10))
    return out

# --- scband reference (transcript-rebuilt; emitter-appended) ---
"""Pipeline reference for scband-my-gnn-16174846837034 (READ-ONLY COPY).

The authoritative reference and input builder live on the scoring server;
editing this copy changes nothing except your own understanding.
"""

import jax, jax.numpy as jnp
import numpy as np

N_NODES = 10000
N_EDGES = 320000
D_FEAT = 128
N_HIDDEN = 128
N_LABELS = 10
N_GRAPHS = 16


def setup_inputs(seed: int = 0) -> dict:
    key = jax.random.key(seed)
    k1, k2, k3, k4, k5, k6, k7 = jax.random.split(key, 7)
    x = jax.random.normal(k1, (N_NODES, D_FEAT), dtype=jnp.float32)
    edge_index = jax.random.randint(k2, (2, N_EDGES), 0, N_NODES, dtype=jnp.int64)
    i = jnp.sort(jax.random.randint(k3, (N_NODES,), 0, N_GRAPHS, dtype=jnp.int64))
    # learned params: GCNConv kernel/bias, Dense kernel/bias
    W = jax.random.normal(k4, (D_FEAT, N_HIDDEN), dtype=jnp.float32) * (1.0 / np.sqrt(D_FEAT))
    b = jnp.zeros((N_HIDDEN,), dtype=jnp.float32)
    Wd = jax.random.normal(k5, (N_HIDDEN, N_LABELS), dtype=jnp.float32) * (1.0 / np.sqrt(N_HIDDEN))
    bd = jnp.zeros((N_LABELS,), dtype=jnp.float32)
    return {"x": x, "edge_index": edge_index, "i": i, "W": W, "b": b, "Wd": Wd, "bd": bd}


def reference(x, edge_index, i, W, b, Wd, bd):
    N = x.shape[0]
    # --- GCNConv: symmetric-normalized propagation D^-1/2 (A + I) D^-1/2 X W + b ---
    loop = jnp.arange(N, dtype=edge_index.dtype)
    src = jnp.concatenate([edge_index[0], loop])
    dst = jnp.concatenate([edge_index[1], loop])
    deg = jnp.zeros((N,), dtype=jnp.float32).at[dst].add(1.0)
    dinv = jax.lax.rsqrt(jnp.maximum(deg, 1.0))
    h = x @ W  # [N, n_hidden]
    coef = (dinv[src] * dinv[dst])[:, None]
    msg = jnp.take(h, src, axis=0) * coef
    agg = jnp.zeros((N, h.shape[1]), dtype=h.dtype).at[dst].add(msg)
    conv = agg + b  # GCNConv default activation=None
    # --- GlobalSumPool over graph segment ids i ---
    pooled = jax.ops.segment_sum(conv, i, num_segments=N_GRAPHS)  # [n_graphs, n_hidden]
    # --- Dropout: identity at inference ---
    # --- Dense softmax head ---
    logits = pooled @ Wd + bd
    out = jax.nn.softmax(logits, axis=-1)
    return out

if __name__ == "__main__":
    import jax
    _d = setup_inputs()
    print(jax.jit(kernel)(*tuple(_d.values())))

</pallas_src>

<mosaic_0001>
#map = affine_map<(d0, d1) -> (0, 0)>
#map1 = affine_map<(d0, d1) -> (0)>
module attributes {stable_mosaic.version = 14 : i64} {
  func.func @_sc_body(%arg0: i32, %arg1: i32, %arg2: memref<2x320000xi32, #tpu.memory_space<hbm>>, %arg3: memref<10000xi32, #tpu.memory_space<hbm>>, %arg4: memref<320000xf32, #tpu.memory_space<hbm>>, %arg5: memref<10240xf32, #tpu.memory_space<vmem_shared>>, %arg6: memref<10240xf32, #tpu.memory_space<vmem_shared>>, %arg7: memref<160000xf32, #tpu.memory_space<vmem_shared>>, %arg8: memref<10000xf32, #tpu.memory_space<vmem>>, %arg9: memref<2000xf32, #tpu.memory_space<vmem>>, %arg10: memref<2x20096xi32, #tpu.memory_space<vmem>>, %arg11: memref<10x1x2000xi32, #tpu.memory_space<vmem>>, %arg12: memref<10000xi32, #tpu.memory_space<vmem>>, %arg13: memref<10240xf32, #tpu.memory_space<vmem>>, %arg14: memref<640xf32, #tpu.memory_space<vmem>>, %arg15: memref<5x1x2000xi32, #tpu.memory_space<vmem>>, %arg16: memref<5x1x2000xf32, #tpu.memory_space<vmem>>, %arg17: memref<1x1x640xi32, #tpu.memory_space<vmem>>, %arg18: memref<1x1x640xf32, #tpu.memory_space<vmem>>, %arg19: memref<!tpu.dma_semaphore, #tpu.memory_space<semaphore_mem>>, %arg20: memref<!tpu.dma_semaphore, #tpu.memory_space<semaphore_mem>>, %arg21: memref<!tpu.dma_semaphore, #tpu.memory_space<semaphore_mem>>, %arg22: memref<!tpu.dma_semaphore, #tpu.memory_space<semaphore_mem>>, %arg23: memref<!tpu.dma_semaphore, #tpu.memory_space<semaphore_mem>>) attributes {dimension_semantics = [#tpu.dimension_semantics<core_parallel>, #tpu.dimension_semantics<subcore_parallel>], iteration_bounds = array<i64: 2, 16>, scalar_prefetch = 0 : i64, scratch_operands = 19 : i64, tpu.core_type = #tpu.core_type<sc_vector_subcore>, window_params = [{transform_indices = #map}, {transform_indices = #map1}, {transform_indices = #map1}]} {
    %mul3A = arith.constant 16 : i32
    %mul3A_0 = arith.muli %arg0, %mul3A : i32
    %add3A = arith.addi %mul3A_0, %arg1 : i32
    %mul3A_1 = arith.constant 2500 : i32
    %mul3A_2 = arith.muli %mul3A_1, %arg1 : i32
    %jit3A = arith.constant 16 : i32
    %div3A = arith.divsi %mul3A_2, %jit3A : i32
    %sign3A = arith.constant 0 : i32
    %sign3A_3 = arith.cmpi sgt, %mul3A_2, %sign3A : i32
    %sign3A_4 = arith.extui %sign3A_3 : i1 to i32
    %sign3A_5 = arith.constant 0 : i32
    %sign3A_6 = arith.cmpi slt, %mul3A_2, %sign3A_5 : i32
    %sign3A_7 = arith.extui %sign3A_6 : i1 to i32
    %sign3A_8 = arith.subi %sign3A_4, %sign3A_7 : i32
    %sign3A_9 = arith.constant 0 : i32
    %sign3A_10 = arith.cmpi sgt, %jit3A, %sign3A_9 : i32
    %sign3A_11 = arith.extui %sign3A_10 : i1 to i32
    %sign3A_12 = arith.constant 0 : i32
    %sign3A_13 = arith.cmpi slt, %jit3A, %sign3A_12 : i32
    %sign3A_14 = arith.extui %sign3A_13 : i1 to i32
    %sign3A_15 = arith.subi %sign3A_11, %sign3A_14 : i32
    %ne3A = arith.cmpi ne, %sign3A_8, %sign3A_15 : i32
    %rem3A = arith.remsi %mul3A_2, %jit3A : i32
    %ne3A_16 = arith.constant 0 : i32
    %ne3A_17 = arith.cmpi ne, %rem3A, %ne3A_16 : i32
    %and3A = arith.andi %ne3A, %ne3A_17 : i1
    %sub3A = arith.constant 1 : i32
    %sub3A_18 = arith.subi %div3A, %sub3A : i32
    %select_n3A = arith.select %and3A, %sub3A_18, %div3A : i32
    %mul3A_19 = arith.constant 128 : i32
    %mul3A_20 = arith.muli %mul3A_19, %select_n3A : i32
    %mul3A_21 = arith.constant 20000 : i32
    %mul3A_22 = arith.muli %arg1, %mul3A_21 : i32
    %sub3A_23 = arith.subi %mul3A_22, %mul3A_20 : i32
    %mul3A_24 = arith.constant 2500 : i32
    %mul3A_25 = arith.muli %mul3A_24, %add3A : i32
    %jit3A_26 = arith.constant 32 : i32
    %div3A_27 = arith.divsi %mul3A_25, %jit3A_26 : i32
    %sign3A_28 = arith.constant 0 : i32
    %sign3A_29 = arith.cmpi sgt, %mul3A_25, %sign3A_28 : i32
    %sign3A_30 = arith.extui %sign3A_29 : i1 to i32
    %sign3A_31 = arith.constant 0 : i32
    %sign3A_32 = arith.cmpi slt, %mul3A_25, %sign3A_31 : i32
    %sign3A_33 = arith.extui %sign3A_32 : i1 to i32
    %sign3A_34 = arith.subi %sign3A_30, %sign3A_33 : i32
    %sign3A_35 = arith.constant 0 : i32
    %sign3A_36 = arith.cmpi sgt, %jit3A_26, %sign3A_35 : i32
    %sign3A_37 = arith.extui %sign3A_36 : i1 to i32
    %sign3A_38 = arith.constant 0 : i32
    %sign3A_39 = arith.cmpi slt, %jit3A_26, %sign3A_38 : i32
    %sign3A_40 = arith.extui %sign3A_39 : i1 to i32
    %sign3A_41 = arith.subi %sign3A_37, %sign3A_40 : i32
    %ne3A_42 = arith.cmpi ne, %sign3A_34, %sign3A_41 : i32
    %rem3A_43 = arith.remsi %mul3A_25, %jit3A_26 : i32
    %ne3A_44 = arith.constant 0 : i32
    %ne3A_45 = arith.cmpi ne, %rem3A_43, %ne3A_44 : i32
    %and3A_46 = arith.andi %ne3A_42, %ne3A_45 : i1
    %sub3A_47 = arith.constant 1 : i32
    %sub3A_48 = arith.subi %div3A_27, %sub3A_47 : i32
    %select_n3A_49 = arith.select %and3A_46, %sub3A_48, %div3A_27 : i32
    %mul3A_50 = arith.constant 128 : i32
    %mul3A_51 = arith.muli %mul3A_50, %select_n3A_49 : i32
    %mul3A_52 = arith.constant 10000 : i32
    %mul3A_53 = arith.muli %add3A, %mul3A_52 : i32
    %sub3A_54 = arith.subi %mul3A_53, %mul3A_51 : i32
    %dma_start3A = arith.constant 0 : i32
    %dma_start3A_55 = tpu.memref_slice %arg2[%dma_start3A, %mul3A_20] : memref<2x320000xi32, #tpu.memory_space<hbm>> -> memref<2x20096xi32, #tpu.memory_space<hbm>>
    %dma_start3A_56 = arith.constant 0 : i32
    %dma_start3A_57 = tpu.memref_slice %arg2[%dma_start3A_56, %mul3A_20] : memref<2x320000xi32, #tpu.memory_space<hbm>> -> memref<2x20096xi32, #tpu.memory_space<hbm>>
    tpu.enqueue_dma source(%dma_start3A_57 : memref<2x20096xi32, #tpu.memory_space<hbm>>) target(%arg10 : memref<2x20096xi32, #tpu.memory_space<vmem>>) target_semaphore(%arg22 : memref<!tpu.dma_semaphore, #tpu.memory_space<semaphore_mem>>)
    tpu.enqueue_dma source(%arg3 : memref<10000xi32, #tpu.memory_space<hbm>>) target(%arg12 : memref<10000xi32, #tpu.memory_space<vmem>>) target_semaphore(%arg19 : memref<!tpu.dma_semaphore, #tpu.memory_space<semaphore_mem>>)
    %broadcast_in_dim3A = arith.constant 0.000000e+00 : f32
    %broadcast_in_dim3A_58 = vector.broadcast %broadcast_in_dim3A : f32 to vector<16xf32>
    %add3A_59 = arith.constant 1.000000e+00 : f32
    %add3A_60 = vector.broadcast %add3A_59 : f32 to vector<16xf32>
    %add3A_61 = arith.addf %broadcast_in_dim3A_58, %add3A_60 : vector<16xf32>
    %parallel_loop3A = arith.constant 0 : i32
    %parallel_loop3A_62 = arith.constant 625 : i32
    %parallel_loop3A_63 = arith.constant 1 : i32
    scf.for %parallel_loop3A_424 = %parallel_loop3A to %parallel_loop3A_62 step %parallel_loop3A_63  : i32 {
      %parallel_loop3A_425 = arith.constant 16 : i32
      %parallel_loop3A_426 = arith.muli %parallel_loop3A_424, %parallel_loop3A_425 : i32
      %parallel_loop3A_427 = arith.index_cast %parallel_loop3A_426 : i32 to index
      %parallel_loop3A_428 = tpu.vector_load %arg8[%parallel_loop3A_427] {strides = array<i32>} : memref<10000xf32, #tpu.memory_space<vmem>>, vector<16xf32>,
      tpu.vector_store %arg8[%parallel_loop3A_427], %broadcast_in_dim3A_58 {strides = array<i32>} : memref<10000xf32, #tpu.memory_space<vmem>>, vector<16xf32>,
    } {sc.loop_unroll_factor = 4 : i64, sc.parallel_access}
    %parallel_loop3A_64 = arith.constant 0 : i32
    %parallel_loop3A_65 = arith.constant 125 : i32
    %parallel_loop3A_66 = arith.constant 1 : i32
    scf.for %parallel_loop3A_424 = %parallel_loop3A_64 to %parallel_loop3A_65 step %parallel_loop3A_66  : i32 {
      %parallel_loop3A_425 = arith.constant 16 : i32
      %parallel_loop3A_426 = arith.muli %parallel_loop3A_424, %parallel_loop3A_425 : i32
      %parallel_loop3A_427 = arith.index_cast %parallel_loop3A_426 : i32 to index
      %parallel_loop3A_428 = tpu.vector_load %arg9[%parallel_loop3A_427] {strides = array<i32>} : memref<2000xf32, #tpu.memory_space<vmem>>, vector<16xf32>,
      tpu.vector_store %arg9[%parallel_loop3A_427], %add3A_61 {strides = array<i32>} : memref<2000xf32, #tpu.memory_space<vmem>>, vector<16xf32>,
    } {sc.loop_unroll_factor = 4 : i64, sc.parallel_access}
    %mul3A_67 = arith.constant 640 : i32
    %mul3A_68 = arith.muli %arg1, %mul3A_67 : i32
    %dma_start3A_69 = arith.constant 0 : i32
    %dma_start3A_70 = tpu.memref_slice %arg8[%dma_start3A_69] : memref<10000xf32, #tpu.memory_space<vmem>> -> memref<640xf32, #tpu.memory_space<vmem>>
    %dma_start3A_71 = tpu.memref_slice %arg5[%mul3A_68] : memref<10240xf32, #tpu.memory_space<vmem_shared>> -> memref<640xf32, #tpu.memory_space<vmem_shared>>
    %dma_start3A_72 = tpu.memref_slice %arg5[%mul3A_68] : memref<10240xf32, #tpu.memory_space<vmem_shared>> -> memref<640xf32, #tpu.memory_space<vmem_shared>>
    %dma_start3A_73 = arith.constant 0 : i32
    %dma_start3A_74 = tpu.memref_slice %arg8[%dma_start3A_73] : memref<10000xf32, #tpu.memory_space<vmem>> -> memref<640xf32, #tpu.memory_space<vmem>>
    tpu.enqueue_dma source(%dma_start3A_74 : memref<640xf32, #tpu.memory_space<vmem>>) target(%dma_start3A_72 : memref<640xf32, #tpu.memory_space<vmem_shared>>) target_semaphore(%arg20 : memref<!tpu.dma_semaphore, #tpu.memory_space<semaphore_mem>>)
    %mul3A_75 = arith.constant 10000 : i32
    %mul3A_76 = arith.muli %arg1, %mul3A_75 : i32
    %dma_start3A_77 = tpu.memref_slice %arg7[%mul3A_76] : memref<160000xf32, #tpu.memory_space<vmem_shared>> -> memref<10000xf32, #tpu.memory_space<vmem_shared>>
    %dma_start3A_78 = tpu.memref_slice %arg7[%mul3A_76] : memref<160000xf32, #tpu.memory_space<vmem_shared>> -> memref<10000xf32, #tpu.memory_space<vmem_shared>>
    tpu.enqueue_dma source(%arg8 : memref<10000xf32, #tpu.memory_space<vmem>>) target(%dma_start3A_78 : memref<10000xf32, #tpu.memory_space<vmem_shared>>) target_semaphore(%arg23 : memref<!tpu.dma_semaphore, #tpu.memory_space<semaphore_mem>>)
    %dma_wait3A = arith.constant 0 : i32
    %dma_wait3A_79 = tpu.memref_slice %arg8[%dma_wait3A] : memref<10000xf32, #tpu.memory_space<vmem>> -> memref<640xf32, #tpu.memory_space<vmem>>
    %dma_wait3A_80 = tpu.memref_slice %arg5[%mul3A_68] : memref<10240xf32, #tpu.memory_space<vmem_shared>> -> memref<640xf32, #tpu.memory_space<vmem_shared>>
    %dma_wait3A_81 = tpu.memref_slice %arg5[%mul3A_68] : memref<10240xf32, #tpu.memory_space<vmem_shared>> -> memref<640xf32, #tpu.memory_space<vmem_shared>>
    %dma_wait3A_82 = arith.constant 0 : i32
    %dma_wait3A_83 = tpu.memref_slice %arg8[%dma_wait3A_82] : memref<10000xf32, #tpu.memory_space<vmem>> -> memref<640xf32, #tpu.memory_space<vmem>>
    tpu.wait_dma2 semaphore(%arg20 : memref<!tpu.dma_semaphore, #tpu.memory_space<semaphore_mem>>) src(%dma_wait3A_83 : memref<640xf32, #tpu.memory_space<vmem>>) dst(%dma_wait3A_81 : memref<640xf32, #tpu.memory_space<vmem_shared>>)
    %barrier3A = arith.constant 0 : index
    tpu.barrier barrier_id(%barrier3A)
    %dma_wait3A_84 = arith.constant 0 : i32
    %dma_wait3A_85 = tpu.memref_slice %arg2[%dma_wait3A_84, %mul3A_20] : memref<2x320000xi32, #tpu.memory_space<hbm>> -> memref<2x20096xi32, #tpu.memory_space<hbm>>
    %dma_wait3A_86 = arith.constant 0 : i32
    %dma_wait3A_87 = tpu.memref_slice %arg2[%dma_wait3A_86, %mul3A_20] : memref<2x320000xi32, #tpu.memory_space<hbm>> -> memref<2x20096xi32, #tpu.memory_space<hbm>>
    tpu.wait_dma2 semaphore(%arg22 : memref<!tpu.dma_semaphore, #tpu.memory_space<semaphore_mem>>) src(%dma_wait3A_87 : memref<2x20096xi32, #tpu.memory_space<hbm>>) dst(%arg10 : memref<2x20096xi32, #tpu.memory_space<vmem>>)
    %parallel_loop3A_88 = arith.constant 0 : i32
    %parallel_loop3A_89 = arith.constant 1250 : i32
    %parallel_loop3A_90 = arith.constant 1 : i32
    scf.for %parallel_loop3A_424 = %parallel_loop3A_88 to %parallel_loop3A_89 step %parallel_loop3A_90  : i32 {
      %parallel_loop3A_425 = arith.constant 16 : i32
      %parallel_loop3A_426 = arith.muli %parallel_loop3A_424, %parallel_loop3A_425 : i32
      %parallel_loop3A_427 = arith.addi %sub3A_23, %parallel_loop3A_426 : i32
      %parallel_loop3A_428 = arith.constant 1 : i32
      %parallel_loop3A_429 = arith.index_cast %parallel_loop3A_428 : i32 to index
      %parallel_loop3A_430 = arith.index_cast %parallel_loop3A_427 : i32 to index
      %parallel_loop3A_431 = tpu.vector_load %arg10[%parallel_loop3A_429, %parallel_loop3A_430] {strides = array<i32>} : memref<2x20096xi32, #tpu.memory_space<vmem>>, vector<16xi32>,
      %parallel_loop3A_432 = arith.constant 125 : i32
      %parallel_loop3A_433 = arith.divsi %parallel_loop3A_424, %parallel_loop3A_432 : i32
      %parallel_loop3A_434 = arith.constant 0 : i32
      %parallel_loop3A_435 = arith.cmpi sgt, %parallel_loop3A_424, %parallel_loop3A_434 : i32
      %parallel_loop3A_436 = arith.extui %parallel_loop3A_435 : i1 to i32
      %parallel_loop3A_437 = arith.constant 0 : i32
      %parallel_loop3A_438 = arith.cmpi slt, %parallel_loop3A_424, %parallel_loop3A_437 : i32
      %parallel_loop3A_439 = arith.extui %parallel_loop3A_438 : i1 to i32
      %parallel_loop3A_440 = arith.subi %parallel_loop3A_436, %parallel_loop3A_439 : i32
      %parallel_loop3A_441 = arith.constant 0 : i32
      %parallel_loop3A_442 = arith.cmpi sgt, %parallel_loop3A_432, %parallel_loop3A_441 : i32
      %parallel_loop3A_443 = arith.extui %parallel_loop3A_442 : i1 to i32
      %parallel_loop3A_444 = arith.constant 0 : i32
      %parallel_loop3A_445 = arith.cmpi slt, %parallel_loop3A_432, %parallel_loop3A_444 : i32
      %parallel_loop3A_446 = arith.extui %parallel_loop3A_445 : i1 to i32
      %parallel_loop3A_447 = arith.subi %parallel_loop3A_443, %parallel_loop3A_446 : i32
      %parallel_loop3A_448 = arith.cmpi ne, %parallel_loop3A_440, %parallel_loop3A_447 : i32
      %parallel_loop3A_449 = arith.remsi %parallel_loop3A_424, %parallel_loop3A_432 : i32
      %parallel_loop3A_450 = arith.constant 0 : i32
      %parallel_loop3A_451 = arith.cmpi ne, %parallel_loop3A_449, %parallel_loop3A_450 : i32
      %parallel_loop3A_452 = arith.andi %parallel_loop3A_448, %parallel_loop3A_451 : i1
      %parallel_loop3A_453 = arith.constant 1 : i32
      %parallel_loop3A_454 = arith.subi %parallel_loop3A_433, %parallel_loop3A_453 : i32
      %parallel_loop3A_455 = arith.select %parallel_loop3A_452, %parallel_loop3A_454, %parallel_loop3A_433 : i32
      %parallel_loop3A_456 = arith.constant 125 : i32
      %parallel_loop3A_457 = arith.constant 0 : i32
      %parallel_loop3A_458 = arith.cmpi eq, %parallel_loop3A_456, %parallel_loop3A_457 : i32
      %parallel_loop3A_459 = arith.constant 1 : i32
      %parallel_loop3A_460 = arith.select %parallel_loop3A_458, %parallel_loop3A_459, %parallel_loop3A_456 : i32
      %parallel_loop3A_461 = arith.remsi %parallel_loop3A_424, %parallel_loop3A_460 : i32
      %parallel_loop3A_462 = arith.constant 0 : i32
      %parallel_loop3A_463 = arith.cmpi ne, %parallel_loop3A_461, %parallel_loop3A_462 : i32
      %parallel_loop3A_464 = arith.constant 0 : i32
      %parallel_loop3A_465 = arith.cmpi slt, %parallel_loop3A_461, %parallel_loop3A_464 : i32
      %parallel_loop3A_466 = arith.constant 0 : i32
      %parallel_loop3A_467 = arith.cmpi slt, %parallel_loop3A_460, %parallel_loop3A_466 : i32
      %parallel_loop3A_468 = arith.xori %parallel_loop3A_465, %parallel_loop3A_467 : i1
      %parallel_loop3A_469 = arith.andi %parallel_loop3A_468, %parallel_loop3A_463 : i1
      %parallel_loop3A_470 = arith.addi %parallel_loop3A_461, %parallel_loop3A_460 : i32
      %parallel_loop3A_471 = arith.select %parallel_loop3A_469, %parallel_loop3A_470, %parallel_loop3A_461 : i32
      %parallel_loop3A_472 = arith.constant 16 : i32
      %parallel_loop3A_473 = arith.muli %parallel_loop3A_471, %parallel_loop3A_472 : i32
      %parallel_loop3A_474 = arith.constant 0 : i32
      %parallel_loop3A_475 = arith.index_cast %parallel_loop3A_455 : i32 to index
      %parallel_loop3A_476 = arith.index_cast %parallel_loop3A_474 : i32 to index
      %parallel_loop3A_477 = arith.index_cast %parallel_loop3A_473 : i32 to index
      %parallel_loop3A_478 = tpu.vector_load %arg11[%parallel_loop3A_475, %parallel_loop3A_476, %parallel_loop3A_477] {strides = array<i32>} : memref<10x1x2000xi32, #tpu.memory_space<vmem>>, vector<16xi32>,
      tpu.vector_store %arg11[%parallel_loop3A_475, %parallel_loop3A_476, %parallel_loop3A_477], %parallel_loop3A_431 {strides = array<i32>} : memref<10x1x2000xi32, #tpu.memory_space<vmem>>, vector<16xi32>,
    } {sc.loop_unroll_factor = 4 : i64, sc.parallel_access}
    %dma_start3A_91 = arith.constant 0 : i32
    %dma_start3A_92 = arith.constant 0 : i32
    %dma_start3A_93 = arith.constant 0 : i32
    %dma_start3A_94 = tpu.memref_slice %arg11[%dma_start3A_91, %dma_start3A_92, %dma_start3A_93] : memref<10x1x2000xi32, #tpu.memory_space<vmem>> -> memref<1x1x2000xi32, #tpu.memory_space<vmem>>
    %dma_start3A_95 = tpu.memref_squeeze %dma_start3A_94 : memref<1x1x2000xi32, #tpu.memory_space<vmem>> -> memref<2000xi32, #tpu.memory_space<vmem>>
    %dma_start3A_96 = arith.constant 0 : i32
    %dma_start3A_97 = tpu.memref_slice %arg5[%dma_start3A_96] : memref<10240xf32, #tpu.memory_space<vmem_shared>> -> memref<10240xf32, #tpu.memory_space<vmem_shared>>
    tpu.enqueue_indirect_dma source(%arg9 : memref<2000xf32, #tpu.memory_space<vmem>>) target(%dma_start3A_97 : memref<10240xf32, #tpu.memory_space<vmem_shared>>) offsets(%dma_start3A_95 : memref<2000xi32, #tpu.memory_space<vmem>>) semaphore(%arg21 : memref<!tpu.dma_semaphore, #tpu.memory_space<semaphore_mem>>) {add = true}
    %dma_start3A_98 = arith.constant 1 : i32
    %dma_start3A_99 = arith.constant 0 : i32
    %dma_start3A_100 = arith.constant 0 : i32
    %dma_start3A_101 = tpu.memref_slice %arg11[%dma_start3A_98, %dma_start3A_99, %dma_start3A_100] : memref<10x1x2000xi32, #tpu.memory_space<vmem>> -> memref<1x1x2000xi32, #tpu.memory_space<vmem>>
    %dma_start3A_102 = tpu.memref_squeeze %dma_start3A_101 : memref<1x1x2000xi32, #tpu.memory_space<vmem>> -> memref<2000xi32, #tpu.memory_space<vmem>>
    %dma_start3A_103 = arith.constant 0 : i32
    %dma_start3A_104 = tpu.memref_slice %arg5[%dma_start3A_103] : memref<10240xf32, #tpu.memory_space<vmem_shared>> -> memref<10240xf32, #tpu.memory_space<vmem_shared>>
    tpu.enqueue_indirect_dma source(%arg9 : memref<2000xf32, #tpu.memory_space<vmem>>) target(%dma_start3A_104 : memref<10240xf32, #tpu.memory_space<vmem_shared>>) offsets(%dma_start3A_102 : memref<2000xi32, #tpu.memory_space<vmem>>) semaphore(%arg21 : memref<!tpu.dma_semaphore, #tpu.memory_space<semaphore_mem>>) {add = true}
    %dma_start3A_105 = arith.constant 2 : i32
    %dma_start3A_106 = arith.constant 0 : i32
    %dma_start3A_107 = arith.constant 0 : i32
    %dma_start3A_108 = tpu.memref_slice %arg11[%dma_start3A_105, %dma_start3A_106, %dma_start3A_107] : memref<10x1x2000xi32, #tpu.memory_space<vmem>> -> memref<1x1x2000xi32, #tpu.memory_space<vmem>>
    %dma_start3A_109 = tpu.memref_squeeze %dma_start3A_108 : memref<1x1x2000xi32, #tpu.memory_space<vmem>> -> memref<2000xi32, #tpu.memory_space<vmem>>
    %dma_start3A_110 = arith.constant 0 : i32
    %dma_start3A_111 = tpu.memref_slice %arg5[%dma_start3A_110] : memref<10240xf32, #tpu.memory_space<vmem_shared>> -> memref<10240xf32, #tpu.memory_space<vmem_shared>>
    tpu.enqueue_indirect_dma source(%arg9 : memref<2000xf32, #tpu.memory_space<vmem>>) target(%dma_start3A_111 : memref<10240xf32, #tpu.memory_space<vmem_shared>>) offsets(%dma_start3A_109 : memref<2000xi32, #tpu.memory_space<vmem>>) semaphore(%arg21 : memref<!tpu.dma_semaphore, #tpu.memory_space<semaphore_mem>>) {add = true}
    %dma_start3A_112 = arith.constant 3 : i32
    %dma_start3A_113 = arith.constant 0 : i32
    %dma_start3A_114 = arith.constant 0 : i32
    %dma_start3A_115 = tpu.memref_slice %arg11[%dma_start3A_112, %dma_start3A_113, %dma_start3A_114] : memref<10x1x2000xi32, #tpu.memory_space<vmem>> -> memref<1x1x2000xi32, #tpu.memory_space<vmem>>
    %dma_start3A_116 = tpu.memref_squeeze %dma_start3A_115 : memref<1x1x2000xi32, #tpu.memory_space<vmem>> -> memref<2000xi32, #tpu.memory_space<vmem>>
    %dma_start3A_117 = arith.constant 0 : i32
    %dma_start3A_118 = tpu.memref_slice %arg5[%dma_start3A_117] : memref<10240xf32, #tpu.memory_space<vmem_shared>> -> memref<10240xf32, #tpu.memory_space<vmem_shared>>
    tpu.enqueue_indirect_dma source(%arg9 : memref<2000xf32, #tpu.memory_space<vmem>>) target(%dma_start3A_118 : memref<10240xf32, #tpu.memory_space<vmem_shared>>) offsets(%dma_start3A_116 : memref<2000xi32, #tpu.memory_space<vmem>>) semaphore(%arg21 : memref<!tpu.dma_semaphore, #tpu.memory_space<semaphore_mem>>) {add = true}
    %dma_start3A_119 = arith.constant 4 : i32
    %dma_start3A_120 = arith.constant 0 : i32
    %dma_start3A_121 = arith.constant 0 : i32
    %dma_start3A_122 = tpu.memref_slice %arg11[%dma_start3A_119, %dma_start3A_120, %dma_start3A_121] : memref<10x1x2000xi32, #tpu.memory_space<vmem>> -> memref<1x1x2000xi32, #tpu.memory_space<vmem>>
    %dma_start3A_123 = tpu.memref_squeeze %dma_start3A_122 : memref<1x1x2000xi32, #tpu.memory_space<vmem>> -> memref<2000xi32, #tpu.memory_space<vmem>>
    %dma_start3A_124 = arith.constant 0 : i32
    %dma_start3A_125 = tpu.memref_slice %arg5[%dma_start3A_124] : memref<10240xf32, #tpu.memory_space<vmem_shared>> -> memref<10240xf32, #tpu.memory_space<vmem_shared>>
    tpu.enqueue_indirect_dma source(%arg9 : memref<2000xf32, #tpu.memory_space<vmem>>) target(%dma_start3A_125 : memref<10240xf32, #tpu.memory_space<vmem_shared>>) offsets(%dma_start3A_123 : memref<2000xi32, #tpu.memory_space<vmem>>) semaphore(%arg21 : memref<!tpu.dma_semaphore, #tpu.memory_space<semaphore_mem>>) {add = true}
    %dma_start3A_126 = arith.constant 5 : i32
    %dma_start3A_127 = arith.constant 0 : i32
    %dma_start3A_128 = arith.constant 0 : i32
    %dma_start3A_129 = tpu.memref_slice %arg11[%dma_start3A_126, %dma_start3A_127, %dma_start3A_128] : memref<10x1x2000xi32, #tpu.memory_space<vmem>> -> memref<1x1x2000xi32, #tpu.memory_space<vmem>>
    %dma_start3A_130 = tpu.memref_squeeze %dma_start3A_129 : memref<1x1x2000xi32, #tpu.memory_space<vmem>> -> memref<2000xi32, #tpu.memory_space<vmem>>
    %dma_start3A_131 = arith.constant 0 : i32
    %dma_start3A_132 = tpu.memref_slice %arg5[%dma_start3A_131] : memref<10240xf32, #tpu.memory_space<vmem_shared>> -> memref<10240xf32, #tpu.memory_space<vmem_shared>>
    tpu.enqueue_indirect_dma source(%arg9 : memref<2000xf32, #tpu.memory_space<vmem>>) target(%dma_start3A_132 : memref<10240xf32, #tpu.memory_space<vmem_shared>>) offsets(%dma_start3A_130 : memref<2000xi32, #tpu.memory_space<vmem>>) semaphore(%arg21 : memref<!tpu.dma_semaphore, #tpu.memory_space<semaphore_mem>>) {add = true}
    %dma_start3A_133 = arith.constant 6 : i32
    %dma_start3A_134 = arith.constant 0 : i32
    %dma_start3A_135 = arith.constant 0 : i32
    %dma_start3A_136 = tpu.memref_slice %arg11[%dma_start3A_133, %dma_start3A_134, %dma_start3A_135] : memref<10x1x2000xi32, #tpu.memory_space<vmem>> -> memref<1x1x2000xi32, #tpu.memory_space<vmem>>
    %dma_start3A_137 = tpu.memref_squeeze %dma_start3A_136 : memref<1x1x2000xi32, #tpu.memory_space<vmem>> -> memref<2000xi32, #tpu.memory_space<vmem>>
    %dma_start3A_138 = arith.constant 0 : i32
    %dma_start3A_139 = tpu.memref_slice %arg5[%dma_start3A_138] : memref<10240xf32, #tpu.memory_space<vmem_shared>> -> memref<10240xf32, #tpu.memory_space<vmem_shared>>
    tpu.enqueue_indirect_dma source(%arg9 : memref<2000xf32, #tpu.memory_space<vmem>>) target(%dma_start3A_139 : memref<10240xf32, #tpu.memory_space<vmem_shared>>) offsets(%dma_start3A_137 : memref<2000xi32, #tpu.memory_space<vmem>>) semaphore(%arg21 : memref<!tpu.dma_semaphore, #tpu.memory_space<semaphore_mem>>) {add = true}
    %dma_start3A_140 = arith.constant 7 : i32
    %dma_start3A_141 = arith.constant 0 : i32
    %dma_start3A_142 = arith.constant 0 : i32
    %dma_start3A_143 = tpu.memref_slice %arg11[%dma_start3A_140, %dma_start3A_141, %dma_start3A_142] : memref<10x1x2000xi32, #tpu.memory_space<vmem>> -> memref<1x1x2000xi32, #tpu.memory_space<vmem>>
    %dma_start3A_144 = tpu.memref_squeeze %dma_start3A_143 : memref<1x1x2000xi32, #tpu.memory_space<vmem>> -> memref<2000xi32, #tpu.memory_space<vmem>>
    %dma_start3A_145 = arith.constant 0 : i32
    %dma_start3A_146 = tpu.memref_slice %arg5[%dma_start3A_145] : memref<10240xf32, #tpu.memory_space<vmem_shared>> -> memref<10240xf32, #tpu.memory_space<vmem_shared>>
    tpu.enqueue_indirect_dma source(%arg9 : memref<2000xf32, #tpu.memory_space<vmem>>) target(%dma_start3A_146 : memref<10240xf32, #tpu.memory_space<vmem_shared>>) offsets(%dma_start3A_144 : memref<2000xi32, #tpu.memory_space<vmem>>) semaphore(%arg21 : memref<!tpu.dma_semaphore, #tpu.memory_space<semaphore_mem>>) {add = true}
    %dma_start3A_147 = arith.constant 8 : i32
    %dma_start3A_148 = arith.constant 0 : i32
    %dma_start3A_149 = arith.constant 0 : i32
    %dma_start3A_150 = tpu.memref_slice %arg11[%dma_start3A_147, %dma_start3A_148, %dma_start3A_149] : memref<10x1x2000xi32, #tpu.memory_space<vmem>> -> memref<1x1x2000xi32, #tpu.memory_space<vmem>>
    %dma_start3A_151 = tpu.memref_squeeze %dma_start3A_150 : memref<1x1x2000xi32, #tpu.memory_space<vmem>> -> memref<2000xi32, #tpu.memory_space<vmem>>
    %dma_start3A_152 = arith.constant 0 : i32
    %dma_start3A_153 = tpu.memref_slice %arg5[%dma_start3A_152] : memref<10240xf32, #tpu.memory_space<vmem_shared>> -> memref<10240xf32, #tpu.memory_space<vmem_shared>>
    tpu.enqueue_indirect_dma source(%arg9 : memref<2000xf32, #tpu.memory_space<vmem>>) target(%dma_start3A_153 : memref<10240xf32, #tpu.memory_space<vmem_shared>>) offsets(%dma_start3A_151 : memref<2000xi32, #tpu.memory_space<vmem>>) semaphore(%arg21 : memref<!tpu.dma_semaphore, #tpu.memory_space<semaphore_mem>>) {add = true}
    %dma_start3A_154 = arith.constant 9 : i32
    %dma_start3A_155 = arith.constant 0 : i32
    %dma_start3A_156 = arith.constant 0 : i32
    %dma_start3A_157 = tpu.memref_slice %arg11[%dma_start3A_154, %dma_start3A_155, %dma_start3A_156] : memref<10x1x2000xi32, #tpu.memory_space<vmem>> -> memref<1x1x2000xi32, #tpu.memory_space<vmem>>
    %dma_start3A_158 = tpu.memref_squeeze %dma_start3A_157 : memref<1x1x2000xi32, #tpu.memory_space<vmem>> -> memref<2000xi32, #tpu.memory_space<vmem>>
    %dma_start3A_159 = arith.constant 0 : i32
    %dma_start3A_160 = tpu.memref_slice %arg5[%dma_start3A_159] : memref<10240xf32, #tpu.memory_space<vmem_shared>> -> memref<10240xf32, #tpu.memory_space<vmem_shared>>
    tpu.enqueue_indirect_dma source(%arg9 : memref<2000xf32, #tpu.memory_space<vmem>>) target(%dma_start3A_160 : memref<10240xf32, #tpu.memory_space<vmem_shared>>) offsets(%dma_start3A_158 : memref<2000xi32, #tpu.memory_space<vmem>>) semaphore(%arg21 : memref<!tpu.dma_semaphore, #tpu.memory_space<semaphore_mem>>) {add = true}
    %dma_start3A_161 = arith.constant 0 : i32
    %dma_start3A_162 = arith.constant 0 : i32
    %dma_start3A_163 = tpu.memref_slice %arg10[%dma_start3A_161, %dma_start3A_162] : memref<2x20096xi32, #tpu.memory_space<vmem>> -> memref<2x10112xi32, #tpu.memory_space<vmem>>
    %dma_start3A_164 = arith.constant 0 : i32
    %dma_start3A_165 = tpu.memref_slice %arg2[%dma_start3A_164, %mul3A_51] : memref<2x320000xi32, #tpu.memory_space<hbm>> -> memref<2x10112xi32, #tpu.memory_space<hbm>>
    %dma_start3A_166 = arith.constant 0 : i32
    %dma_start3A_167 = arith.constant 0 : i32
    %dma_start3A_168 = tpu.memref_slice %arg10[%dma_start3A_166, %dma_start3A_167] : memref<2x20096xi32, #tpu.memory_space<vmem>> -> memref<2x10112xi32, #tpu.memory_space<vmem>>
    %dma_start3A_169 = arith.constant 0 : i32
    %dma_start3A_170 = tpu.memref_slice %arg2[%dma_start3A_169, %mul3A_51] : memref<2x320000xi32, #tpu.memory_space<hbm>> -> memref<2x10112xi32, #tpu.memory_space<hbm>>
    tpu.enqueue_dma source(%dma_start3A_170 : memref<2x10112xi32, #tpu.memory_space<hbm>>) target(%dma_start3A_168 : memref<2x10112xi32, #tpu.memory_space<vmem>>) target_semaphore(%arg19 : memref<!tpu.dma_semaphore, #tpu.memory_space<semaphore_mem>>)
    tpu.wait_dma2 semaphore(%arg19 : memref<!tpu.dma_semaphore, #tpu.memory_space<semaphore_mem>>) src(%arg3 : memref<10000xi32, #tpu.memory_space<hbm>>) dst(%arg12 : memref<10000xi32, #tpu.memory_space<vmem>>)
    %dma_wait3A_171 = arith.constant 0 : i32
    %dma_wait3A_172 = arith.constant 0 : i32
    %dma_wait3A_173 = tpu.memref_slice %arg10[%dma_wait3A_171, %dma_wait3A_172] : memref<2x20096xi32, #tpu.memory_space<vmem>> -> memref<2x10112xi32, #tpu.memory_space<vmem>>
    %dma_wait3A_174 = arith.constant 0 : i32
    %dma_wait3A_175 = tpu.memref_slice %arg2[%dma_wait3A_174, %mul3A_51] : memref<2x320000xi32, #tpu.memory_space<hbm>> -> memref<2x10112xi32, #tpu.memory_space<hbm>>
    %dma_wait3A_176 = arith.constant 0 : i32
    %dma_wait3A_177 = arith.constant 0 : i32
    %dma_wait3A_178 = tpu.memref_slice %arg10[%dma_wait3A_176, %dma_wait3A_177] : memref<2x20096xi32, #tpu.memory_space<vmem>> -> memref<2x10112xi32, #tpu.memory_space<vmem>>
    %dma_wait3A_179 = arith.constant 0 : i32
    %dma_wait3A_180 = tpu.memref_slice %arg2[%dma_wait3A_179, %mul3A_51] : memref<2x320000xi32, #tpu.memory_space<hbm>> -> memref<2x10112xi32, #tpu.memory_space<hbm>>
    tpu.wait_dma2 semaphore(%arg19 : memref<!tpu.dma_semaphore, #tpu.memory_space<semaphore_mem>>) src(%dma_wait3A_180 : memref<2x10112xi32, #tpu.memory_space<hbm>>) dst(%dma_wait3A_178 : memref<2x10112xi32, #tpu.memory_space<vmem>>)
    %parallel_loop3A_181 = arith.constant 0 : i32
    %parallel_loop3A_182 = arith.constant 125 : i32
    %parallel_loop3A_183 = arith.constant 1 : i32
    scf.for %parallel_loop3A_424 = %parallel_loop3A_181 to %parallel_loop3A_182 step %parallel_loop3A_183  : i32 {
      %parallel_loop3A_425 = arith.constant 0 : i32
      %parallel_loop3A_426 = arith.addi %sub3A_54, %parallel_loop3A_425 : i32
      %parallel_loop3A_427 = arith.constant 16 : i32
      %parallel_loop3A_428 = arith.muli %parallel_loop3A_424, %parallel_loop3A_427 : i32
      %parallel_loop3A_429 = arith.addi %parallel_loop3A_426, %parallel_loop3A_428 : i32
      %parallel_loop3A_430 = arith.constant 0 : i32
      %parallel_loop3A_431 = arith.index_cast %parallel_loop3A_430 : i32 to index
      %parallel_loop3A_432 = arith.index_cast %parallel_loop3A_429 : i32 to index
      %parallel_loop3A_433 = tpu.vector_load %arg10[%parallel_loop3A_431, %parallel_loop3A_432] {strides = array<i32>} : memref<2x20096xi32, #tpu.memory_space<vmem>>, vector<16xi32>,
      %parallel_loop3A_434 = arith.constant 1 : i32
      %parallel_loop3A_435 = arith.index_cast %parallel_loop3A_434 : i32 to index
      %parallel_loop3A_436 = arith.index_cast %parallel_loop3A_429 : i32 to index
      %parallel_loop3A_437 = tpu.vector_load %arg10[%parallel_loop3A_435, %parallel_loop3A_436] {strides = array<i32>} : memref<2x20096xi32, #tpu.memory_space<vmem>>, vector<16xi32>,
      %parallel_loop3A_438 = tpu.vector_load_idx %arg12[%parallel_loop3A_437] : memref<10000xi32, #tpu.memory_space<vmem>>[vector<16xi32>], vector<16xi32>,
      %parallel_loop3A_439 = arith.constant 10000 : i32
      %parallel_loop3A_440 = vector.broadcast %parallel_loop3A_439 : i32 to vector<16xi32>
      %parallel_loop3A_441 = arith.muli %parallel_loop3A_438, %parallel_loop3A_440 : vector<16xi32>
      %parallel_loop3A_442 = arith.addi %parallel_loop3A_441, %parallel_loop3A_433 : vector<16xi32>
      %parallel_loop3A_443 = arith.constant 16 : i32
      %parallel_loop3A_444 = arith.muli %parallel_loop3A_424, %parallel_loop3A_443 : i32
      %parallel_loop3A_445 = arith.constant 0 : i32
      %parallel_loop3A_446 = arith.constant 0 : i32
      %parallel_loop3A_447 = arith.index_cast %parallel_loop3A_445 : i32 to index
      %parallel_loop3A_448 = arith.index_cast %parallel_loop3A_446 : i32 to index
      %parallel_loop3A_449 = arith.index_cast %parallel_loop3A_444 : i32 to index
      %parallel_loop3A_450 = tpu.vector_load %arg15[%parallel_loop3A_447, %parallel_loop3A_448, %parallel_loop3A_449] {strides = array<i32>} : memref<5x1x2000xi32, #tpu.memory_space<vmem>>, vector<16xi32>,
      tpu.vector_store %arg15[%parallel_loop3A_447, %parallel_loop3A_448, %parallel_loop3A_449], %parallel_loop3A_442 {strides = array<i32>} : memref<5x1x2000xi32, #tpu.memory_space<vmem>>, vector<16xi32>,
    } {sc.loop_unroll_factor = 4 : i64, sc.parallel_access}
    %parallel_loop3A_184 = arith.constant 0 : i32
    %parallel_loop3A_185 = arith.constant 125 : i32
    %parallel_loop3A_186 = arith.constant 1 : i32
    scf.for %parallel_loop3A_424 = %parallel_loop3A_184 to %parallel_loop3A_185 step %parallel_loop3A_186  : i32 {
      %parallel_loop3A_425 = arith.constant 2000 : i32
      %parallel_loop3A_426 = arith.addi %sub3A_54, %parallel_loop3A_425 : i32
      %parallel_loop3A_427 = arith.constant 16 : i32
      %parallel_loop3A_428 = arith.muli %parallel_loop3A_424, %parallel_loop3A_427 : i32
      %parallel_loop3A_429 = arith.addi %parallel_loop3A_426, %parallel_loop3A_428 : i32
      %parallel_loop3A_430 = arith.constant 0 : i32
      %parallel_loop3A_431 = arith.index_cast %parallel_loop3A_430 : i32 to index
      %parallel_loop3A_432 = arith.index_cast %parallel_loop3A_429 : i32 to index
      %parallel_loop3A_433 = tpu.vector_load %arg10[%parallel_loop3A_431, %parallel_loop3A_432] {strides = array<i32>} : memref<2x20096xi32, #tpu.memory_space<vmem>>, vector<16xi32>,
      %parallel_loop3A_434 = arith.constant 1 : i32
      %parallel_loop3A_435 = arith.index_cast %parallel_loop3A_434 : i32 to index
      %parallel_loop3A_436 = arith.index_cast %parallel_loop3A_429 : i32 to index
      %parallel_loop3A_437 = tpu.vector_load %arg10[%parallel_loop3A_435, %parallel_loop3A_436] {strides = array<i32>} : memref<2x20096xi32, #tpu.memory_space<vmem>>, vector<16xi32>,
      %parallel_loop3A_438 = tpu.vector_load_idx %arg12[%parallel_loop3A_437] : memref<10000xi32, #tpu.memory_space<vmem>>[vector<16xi32>], vector<16xi32>,
      %parallel_loop3A_439 = arith.constant 10000 : i32
      %parallel_loop3A_440 = vector.broadcast %parallel_loop3A_439 : i32 to vector<16xi32>
      %parallel_loop3A_441 = arith.muli %parallel_loop3A_438, %parallel_loop3A_440 : vector<16xi32>
      %parallel_loop3A_442 = arith.addi %parallel_loop3A_441, %parallel_loop3A_433 : vector<16xi32>
      %parallel_loop3A_443 = arith.constant 16 : i32
      %parallel_loop3A_444 = arith.muli %parallel_loop3A_424, %parallel_loop3A_443 : i32
      %parallel_loop3A_445 = arith.constant 1 : i32
      %parallel_loop3A_446 = arith.constant 0 : i32
      %parallel_loop3A_447 = arith.index_cast %parallel_loop3A_445 : i32 to index
      %parallel_loop3A_448 = arith.index_cast %parallel_loop3A_446 : i32 to index
      %parallel_loop3A_449 = arith.index_cast %parallel_loop3A_444 : i32 to index
      %parallel_loop3A_450 = tpu.vector_load %arg15[%parallel_loop3A_447, %parallel_loop3A_448, %parallel_loop3A_449] {strides = array<i32>} : memref<5x1x2000xi32, #tpu.memory_space<vmem>>, vector<16xi32>,
      tpu.vector_store %arg15[%parallel_loop3A_447, %parallel_loop3A_448, %parallel_loop3A_449], %parallel_loop3A_442 {strides = array<i32>} : memref<5x1x2000xi32, #tpu.memory_space<vmem>>, vector<16xi32>,
    } {sc.loop_unroll_factor = 4 : i64, sc.parallel_access}
    %parallel_loop3A_187 = arith.constant 0 : i32
    %parallel_loop3A_188 = arith.constant 125 : i32
    %parallel_loop3A_189 = arith.constant 1 : i32
    scf.for %parallel_loop3A_424 = %parallel_loop3A_187 to %parallel_loop3A_188 step %parallel_loop3A_189  : i32 {
      %parallel_loop3A_425 = arith.constant 4000 : i32
      %parallel_loop3A_426 = arith.addi %sub3A_54, %parallel_loop3A_425 : i32
      %parallel_loop3A_427 = arith.constant 16 : i32
      %parallel_loop3A_428 = arith.muli %parallel_loop3A_424, %parallel_loop3A_427 : i32
      %parallel_loop3A_429 = arith.addi %parallel_loop3A_426, %parallel_loop3A_428 : i32
      %parallel_loop3A_430 = arith.constant 0 : i32
      %parallel_loop3A_431 = arith.index_cast %parallel_loop3A_430 : i32 to index
      %parallel_loop3A_432 = arith.index_cast %parallel_loop3A_429 : i32 to index
      %parallel_loop3A_433 = tpu.vector_load %arg10[%parallel_loop3A_431, %parallel_loop3A_432] {strides = array<i32>} : memref<2x20096xi32, #tpu.memory_space<vmem>>, vector<16xi32>,
      %parallel_loop3A_434 = arith.constant 1 : i32
      %parallel_loop3A_435 = arith.index_cast %parallel_loop3A_434 : i32 to index
      %parallel_loop3A_436 = arith.index_cast %parallel_loop3A_429 : i32 to index
      %parallel_loop3A_437 = tpu.vector_load %arg10[%parallel_loop3A_435, %parallel_loop3A_436] {strides = array<i32>} : memref<2x20096xi32, #tpu.memory_space<vmem>>, vector<16xi32>,
      %parallel_loop3A_438 = tpu.vector_load_idx %arg12[%parallel_loop3A_437] : memref<10000xi32, #tpu.memory_space<vmem>>[vector<16xi32>], vector<16xi32>,
      %parallel_loop3A_439 = arith.constant 10000 : i32
      %parallel_loop3A_440 = vector.broadcast %parallel_loop3A_439 : i32 to vector<16xi32>
      %parallel_loop3A_441 = arith.muli %parallel_loop3A_438, %parallel_loop3A_440 : vector<16xi32>
      %parallel_loop3A_442 = arith.addi %parallel_loop3A_441, %parallel_loop3A_433 : vector<16xi32>
      %parallel_loop3A_443 = arith.constant 16 : i32
      %parallel_loop3A_444 = arith.muli %parallel_loop3A_424, %parallel_loop3A_443 : i32
      %parallel_loop3A_445 = arith.constant 2 : i32
      %parallel_loop3A_446 = arith.constant 0 : i32
      %parallel_loop3A_447 = arith.index_cast %parallel_loop3A_445 : i32 to index
      %parallel_loop3A_448 = arith.index_cast %parallel_loop3A_446 : i32 to index
      %parallel_loop3A_449 = arith.index_cast %parallel_loop3A_444 : i32 to index
      %parallel_loop3A_450 = tpu.vector_load %arg15[%parallel_loop3A_447, %parallel_loop3A_448, %parallel_loop3A_449] {strides = array<i32>} : memref<5x1x2000xi32, #tpu.memory_space<vmem>>, vector<16xi32>,
      tpu.vector_store %arg15[%parallel_loop3A_447, %parallel_loop3A_448, %parallel_loop3A_449], %parallel_loop3A_442 {strides = array<i32>} : memref<5x1x2000xi32, #tpu.memory_space<vmem>>, vector<16xi32>,
    } {sc.loop_unroll_factor = 4 : i64, sc.parallel_access}
    %parallel_loop3A_190 = arith.constant 0 : i32
    %parallel_loop3A_191 = arith.constant 125 : i32
    %parallel_loop3A_192 = arith.constant 1 : i32
    scf.for %parallel_loop3A_424 = %parallel_loop3A_190 to %parallel_loop3A_191 step %parallel_loop3A_192  : i32 {
      %parallel_loop3A_425 = arith.constant 6000 : i32
      %parallel_loop3A_426 = arith.addi %sub3A_54, %parallel_loop3A_425 : i32
      %parallel_loop3A_427 = arith.constant 16 : i32
      %parallel_loop3A_428 = arith.muli %parallel_loop3A_424, %parallel_loop3A_427 : i32
      %parallel_loop3A_429 = arith.addi %parallel_loop3A_426, %parallel_loop3A_428 : i32
      %parallel_loop3A_430 = arith.constant 0 : i32
      %parallel_loop3A_431 = arith.index_cast %parallel_loop3A_430 : i32 to index
      %parallel_loop3A_432 = arith.index_cast %parallel_loop3A_429 : i32 to index
      %parallel_loop3A_433 = tpu.vector_load %arg10[%parallel_loop3A_431, %parallel_loop3A_432] {strides = array<i32>} : memref<2x20096xi32, #tpu.memory_space<vmem>>, vector<16xi32>,
      %parallel_loop3A_434 = arith.constant 1 : i32
      %parallel_loop3A_435 = arith.index_cast %parallel_loop3A_434 : i32 to index
      %parallel_loop3A_436 = arith.index_cast %parallel_loop3A_429 : i32 to index
      %parallel_loop3A_437 = tpu.vector_load %arg10[%parallel_loop3A_435, %parallel_loop3A_436] {strides = array<i32>} : memref<2x20096xi32, #tpu.memory_space<vmem>>, vector<16xi32>,
      %parallel_loop3A_438 = tpu.vector_load_idx %arg12[%parallel_loop3A_437] : memref<10000xi32, #tpu.memory_space<vmem>>[vector<16xi32>], vector<16xi32>,
      %parallel_loop3A_439 = arith.constant 10000 : i32
      %parallel_loop3A_440 = vector.broadcast %parallel_loop3A_439 : i32 to vector<16xi32>
      %parallel_loop3A_441 = arith.muli %parallel_loop3A_438, %parallel_loop3A_440 : vector<16xi32>
      %parallel_loop3A_442 = arith.addi %parallel_loop3A_441, %parallel_loop3A_433 : vector<16xi32>
      %parallel_loop3A_443 = arith.constant 16 : i32
      %parallel_loop3A_444 = arith.muli %parallel_loop3A_424, %parallel_loop3A_443 : i32
      %parallel_loop3A_445 = arith.constant 3 : i32
      %parallel_loop3A_446 = arith.constant 0 : i32
      %parallel_loop3A_447 = arith.index_cast %parallel_loop3A_445 : i32 to index
      %parallel_loop3A_448 = arith.index_cast %parallel_loop3A_446 : i32 to index
      %parallel_loop3A_449 = arith.index_cast %parallel_loop3A_444 : i32 to index
      %parallel_loop3A_450 = tpu.vector_load %arg15[%parallel_loop3A_447, %parallel_loop3A_448, %parallel_loop3A_449] {strides = array<i32>} : memref<5x1x2000xi32, #tpu.memory_space<vmem>>, vector<16xi32>,
      tpu.vector_store %arg15[%parallel_loop3A_447, %parallel_loop3A_448, %parallel_loop3A_449], %parallel_loop3A_442 {strides = array<i32>} : memref<5x1x2000xi32, #tpu.memory_space<vmem>>, vector<16xi32>,
    } {sc.loop_unroll_factor = 4 : i64, sc.parallel_access}
    %parallel_loop3A_193 = arith.constant 0 : i32
    %parallel_loop3A_194 = arith.constant 125 : i32
    %parallel_loop3A_195 = arith.constant 1 : i32
    scf.for %parallel_loop3A_424 = %parallel_loop3A_193 to %parallel_loop3A_194 step %parallel_loop3A_195  : i32 {
      %parallel_loop3A_425 = arith.constant 8000 : i32
      %parallel_loop3A_426 = arith.addi %sub3A_54, %parallel_loop3A_425 : i32
      %parallel_loop3A_427 = arith.constant 16 : i32
      %parallel_loop3A_428 = arith.muli %parallel_loop3A_424, %parallel_loop3A_427 : i32
      %parallel_loop3A_429 = arith.addi %parallel_loop3A_426, %parallel_loop3A_428 : i32
      %parallel_loop3A_430 = arith.constant 0 : i32
      %parallel_loop3A_431 = arith.index_cast %parallel_loop3A_430 : i32 to index
      %parallel_loop3A_432 = arith.index_cast %parallel_loop3A_429 : i32 to index
      %parallel_loop3A_433 = tpu.vector_load %arg10[%parallel_loop3A_431, %parallel_loop3A_432] {strides = array<i32>} : memref<2x20096xi32, #tpu.memory_space<vmem>>, vector<16xi32>,
      %parallel_loop3A_434 = arith.constant 1 : i32
      %parallel_loop3A_435 = arith.index_cast %parallel_loop3A_434 : i32 to index
      %parallel_loop3A_436 = arith.index_cast %parallel_loop3A_429 : i32 to index
      %parallel_loop3A_437 = tpu.vector_load %arg10[%parallel_loop3A_435, %parallel_loop3A_436] {strides = array<i32>} : memref<2x20096xi32, #tpu.memory_space<vmem>>, vector<16xi32>,
      %parallel_loop3A_438 = tpu.vector_load_idx %arg12[%parallel_loop3A_437] : memref<10000xi32, #tpu.memory_space<vmem>>[vector<16xi32>], vector<16xi32>,
      %parallel_loop3A_439 = arith.constant 10000 : i32
      %parallel_loop3A_440 = vector.broadcast %parallel_loop3A_439 : i32 to vector<16xi32>
      %parallel_loop3A_441 = arith.muli %parallel_loop3A_438, %parallel_loop3A_440 : vector<16xi32>
      %parallel_loop3A_442 = arith.addi %parallel_loop3A_441, %parallel_loop3A_433 : vector<16xi32>
      %parallel_loop3A_443 = arith.constant 16 : i32
      %parallel_loop3A_444 = arith.muli %parallel_loop3A_424, %parallel_loop3A_443 : i32
      %parallel_loop3A_445 = arith.constant 4 : i32
      %parallel_loop3A_446 = arith.constant 0 : i32
      %parallel_loop3A_447 = arith.index_cast %parallel_loop3A_445 : i32 to index
      %parallel_loop3A_448 = arith.index_cast %parallel_loop3A_446 : i32 to index
      %parallel_loop3A_449 = arith.index_cast %parallel_loop3A_444 : i32 to index
      %parallel_loop3A_450 = tpu.vector_load %arg15[%parallel_loop3A_447, %parallel_loop3A_448, %parallel_loop3A_449] {strides = array<i32>} : memref<5x1x2000xi32, #tpu.memory_space<vmem>>, vector<16xi32>,
      tpu.vector_store %arg15[%parallel_loop3A_447, %parallel_loop3A_448, %parallel_loop3A_449], %parallel_loop3A_442 {strides = array<i32>} : memref<5x1x2000xi32, #tpu.memory_space<vmem>>, vector<16xi32>,
    } {sc.loop_unroll_factor = 4 : i64, sc.parallel_access}
    %eq3A = arith.constant 0 : i32
    %eq3A_196 = arith.cmpi eq, %arg0, %eq3A : i32
    %convert_element_type3A = arith.extui %eq3A_196 : i1 to i32
    %cond3A = arith.constant 0 : i32
    %cond3A_197 = arith.cmpi ne, %convert_element_type3A, %cond3A : i32
    scf.if %cond3A_197 {
      %parallel_loop3A_424 = arith.constant 0 : i32
      %parallel_loop3A_425 = arith.constant 40 : i32
      %parallel_loop3A_426 = arith.constant 1 : i32
      scf.for %parallel_loop3A_427 = %parallel_loop3A_424 to %parallel_loop3A_425 step %parallel_loop3A_426  : i32 {
        %parallel_loop3A_428 = arith.constant 16 : i32
        %parallel_loop3A_429 = arith.muli %parallel_loop3A_427, %parallel_loop3A_428 : i32
        %parallel_loop3A_430 = arith.constant 640 : i32
        %parallel_loop3A_431 = arith.muli %arg1, %parallel_loop3A_430 : i32
        %parallel_loop3A_432 = arith.constant 16 : i32
        %parallel_loop3A_433 = arith.muli %parallel_loop3A_427, %parallel_loop3A_432 : i32
        %parallel_loop3A_434 = arith.addi %parallel_loop3A_431, %parallel_loop3A_433 : i32
        %parallel_loop3A_435 = tpu.iota {dimensions = array<i32: 0>} : vector<16xi32>
        %parallel_loop3A_436 = vector.broadcast %parallel_loop3A_434 : i32 to vector<16xi32>
        %parallel_loop3A_437 = arith.addi %parallel_loop3A_436, %parallel_loop3A_435 : vector<16xi32>
        %parallel_loop3A_438 = arith.constant 10000 : i32
        %parallel_loop3A_439 = vector.broadcast %parallel_loop3A_438 : i32 to vector<16xi32>
        %parallel_loop3A_440 = arith.cmpi slt, %parallel_loop3A_437, %parallel_loop3A_439 : vector<16xi32>
        %parallel_loop3A_441 = arith.constant 9999 : i32
        %parallel_loop3A_442 = vector.broadcast %parallel_loop3A_441 : i32 to vector<16xi32>
        %parallel_loop3A_443 = arith.minsi %parallel_loop3A_437, %parallel_loop3A_442 : vector<16xi32>
        %parallel_loop3A_444 = tpu.vector_load_idx %arg12[%parallel_loop3A_443] : memref<10000xi32, #tpu.memory_space<vmem>>[vector<16xi32>], vector<16xi32>,
        %parallel_loop3A_445 = arith.constant 10000 : i32
        %parallel_loop3A_446 = vector.broadcast %parallel_loop3A_445 : i32 to vector<16xi32>
        %parallel_loop3A_447 = arith.muli %parallel_loop3A_444, %parallel_loop3A_446 : vector<16xi32>
        %parallel_loop3A_448 = arith.addi %parallel_loop3A_447, %parallel_loop3A_443 : vector<16xi32>
        %parallel_loop3A_449 = arith.constant 0 : i32
        %parallel_loop3A_450 = vector.broadcast %parallel_loop3A_449 : i32 to vector<16xi32>
        %parallel_loop3A_451 = arith.select %parallel_loop3A_440, %parallel_loop3A_448, %parallel_loop3A_450 : vector<16xi1>, vector<16xi32>
        %parallel_loop3A_452 = arith.constant 0 : i32
        %parallel_loop3A_453 = arith.constant 0 : i32
        %parallel_loop3A_454 = arith.index_cast %parallel_loop3A_452 : i32 to index
        %parallel_loop3A_455 = arith.index_cast %parallel_loop3A_453 : i32 to index
        %parallel_loop3A_456 = arith.index_cast %parallel_loop3A_429 : i32 to index
        %parallel_loop3A_457 = tpu.vector_load %arg17[%parallel_loop3A_454, %parallel_loop3A_455, %parallel_loop3A_456] {strides = array<i32>} : memref<1x1x640xi32, #tpu.memory_space<vmem>>, vector<16xi32>,
        tpu.vector_store %arg17[%parallel_loop3A_454, %parallel_loop3A_455, %parallel_loop3A_456], %parallel_loop3A_451 {strides = array<i32>} : memref<1x1x640xi32, #tpu.memory_space<vmem>>, vector<16xi32>,
      } {sc.loop_unroll_factor = 4 : i64, sc.parallel_access}
    } else {
    }
    %dma_wait3A_198 = tpu.memref_slice %arg7[%mul3A_76] : memref<160000xf32, #tpu.memory_space<vmem_shared>> -> memref<10000xf32, #tpu.memory_space<vmem_shared>>
    %dma_wait3A_199 = tpu.memref_slice %arg7[%mul3A_76] : memref<160000xf32, #tpu.memory_space<vmem_shared>> -> memref<10000xf32, #tpu.memory_space<vmem_shared>>
    tpu.wait_dma2 semaphore(%arg23 : memref<!tpu.dma_semaphore, #tpu.memory_space<semaphore_mem>>) src(%arg8 : memref<10000xf32, #tpu.memory_space<vmem>>) dst(%dma_wait3A_199 : memref<10000xf32, #tpu.memory_space<vmem_shared>>)
    %dma_wait3A_200 = arith.constant 0 : i32
    %dma_wait3A_201 = arith.constant 0 : i32
    %dma_wait3A_202 = arith.constant 0 : i32
    %dma_wait3A_203 = tpu.memref_slice %arg11[%dma_wait3A_200, %dma_wait3A_201, %dma_wait3A_202] : memref<10x1x2000xi32, #tpu.memory_space<vmem>> -> memref<1x1x2000xi32, #tpu.memory_space<vmem>>
    %dma_wait3A_204 = tpu.memref_squeeze %dma_wait3A_203 : memref<1x1x2000xi32, #tpu.memory_space<vmem>> -> memref<2000xi32, #tpu.memory_space<vmem>>
    %dma_wait3A_205 = arith.constant 0 : i32
    %dma_wait3A_206 = tpu.memref_slice %arg5[%dma_wait3A_205] : memref<10240xf32, #tpu.memory_space<vmem_shared>> -> memref<10240xf32, #tpu.memory_space<vmem_shared>>
    tpu.wait_indirect_dma semaphore(%arg21 : memref<!tpu.dma_semaphore, #tpu.memory_space<semaphore_mem>>) src(%arg9 : memref<2000xf32, #tpu.memory_space<vmem>>) dst(%dma_wait3A_206 : memref<10240xf32, #tpu.memory_space<vmem_shared>>)
    %dma_wait3A_207 = arith.constant 1 : i32
    %dma_wait3A_208 = arith.constant 0 : i32
    %dma_wait3A_209 = arith.constant 0 : i32
    %dma_wait3A_210 = tpu.memref_slice %arg11[%dma_wait3A_207, %dma_wait3A_208, %dma_wait3A_209] : memref<10x1x2000xi32, #tpu.memory_space<vmem>> -> memref<1x1x2000xi32, #tpu.memory_space<vmem>>
    %dma_wait3A_211 = tpu.memref_squeeze %dma_wait3A_210 : memref<1x1x2000xi32, #tpu.memory_space<vmem>> -> memref<2000xi32, #tpu.memory_space<vmem>>
    %dma_wait3A_212 = arith.constant 0 : i32
    %dma_wait3A_213 = tpu.memref_slice %arg5[%dma_wait3A_212] : memref<10240xf32, #tpu.memory_space<vmem_shared>> -> memref<10240xf32, #tpu.memory_space<vmem_shared>>
    tpu.wait_indirect_dma semaphore(%arg21 : memref<!tpu.dma_semaphore, #tpu.memory_space<semaphore_mem>>) src(%arg9 : memref<2000xf32, #tpu.memory_space<vmem>>) dst(%dma_wait3A_213 : memref<10240xf32, #tpu.memory_space<vmem_shared>>)
    %dma_wait3A_214 = arith.constant 2 : i32
    %dma_wait3A_215 = arith.constant 0 : i32
    %dma_wait3A_216 = arith.constant 0 : i32
    %dma_wait3A_217 = tpu.memref_slice %arg11[%dma_wait3A_214, %dma_wait3A_215, %dma_wait3A_216] : memref<10x1x2000xi32, #tpu.memory_space<vmem>> -> memref<1x1x2000xi32, #tpu.memory_space<vmem>>
    %dma_wait3A_218 = tpu.memref_squeeze %dma_wait3A_217 : memref<1x1x2000xi32, #tpu.memory_space<vmem>> -> memref<2000xi32, #tpu.memory_space<vmem>>
    %dma_wait3A_219 = arith.constant 0 : i32
    %dma_wait3A_220 = tpu.memref_slice %arg5[%dma_wait3A_219] : memref<10240xf32, #tpu.memory_space<vmem_shared>> -> memref<10240xf32, #tpu.memory_space<vmem_shared>>
    tpu.wait_indirect_dma semaphore(%arg21 : memref<!tpu.dma_semaphore, #tpu.memory_space<semaphore_mem>>) src(%arg9 : memref<2000xf32, #tpu.memory_space<vmem>>) dst(%dma_wait3A_220 : memref<10240xf32, #tpu.memory_space<vmem_shared>>)
    %dma_wait3A_221 = arith.constant 3 : i32
    %dma_wait3A_222 = arith.constant 0 : i32
    %dma_wait3A_223 = arith.constant 0 : i32
    %dma_wait3A_224 = tpu.memref_slice %arg11[%dma_wait3A_221, %dma_wait3A_222, %dma_wait3A_223] : memref<10x1x2000xi32, #tpu.memory_space<vmem>> -> memref<1x1x2000xi32, #tpu.memory_space<vmem>>
    %dma_wait3A_225 = tpu.memref_squeeze %dma_wait3A_224 : memref<1x1x2000xi32, #tpu.memory_space<vmem>> -> memref<2000xi32, #tpu.memory_space<vmem>>
    %dma_wait3A_226 = arith.constant 0 : i32
    %dma_wait3A_227 = tpu.memref_slice %arg5[%dma_wait3A_226] : memref<10240xf32, #tpu.memory_space<vmem_shared>> -> memref<10240xf32, #tpu.memory_space<vmem_shared>>
    tpu.wait_indirect_dma semaphore(%arg21 : memref<!tpu.dma_semaphore, #tpu.memory_space<semaphore_mem>>) src(%arg9 : memref<2000xf32, #tpu.memory_space<vmem>>) dst(%dma_wait3A_227 : memref<10240xf32, #tpu.memory_space<vmem_shared>>)
    %dma_wait3A_228 = arith.constant 4 : i32
    %dma_wait3A_229 = arith.constant 0 : i32
    %dma_wait3A_230 = arith.constant 0 : i32
    %dma_wait3A_231 = tpu.memref_slice %arg11[%dma_wait3A_228, %dma_wait3A_229, %dma_wait3A_230] : memref<10x1x2000xi32, #tpu.memory_space<vmem>> -> memref<1x1x2000xi32, #tpu.memory_space<vmem>>
    %dma_wait3A_232 = tpu.memref_squeeze %dma_wait3A_231 : memref<1x1x2000xi32, #tpu.memory_space<vmem>> -> memref<2000xi32, #tpu.memory_space<vmem>>
    %dma_wait3A_233 = arith.constant 0 : i32
    %dma_wait3A_234 = tpu.memref_slice %arg5[%dma_wait3A_233] : memref<10240xf32, #tpu.memory_space<vmem_shared>> -> memref<10240xf32, #tpu.memory_space<vmem_shared>>
    tpu.wait_indirect_dma semaphore(%arg21 : memref<!tpu.dma_semaphore, #tpu.memory_space<semaphore_mem>>) src(%arg9 : memref<2000xf32, #tpu.memory_space<vmem>>) dst(%dma_wait3A_234 : memref<10240xf32, #tpu.memory_space<vmem_shared>>)
    %dma_wait3A_235 = arith.constant 5 : i32
    %dma_wait3A_236 = arith.constant 0 : i32
    %dma_wait3A_237 = arith.constant 0 : i32
    %dma_wait3A_238 = tpu.memref_slice %arg11[%dma_wait3A_235, %dma_wait3A_236, %dma_wait3A_237] : memref<10x1x2000xi32, #tpu.memory_space<vmem>> -> memref<1x1x2000xi32, #tpu.memory_space<vmem>>
    %dma_wait3A_239 = tpu.memref_squeeze %dma_wait3A_238 : memref<1x1x2000xi32, #tpu.memory_space<vmem>> -> memref<2000xi32, #tpu.memory_space<vmem>>
    %dma_wait3A_240 = arith.constant 0 : i32
    %dma_wait3A_241 = tpu.memref_slice %arg5[%dma_wait3A_240] : memref<10240xf32, #tpu.memory_space<vmem_shared>> -> memref<10240xf32, #tpu.memory_space<vmem_shared>>
    tpu.wait_indirect_dma semaphore(%arg21 : memref<!tpu.dma_semaphore, #tpu.memory_space<semaphore_mem>>) src(%arg9 : memref<2000xf32, #tpu.memory_space<vmem>>) dst(%dma_wait3A_241 : memref<10240xf32, #tpu.memory_space<vmem_shared>>)
    %dma_wait3A_242 = arith.constant 6 : i32
    %dma_wait3A_243 = arith.constant 0 : i32
    %dma_wait3A_244 = arith.constant 0 : i32
    %dma_wait3A_245 = tpu.memref_slice %arg11[%dma_wait3A_242, %dma_wait3A_243, %dma_wait3A_244] : memref<10x1x2000xi32, #tpu.memory_space<vmem>> -> memref<1x1x2000xi32, #tpu.memory_space<vmem>>
    %dma_wait3A_246 = tpu.memref_squeeze %dma_wait3A_245 : memref<1x1x2000xi32, #tpu.memory_space<vmem>> -> memref<2000xi32, #tpu.memory_space<vmem>>
    %dma_wait3A_247 = arith.constant 0 : i32
    %dma_wait3A_248 = tpu.memref_slice %arg5[%dma_wait3A_247] : memref<10240xf32, #tpu.memory_space<vmem_shared>> -> memref<10240xf32, #tpu.memory_space<vmem_shared>>
    tpu.wait_indirect_dma semaphore(%arg21 : memref<!tpu.dma_semaphore, #tpu.memory_space<semaphore_mem>>) src(%arg9 : memref<2000xf32, #tpu.memory_space<vmem>>) dst(%dma_wait3A_248 : memref<10240xf32, #tpu.memory_space<vmem_shared>>)
    %dma_wait3A_249 = arith.constant 7 : i32
    %dma_wait3A_250 = arith.constant 0 : i32
    %dma_wait3A_251 = arith.constant 0 : i32
    %dma_wait3A_252 = tpu.memref_slice %arg11[%dma_wait3A_249, %dma_wait3A_250, %dma_wait3A_251] : memref<10x1x2000xi32, #tpu.memory_space<vmem>> -> memref<1x1x2000xi32, #tpu.memory_space<vmem>>
    %dma_wait3A_253 = tpu.memref_squeeze %dma_wait3A_252 : memref<1x1x2000xi32, #tpu.memory_space<vmem>> -> memref<2000xi32, #tpu.memory_space<vmem>>
    %dma_wait3A_254 = arith.constant 0 : i32
    %dma_wait3A_255 = tpu.memref_slice %arg5[%dma_wait3A_254] : memref<10240xf32, #tpu.memory_space<vmem_shared>> -> memref<10240xf32, #tpu.memory_space<vmem_shared>>
    tpu.wait_indirect_dma semaphore(%arg21 : memref<!tpu.dma_semaphore, #tpu.memory_space<semaphore_mem>>) src(%arg9 : memref<2000xf32, #tpu.memory_space<vmem>>) dst(%dma_wait3A_255 : memref<10240xf32, #tpu.memory_space<vmem_shared>>)
    %dma_wait3A_256 = arith.constant 8 : i32
    %dma_wait3A_257 = arith.constant 0 : i32
    %dma_wait3A_258 = arith.constant 0 : i32
    %dma_wait3A_259 = tpu.memref_slice %arg11[%dma_wait3A_256, %dma_wait3A_257, %dma_wait3A_258] : memref<10x1x2000xi32, #tpu.memory_space<vmem>> -> memref<1x1x2000xi32, #tpu.memory_space<vmem>>
    %dma_wait3A_260 = tpu.memref_squeeze %dma_wait3A_259 : memref<1x1x2000xi32, #tpu.memory_space<vmem>> -> memref<2000xi32, #tpu.memory_space<vmem>>
    %dma_wait3A_261 = arith.constant 0 : i32
    %dma_wait3A_262 = tpu.memref_slice %arg5[%dma_wait3A_261] : memref<10240xf32, #tpu.memory_space<vmem_shared>> -> memref<10240xf32, #tpu.memory_space<vmem_shared>>
    tpu.wait_indirect_dma semaphore(%arg21 : memref<!tpu.dma_semaphore, #tpu.memory_space<semaphore_mem>>) src(%arg9 : memref<2000xf32, #tpu.memory_space<vmem>>) dst(%dma_wait3A_262 : memref<10240xf32, #tpu.memory_space<vmem_shared>>)
    %dma_wait3A_263 = arith.constant 9 : i32
    %dma_wait3A_264 = arith.constant 0 : i32
    %dma_wait3A_265 = arith.constant 0 : i32
    %dma_wait3A_266 = tpu.memref_slice %arg11[%dma_wait3A_263, %dma_wait3A_264, %dma_wait3A_265] : memref<10x1x2000xi32, #tpu.memory_space<vmem>> -> memref<1x1x2000xi32, #tpu.memory_space<vmem>>
    %dma_wait3A_267 = tpu.memref_squeeze %dma_wait3A_266 : memref<1x1x2000xi32, #tpu.memory_space<vmem>> -> memref<2000xi32, #tpu.memory_space<vmem>>
    %dma_wait3A_268 = arith.constant 0 : i32
    %dma_wait3A_269 = tpu.memref_slice %arg5[%dma_wait3A_268] : memref<10240xf32, #tpu.memory_space<vmem_shared>> -> memref<10240xf32, #tpu.memory_space<vmem_shared>>
    tpu.wait_indirect_dma semaphore(%arg21 : memref<!tpu.dma_semaphore, #tpu.memory_space<semaphore_mem>>) src(%arg9 : memref<2000xf32, #tpu.memory_space<vmem>>) dst(%dma_wait3A_269 : memref<10240xf32, #tpu.memory_space<vmem_shared>>)
    %barrier3A_270 = arith.constant 0 : index
    tpu.barrier barrier_id(%barrier3A_270)
    %mul3A_271 = arith.constant 640 : i32
    %mul3A_272 = arith.muli %arg1, %mul3A_271 : i32
    "tpu.region"() ({
      %run_scoped3A = tpu.sem_alloc : memref<!tpu.dma_semaphore, #tpu.memory_space<semaphore_mem>>
      %dma_start3A_424 = tpu.memref_slice %arg5[%mul3A_272] : memref<10240xf32, #tpu.memory_space<vmem_shared>> -> memref<640xf32, #tpu.memory_space<vmem_shared>>
      %dma_start3A_425 = tpu.memref_slice %arg5[%mul3A_272] : memref<10240xf32, #tpu.memory_space<vmem_shared>> -> memref<640xf32, #tpu.memory_space<vmem_shared>>
      tpu.enqueue_dma source(%dma_start3A_425 : memref<640xf32, #tpu.memory_space<vmem_shared>>) target(%arg14 : memref<640xf32, #tpu.memory_space<vmem>>) target_semaphore(%run_scoped3A : memref<!tpu.dma_semaphore, #tpu.memory_space<semaphore_mem>>)
      %dma_wait3A_426 = tpu.memref_slice %arg5[%mul3A_272] : memref<10240xf32, #tpu.memory_space<vmem_shared>> -> memref<640xf32, #tpu.memory_space<vmem_shared>>
      %dma_wait3A_427 = tpu.memref_slice %arg5[%mul3A_272] : memref<10240xf32, #tpu.memory_space<vmem_shared>> -> memref<640xf32, #tpu.memory_space<vmem_shared>>
      tpu.wait_dma2 semaphore(%run_scoped3A : memref<!tpu.dma_semaphore, #tpu.memory_space<semaphore_mem>>) src(%dma_wait3A_427 : memref<640xf32, #tpu.memory_space<vmem_shared>>) dst(%arg14 : memref<640xf32, #tpu.memory_space<vmem>>)
      tpu.yield
    }) : () -> ()
    %parallel_loop3A_273 = arith.constant 0 : i32
    %parallel_loop3A_274 = arith.constant 40 : i32
    %parallel_loop3A_275 = arith.constant 1 : i32
    scf.for %parallel_loop3A_424 = %parallel_loop3A_273 to %parallel_loop3A_274 step %parallel_loop3A_275  : i32 {
      %parallel_loop3A_425 = arith.constant 16 : i32
      %parallel_loop3A_426 = arith.muli %parallel_loop3A_424, %parallel_loop3A_425 : i32
      %parallel_loop3A_427 = arith.index_cast %parallel_loop3A_426 : i32 to index
      %parallel_loop3A_428 = tpu.vector_load %arg14[%parallel_loop3A_427] {strides = array<i32>} : memref<640xf32, #tpu.memory_space<vmem>>, vector<16xf32>,
      %parallel_loop3A_429 = arith.constant 1.000000e+00 : f32
      %parallel_loop3A_430 = vector.broadcast %parallel_loop3A_429 : f32 to vector<16xf32>
      %parallel_loop3A_431 = arith.addf %parallel_loop3A_428, %parallel_loop3A_430 : vector<16xf32>
      %parallel_loop3A_432 = tpu.bitcast %parallel_loop3A_431 : vector<16xf32> -> vector<16xi32>
      %parallel_loop3A_433 = arith.constant 1 : i32
      %parallel_loop3A_434 = vector.broadcast %parallel_loop3A_433 : i32 to vector<16xi32>
      %parallel_loop3A_435 = arith.shrsi %parallel_loop3A_432, %parallel_loop3A_434 : vector<16xi32>
      %parallel_loop3A_436 = arith.constant 1597463007 : i32
      %parallel_loop3A_437 = vector.broadcast %parallel_loop3A_436 : i32 to vector<16xi32>
      %parallel_loop3A_438 = arith.subi %parallel_loop3A_437, %parallel_loop3A_435 : vector<16xi32>
      %parallel_loop3A_439 = tpu.bitcast %parallel_loop3A_438 : vector<16xi32> -> vector<16xf32>
      %parallel_loop3A_440 = arith.constant 5.000000e-01 : f32
      %parallel_loop3A_441 = vector.broadcast %parallel_loop3A_440 : f32 to vector<16xf32>
      %parallel_loop3A_442 = arith.mulf %parallel_loop3A_441, %parallel_loop3A_431 : vector<16xf32>
      %parallel_loop3A_443 = arith.mulf %parallel_loop3A_442, %parallel_loop3A_439 : vector<16xf32>
      %parallel_loop3A_444 = arith.mulf %parallel_loop3A_443, %parallel_loop3A_439 : vector<16xf32>
      %parallel_loop3A_445 = arith.constant 1.500000e+00 : f32
      %parallel_loop3A_446 = vector.broadcast %parallel_loop3A_445 : f32 to vector<16xf32>
      %parallel_loop3A_447 = arith.subf %parallel_loop3A_446, %parallel_loop3A_444 : vector<16xf32>
      %parallel_loop3A_448 = arith.mulf %parallel_loop3A_439, %parallel_loop3A_447 : vector<16xf32>
      %parallel_loop3A_449 = arith.constant 5.000000e-01 : f32
      %parallel_loop3A_450 = vector.broadcast %parallel_loop3A_449 : f32 to vector<16xf32>
      %parallel_loop3A_451 = arith.mulf %parallel_loop3A_450, %parallel_loop3A_431 : vector<16xf32>
      %parallel_loop3A_452 = arith.mulf %parallel_loop3A_451, %parallel_loop3A_448 : vector<16xf32>
      %parallel_loop3A_453 = arith.mulf %parallel_loop3A_452, %parallel_loop3A_448 : vector<16xf32>
      %parallel_loop3A_454 = arith.constant 1.500000e+00 : f32
      %parallel_loop3A_455 = vector.broadcast %parallel_loop3A_454 : f32 to vector<16xf32>
      %parallel_loop3A_456 = arith.subf %parallel_loop3A_455, %parallel_loop3A_453 : vector<16xf32>
      %parallel_loop3A_457 = arith.mulf %parallel_loop3A_448, %parallel_loop3A_456 : vector<16xf32>
      %parallel_loop3A_458 = arith.constant 5.000000e-01 : f32
      %parallel_loop3A_459 = vector.broadcast %parallel_loop3A_458 : f32 to vector<16xf32>
      %parallel_loop3A_460 = arith.mulf %parallel_loop3A_459, %parallel_loop3A_431 : vector<16xf32>
      %parallel_loop3A_461 = arith.mulf %parallel_loop3A_460, %parallel_loop3A_457 : vector<16xf32>
      %parallel_loop3A_462 = arith.mulf %parallel_loop3A_461, %parallel_loop3A_457 : vector<16xf32>
      %parallel_loop3A_463 = arith.constant 1.500000e+00 : f32
      %parallel_loop3A_464 = vector.broadcast %parallel_loop3A_463 : f32 to vector<16xf32>
      %parallel_loop3A_465 = arith.subf %parallel_loop3A_464, %parallel_loop3A_462 : vector<16xf32>
      %parallel_loop3A_466 = arith.mulf %parallel_loop3A_457, %parallel_loop3A_465 : vector<16xf32>
      %parallel_loop3A_467 = arith.constant 16 : i32
      %parallel_loop3A_468 = arith.muli %parallel_loop3A_424, %parallel_loop3A_467 : i32
      %parallel_loop3A_469 = arith.index_cast %parallel_loop3A_468 : i32 to index
      %parallel_loop3A_470 = tpu.vector_load %arg14[%parallel_loop3A_469] {strides = array<i32>} : memref<640xf32, #tpu.memory_space<vmem>>, vector<16xf32>,
      tpu.vector_store %arg14[%parallel_loop3A_469], %parallel_loop3A_466 {strides = array<i32>} : memref<640xf32, #tpu.memory_space<vmem>>, vector<16xf32>,
    } {sc.loop_unroll_factor = 4 : i64, sc.parallel_access}
    %mul3A_276 = arith.constant 640 : i32
    %mul3A_277 = arith.muli %arg1, %mul3A_276 : i32
    "tpu.region"() ({
      %run_scoped3A = tpu.sem_alloc : memref<!tpu.dma_semaphore, #tpu.memory_space<semaphore_mem>>
      %dma_start3A_424 = tpu.memref_slice %arg6[%mul3A_277] : memref<10240xf32, #tpu.memory_space<vmem_shared>> -> memref<640xf32, #tpu.memory_space<vmem_shared>>
      %dma_start3A_425 = tpu.memref_slice %arg6[%mul3A_277] : memref<10240xf32, #tpu.memory_space<vmem_shared>> -> memref<640xf32, #tpu.memory_space<vmem_shared>>
      tpu.enqueue_dma source(%arg14 : memref<640xf32, #tpu.memory_space<vmem>>) target(%dma_start3A_425 : memref<640xf32, #tpu.memory_space<vmem_shared>>) target_semaphore(%run_scoped3A : memref<!tpu.dma_semaphore, #tpu.memory_space<semaphore_mem>>)
      %dma_wait3A_426 = tpu.memref_slice %arg6[%mul3A_277] : memref<10240xf32, #tpu.memory_space<vmem_shared>> -> memref<640xf32, #tpu.memory_space<vmem_shared>>
      %dma_wait3A_427 = tpu.memref_slice %arg6[%mul3A_277] : memref<10240xf32, #tpu.memory_space<vmem_shared>> -> memref<640xf32, #tpu.memory_space<vmem_shared>>
      tpu.wait_dma2 semaphore(%run_scoped3A : memref<!tpu.dma_semaphore, #tpu.memory_space<semaphore_mem>>) src(%arg14 : memref<640xf32, #tpu.memory_space<vmem>>) dst(%dma_wait3A_427 : memref<640xf32, #tpu.memory_space<vmem_shared>>)
      tpu.yield
    }) : () -> ()
    %barrier3A_278 = arith.constant 0 : index
    tpu.barrier barrier_id(%barrier3A_278)
    "tpu.region"() ({
      %run_scoped3A = tpu.sem_alloc : memref<!tpu.dma_semaphore, #tpu.memory_space<semaphore_mem>>
      tpu.enqueue_dma source(%arg6 : memref<10240xf32, #tpu.memory_space<vmem_shared>>) target(%arg13 : memref<10240xf32, #tpu.memory_space<vmem>>) target_semaphore(%run_scoped3A : memref<!tpu.dma_semaphore, #tpu.memory_space<semaphore_mem>>)
      tpu.wait_dma2 semaphore(%run_scoped3A : memref<!tpu.dma_semaphore, #tpu.memory_space<semaphore_mem>>) src(%arg6 : memref<10240xf32, #tpu.memory_space<vmem_shared>>) dst(%arg13 : memref<10240xf32, #tpu.memory_space<vmem>>)
      tpu.yield
    }) : () -> ()
    %parallel_loop3A_279 = arith.constant 0 : i32
    %parallel_loop3A_280 = arith.constant 125 : i32
    %parallel_loop3A_281 = arith.constant 1 : i32
    scf.for %parallel_loop3A_424 = %parallel_loop3A_279 to %parallel_loop3A_280 step %parallel_loop3A_281  : i32 {
      %parallel_loop3A_425 = arith.constant 0 : i32
      %parallel_loop3A_426 = arith.addi %sub3A_54, %parallel_loop3A_425 : i32
      %parallel_loop3A_427 = arith.constant 16 : i32
      %parallel_loop3A_428 = arith.muli %parallel_loop3A_424, %parallel_loop3A_427 : i32
      %parallel_loop3A_429 = arith.addi %parallel_loop3A_426, %parallel_loop3A_428 : i32
      %parallel_loop3A_430 = arith.constant 0 : i32
      %parallel_loop3A_431 = arith.index_cast %parallel_loop3A_430 : i32 to index
      %parallel_loop3A_432 = arith.index_cast %parallel_loop3A_429 : i32 to index
      %parallel_loop3A_433 = tpu.vector_load %arg10[%parallel_loop3A_431, %parallel_loop3A_432] {strides = array<i32>} : memref<2x20096xi32, #tpu.memory_space<vmem>>, vector<16xi32>,
      %parallel_loop3A_434 = arith.constant 1 : i32
      %parallel_loop3A_435 = arith.index_cast %parallel_loop3A_434 : i32 to index
      %parallel_loop3A_436 = arith.index_cast %parallel_loop3A_429 : i32 to index
      %parallel_loop3A_437 = tpu.vector_load %arg10[%parallel_loop3A_435, %parallel_loop3A_436] {strides = array<i32>} : memref<2x20096xi32, #tpu.memory_space<vmem>>, vector<16xi32>,
      %parallel_loop3A_438 = tpu.vector_load_idx %arg13[%parallel_loop3A_433] : memref<10240xf32, #tpu.memory_space<vmem>>[vector<16xi32>], vector<16xf32>,
      %parallel_loop3A_439 = tpu.vector_load_idx %arg13[%parallel_loop3A_437] : memref<10240xf32, #tpu.memory_space<vmem>>[vector<16xi32>], vector<16xf32>,
      %parallel_loop3A_440 = arith.mulf %parallel_loop3A_438, %parallel_loop3A_439 : vector<16xf32>
      %parallel_loop3A_441 = arith.constant 16 : i32
      %parallel_loop3A_442 = arith.muli %parallel_loop3A_424, %parallel_loop3A_441 : i32
      %parallel_loop3A_443 = arith.constant 0 : i32
      %parallel_loop3A_444 = arith.constant 0 : i32
      %parallel_loop3A_445 = arith.index_cast %parallel_loop3A_443 : i32 to index
      %parallel_loop3A_446 = arith.index_cast %parallel_loop3A_444 : i32 to index
      %parallel_loop3A_447 = arith.index_cast %parallel_loop3A_442 : i32 to index
      %parallel_loop3A_448 = tpu.vector_load %arg16[%parallel_loop3A_445, %parallel_loop3A_446, %parallel_loop3A_447] {strides = array<i32>} : memref<5x1x2000xf32, #tpu.memory_space<vmem>>, vector<16xf32>,
      tpu.vector_store %arg16[%parallel_loop3A_445, %parallel_loop3A_446, %parallel_loop3A_447], %parallel_loop3A_440 {strides = array<i32>} : memref<5x1x2000xf32, #tpu.memory_space<vmem>>, vector<16xf32>,
    } {sc.loop_unroll_factor = 4 : i64, sc.parallel_access}
    %parallel_loop3A_282 = arith.constant 0 : i32
    %parallel_loop3A_283 = arith.constant 125 : i32
    %parallel_loop3A_284 = arith.constant 1 : i32
    scf.for %parallel_loop3A_424 = %parallel_loop3A_282 to %parallel_loop3A_283 step %parallel_loop3A_284  : i32 {
      %parallel_loop3A_425 = arith.constant 2000 : i32
      %parallel_loop3A_426 = arith.addi %sub3A_54, %parallel_loop3A_425 : i32
      %parallel_loop3A_427 = arith.constant 16 : i32
      %parallel_loop3A_428 = arith.muli %parallel_loop3A_424, %parallel_loop3A_427 : i32
      %parallel_loop3A_429 = arith.addi %parallel_loop3A_426, %parallel_loop3A_428 : i32
      %parallel_loop3A_430 = arith.constant 0 : i32
      %parallel_loop3A_431 = arith.index_cast %parallel_loop3A_430 : i32 to index
      %parallel_loop3A_432 = arith.index_cast %parallel_loop3A_429 : i32 to index
      %parallel_loop3A_433 = tpu.vector_load %arg10[%parallel_loop3A_431, %parallel_loop3A_432] {strides = array<i32>} : memref<2x20096xi32, #tpu.memory_space<vmem>>, vector<16xi32>,
      %parallel_loop3A_434 = arith.constant 1 : i32
      %parallel_loop3A_435 = arith.index_cast %parallel_loop3A_434 : i32 to index
      %parallel_loop3A_436 = arith.index_cast %parallel_loop3A_429 : i32 to index
      %parallel_loop3A_437 = tpu.vector_load %arg10[%parallel_loop3A_435, %parallel_loop3A_436] {strides = array<i32>} : memref<2x20096xi32, #tpu.memory_space<vmem>>, vector<16xi32>,
      %parallel_loop3A_438 = tpu.vector_load_idx %arg13[%parallel_loop3A_433] : memref<10240xf32, #tpu.memory_space<vmem>>[vector<16xi32>], vector<16xf32>,
      %parallel_loop3A_439 = tpu.vector_load_idx %arg13[%parallel_loop3A_437] : memref<10240xf32, #tpu.memory_space<vmem>>[vector<16xi32>], vector<16xf32>,
      %parallel_loop3A_440 = arith.mulf %parallel_loop3A_438, %parallel_loop3A_439 : vector<16xf32>
      %parallel_loop3A_441 = arith.constant 16 : i32
      %parallel_loop3A_442 = arith.muli %parallel_loop3A_424, %parallel_loop3A_441 : i32
      %parallel_loop3A_443 = arith.constant 1 : i32
      %parallel_loop3A_444 = arith.constant 0 : i32
      %parallel_loop3A_445 = arith.index_cast %parallel_loop3A_443 : i32 to index
      %parallel_loop3A_446 = arith.index_cast %parallel_loop3A_444 : i32 to index
      %parallel_loop3A_447 = arith.index_cast %parallel_loop3A_442 : i32 to index
      %parallel_loop3A_448 = tpu.vector_load %arg16[%parallel_loop3A_445, %parallel_loop3A_446, %parallel_loop3A_447] {strides = array<i32>} : memref<5x1x2000xf32, #tpu.memory_space<vmem>>, vector<16xf32>,
      tpu.vector_store %arg16[%parallel_loop3A_445, %parallel_loop3A_446, %parallel_loop3A_447], %parallel_loop3A_440 {strides = array<i32>} : memref<5x1x2000xf32, #tpu.memory_space<vmem>>, vector<16xf32>,
    } {sc.loop_unroll_factor = 4 : i64, sc.parallel_access}
    %parallel_loop3A_285 = arith.constant 0 : i32
    %parallel_loop3A_286 = arith.constant 125 : i32
    %parallel_loop3A_287 = arith.constant 1 : i32
    scf.for %parallel_loop3A_424 = %parallel_loop3A_285 to %parallel_loop3A_286 step %parallel_loop3A_287  : i32 {
      %parallel_loop3A_425 = arith.constant 4000 : i32
      %parallel_loop3A_426 = arith.addi %sub3A_54, %parallel_loop3A_425 : i32
      %parallel_loop3A_427 = arith.constant 16 : i32
      %parallel_loop3A_428 = arith.muli %parallel_loop3A_424, %parallel_loop3A_427 : i32
      %parallel_loop3A_429 = arith.addi %parallel_loop3A_426, %parallel_loop3A_428 : i32
      %parallel_loop3A_430 = arith.constant 0 : i32
      %parallel_loop3A_431 = arith.index_cast %parallel_loop3A_430 : i32 to index
      %parallel_loop3A_432 = arith.index_cast %parallel_loop3A_429 : i32 to index
      %parallel_loop3A_433 = tpu.vector_load %arg10[%parallel_loop3A_431, %parallel_loop3A_432] {strides = array<i32>} : memref<2x20096xi32, #tpu.memory_space<vmem>>, vector<16xi32>,
      %parallel_loop3A_434 = arith.constant 1 : i32
      %parallel_loop3A_435 = arith.index_cast %parallel_loop3A_434 : i32 to index
      %parallel_loop3A_436 = arith.index_cast %parallel_loop3A_429 : i32 to index
      %parallel_loop3A_437 = tpu.vector_load %arg10[%parallel_loop3A_435, %parallel_loop3A_436] {strides = array<i32>} : memref<2x20096xi32, #tpu.memory_space<vmem>>, vector<16xi32>,
      %parallel_loop3A_438 = tpu.vector_load_idx %arg13[%parallel_loop3A_433] : memref<10240xf32, #tpu.memory_space<vmem>>[vector<16xi32>], vector<16xf32>,
      %parallel_loop3A_439 = tpu.vector_load_idx %arg13[%parallel_loop3A_437] : memref<10240xf32, #tpu.memory_space<vmem>>[vector<16xi32>], vector<16xf32>,
      %parallel_loop3A_440 = arith.mulf %parallel_loop3A_438, %parallel_loop3A_439 : vector<16xf32>
      %parallel_loop3A_441 = arith.constant 16 : i32
      %parallel_loop3A_442 = arith.muli %parallel_loop3A_424, %parallel_loop3A_441 : i32
      %parallel_loop3A_443 = arith.constant 2 : i32
      %parallel_loop3A_444 = arith.constant 0 : i32
      %parallel_loop3A_445 = arith.index_cast %parallel_loop3A_443 : i32 to index
      %parallel_loop3A_446 = arith.index_cast %parallel_loop3A_444 : i32 to index
      %parallel_loop3A_447 = arith.index_cast %parallel_loop3A_442 : i32 to index
      %parallel_loop3A_448 = tpu.vector_load %arg16[%parallel_loop3A_445, %parallel_loop3A_446, %parallel_loop3A_447] {strides = array<i32>} : memref<5x1x2000xf32, #tpu.memory_space<vmem>>, vector<16xf32>,
      tpu.vector_store %arg16[%parallel_loop3A_445, %parallel_loop3A_446, %parallel_loop3A_447], %parallel_loop3A_440 {strides = array<i32>} : memref<5x1x2000xf32, #tpu.memory_space<vmem>>, vector<16xf32>,
    } {sc.loop_unroll_factor = 4 : i64, sc.parallel_access}
    %parallel_loop3A_288 = arith.constant 0 : i32
    %parallel_loop3A_289 = arith.constant 125 : i32
    %parallel_loop3A_290 = arith.constant 1 : i32
    scf.for %parallel_loop3A_424 = %parallel_loop3A_288 to %parallel_loop3A_289 step %parallel_loop3A_290  : i32 {
      %parallel_loop3A_425 = arith.constant 6000 : i32
      %parallel_loop3A_426 = arith.addi %sub3A_54, %parallel_loop3A_425 : i32
      %parallel_loop3A_427 = arith.constant 16 : i32
      %parallel_loop3A_428 = arith.muli %parallel_loop3A_424, %parallel_loop3A_427 : i32
      %parallel_loop3A_429 = arith.addi %parallel_loop3A_426, %parallel_loop3A_428 : i32
      %parallel_loop3A_430 = arith.constant 0 : i32
      %parallel_loop3A_431 = arith.index_cast %parallel_loop3A_430 : i32 to index
      %parallel_loop3A_432 = arith.index_cast %parallel_loop3A_429 : i32 to index
      %parallel_loop3A_433 = tpu.vector_load %arg10[%parallel_loop3A_431, %parallel_loop3A_432] {strides = array<i32>} : memref<2x20096xi32, #tpu.memory_space<vmem>>, vector<16xi32>,
      %parallel_loop3A_434 = arith.constant 1 : i32
      %parallel_loop3A_435 = arith.index_cast %parallel_loop3A_434 : i32 to index
      %parallel_loop3A_436 = arith.index_cast %parallel_loop3A_429 : i32 to index
      %parallel_loop3A_437 = tpu.vector_load %arg10[%parallel_loop3A_435, %parallel_loop3A_436] {strides = array<i32>} : memref<2x20096xi32, #tpu.memory_space<vmem>>, vector<16xi32>,
      %parallel_loop3A_438 = tpu.vector_load_idx %arg13[%parallel_loop3A_433] : memref<10240xf32, #tpu.memory_space<vmem>>[vector<16xi32>], vector<16xf32>,
      %parallel_loop3A_439 = tpu.vector_load_idx %arg13[%parallel_loop3A_437] : memref<10240xf32, #tpu.memory_space<vmem>>[vector<16xi32>], vector<16xf32>,
      %parallel_loop3A_440 = arith.mulf %parallel_loop3A_438, %parallel_loop3A_439 : vector<16xf32>
      %parallel_loop3A_441 = arith.constant 16 : i32
      %parallel_loop3A_442 = arith.muli %parallel_loop3A_424, %parallel_loop3A_441 : i32
      %parallel_loop3A_443 = arith.constant 3 : i32
      %parallel_loop3A_444 = arith.constant 0 : i32
      %parallel_loop3A_445 = arith.index_cast %parallel_loop3A_443 : i32 to index
      %parallel_loop3A_446 = arith.index_cast %parallel_loop3A_444 : i32 to index
      %parallel_loop3A_447 = arith.index_cast %parallel_loop3A_442 : i32 to index
      %parallel_loop3A_448 = tpu.vector_load %arg16[%parallel_loop3A_445, %parallel_loop3A_446, %parallel_loop3A_447] {strides = array<i32>} : memref<5x1x2000xf32, #tpu.memory_space<vmem>>, vector<16xf32>,
      tpu.vector_store %arg16[%parallel_loop3A_445, %parallel_loop3A_446, %parallel_loop3A_447], %parallel_loop3A_440 {strides = array<i32>} : memref<5x1x2000xf32, #tpu.memory_space<vmem>>, vector<16xf32>,
    } {sc.loop_unroll_factor = 4 : i64, sc.parallel_access}
    %parallel_loop3A_291 = arith.constant 0 : i32
    %parallel_loop3A_292 = arith.constant 125 : i32
    %parallel_loop3A_293 = arith.constant 1 : i32
    scf.for %parallel_loop3A_424 = %parallel_loop3A_291 to %parallel_loop3A_292 step %parallel_loop3A_293  : i32 {
      %parallel_loop3A_425 = arith.constant 8000 : i32
      %parallel_loop3A_426 = arith.addi %sub3A_54, %parallel_loop3A_425 : i32
      %parallel_loop3A_427 = arith.constant 16 : i32
      %parallel_loop3A_428 = arith.muli %parallel_loop3A_424, %parallel_loop3A_427 : i32
      %parallel_loop3A_429 = arith.addi %parallel_loop3A_426, %parallel_loop3A_428 : i32
      %parallel_loop3A_430 = arith.constant 0 : i32
      %parallel_loop3A_431 = arith.index_cast %parallel_loop3A_430 : i32 to index
      %parallel_loop3A_432 = arith.index_cast %parallel_loop3A_429 : i32 to index
      %parallel_loop3A_433 = tpu.vector_load %arg10[%parallel_loop3A_431, %parallel_loop3A_432] {strides = array<i32>} : memref<2x20096xi32, #tpu.memory_space<vmem>>, vector<16xi32>,
      %parallel_loop3A_434 = arith.constant 1 : i32
      %parallel_loop3A_435 = arith.index_cast %parallel_loop3A_434 : i32 to index
      %parallel_loop3A_436 = arith.index_cast %parallel_loop3A_429 : i32 to index
      %parallel_loop3A_437 = tpu.vector_load %arg10[%parallel_loop3A_435, %parallel_loop3A_436] {strides = array<i32>} : memref<2x20096xi32, #tpu.memory_space<vmem>>, vector<16xi32>,
      %parallel_loop3A_438 = tpu.vector_load_idx %arg13[%parallel_loop3A_433] : memref<10240xf32, #tpu.memory_space<vmem>>[vector<16xi32>], vector<16xf32>,
      %parallel_loop3A_439 = tpu.vector_load_idx %arg13[%parallel_loop3A_437] : memref<10240xf32, #tpu.memory_space<vmem>>[vector<16xi32>], vector<16xf32>,
      %parallel_loop3A_440 = arith.mulf %parallel_loop3A_438, %parallel_loop3A_439 : vector<16xf32>
      %parallel_loop3A_441 = arith.constant 16 : i32
      %parallel_loop3A_442 = arith.muli %parallel_loop3A_424, %parallel_loop3A_441 : i32
      %parallel_loop3A_443 = arith.constant 4 : i32
      %parallel_loop3A_444 = arith.constant 0 : i32
      %parallel_loop3A_445 = arith.index_cast %parallel_loop3A_443 : i32 to index
      %parallel_loop3A_446 = arith.index_cast %parallel_loop3A_444 : i32 to index
      %parallel_loop3A_447 = arith.index_cast %parallel_loop3A_442 : i32 to index
      %parallel_loop3A_448 = tpu.vector_load %arg16[%parallel_loop3A_445, %parallel_loop3A_446, %parallel_loop3A_447] {strides = array<i32>} : memref<5x1x2000xf32, #tpu.memory_space<vmem>>, vector<16xf32>,
      tpu.vector_store %arg16[%parallel_loop3A_445, %parallel_loop3A_446, %parallel_loop3A_447], %parallel_loop3A_440 {strides = array<i32>} : memref<5x1x2000xf32, #tpu.memory_space<vmem>>, vector<16xf32>,
    } {sc.loop_unroll_factor = 4 : i64, sc.parallel_access}
    %dma_start3A_294 = arith.constant 0 : i32
    %dma_start3A_295 = arith.constant 0 : i32
    %dma_start3A_296 = arith.constant 0 : i32
    %dma_start3A_297 = arith.constant 0 : i32
    %dma_start3A_298 = arith.constant 0 : i32
    %dma_start3A_299 = tpu.memref_slice %arg16[%dma_start3A_294, %dma_start3A_295, %dma_start3A_298] : memref<5x1x2000xf32, #tpu.memory_space<vmem>> -> memref<1x1x2000xf32, #tpu.memory_space<vmem>>
    %dma_start3A_300 = tpu.memref_squeeze %dma_start3A_299 : memref<1x1x2000xf32, #tpu.memory_space<vmem>> -> memref<2000xf32, #tpu.memory_space<vmem>>
    %dma_start3A_301 = arith.constant 0 : i32
    %dma_start3A_302 = tpu.memref_slice %arg15[%dma_start3A_296, %dma_start3A_297, %dma_start3A_301] : memref<5x1x2000xi32, #tpu.memory_space<vmem>> -> memref<1x1x2000xi32, #tpu.memory_space<vmem>>
    %dma_start3A_303 = tpu.memref_squeeze %dma_start3A_302 : memref<1x1x2000xi32, #tpu.memory_space<vmem>> -> memref<2000xi32, #tpu.memory_space<vmem>>
    %dma_start3A_304 = arith.constant 0 : i32
    %dma_start3A_305 = tpu.memref_slice %arg7[%dma_start3A_304] : memref<160000xf32, #tpu.memory_space<vmem_shared>> -> memref<160000xf32, #tpu.memory_space<vmem_shared>>
    tpu.enqueue_indirect_dma source(%dma_start3A_300 : memref<2000xf32, #tpu.memory_space<vmem>>) target(%dma_start3A_305 : memref<160000xf32, #tpu.memory_space<vmem_shared>>) offsets(%dma_start3A_303 : memref<2000xi32, #tpu.memory_space<vmem>>) semaphore(%arg21 : memref<!tpu.dma_semaphore, #tpu.memory_space<semaphore_mem>>) {add = true}
    %dma_start3A_306 = arith.constant 1 : i32
    %dma_start3A_307 = arith.constant 0 : i32
    %dma_start3A_308 = arith.constant 1 : i32
    %dma_start3A_309 = arith.constant 0 : i32
    %dma_start3A_310 = arith.constant 0 : i32
    %dma_start3A_311 = tpu.memref_slice %arg16[%dma_start3A_306, %dma_start3A_307, %dma_start3A_310] : memref<5x1x2000xf32, #tpu.memory_space<vmem>> -> memref<1x1x2000xf32, #tpu.memory_space<vmem>>
    %dma_start3A_312 = tpu.memref_squeeze %dma_start3A_311 : memref<1x1x2000xf32, #tpu.memory_space<vmem>> -> memref<2000xf32, #tpu.memory_space<vmem>>
    %dma_start3A_313 = arith.constant 0 : i32
    %dma_start3A_314 = tpu.memref_slice %arg15[%dma_start3A_308, %dma_start3A_309, %dma_start3A_313] : memref<5x1x2000xi32, #tpu.memory_space<vmem>> -> memref<1x1x2000xi32, #tpu.memory_space<vmem>>
    %dma_start3A_315 = tpu.memref_squeeze %dma_start3A_314 : memref<1x1x2000xi32, #tpu.memory_space<vmem>> -> memref<2000xi32, #tpu.memory_space<vmem>>
    %dma_start3A_316 = arith.constant 0 : i32
    %dma_start3A_317 = tpu.memref_slice %arg7[%dma_start3A_316] : memref<160000xf32, #tpu.memory_space<vmem_shared>> -> memref<160000xf32, #tpu.memory_space<vmem_shared>>
    tpu.enqueue_indirect_dma source(%dma_start3A_312 : memref<2000xf32, #tpu.memory_space<vmem>>) target(%dma_start3A_317 : memref<160000xf32, #tpu.memory_space<vmem_shared>>) offsets(%dma_start3A_315 : memref<2000xi32, #tpu.memory_space<vmem>>) semaphore(%arg21 : memref<!tpu.dma_semaphore, #tpu.memory_space<semaphore_mem>>) {add = true}
    %dma_start3A_318 = arith.constant 2 : i32
    %dma_start3A_319 = arith.constant 0 : i32
    %dma_start3A_320 = arith.constant 2 : i32
    %dma_start3A_321 = arith.constant 0 : i32
    %dma_start3A_322 = arith.constant 0 : i32
    %dma_start3A_323 = tpu.memref_slice %arg16[%dma_start3A_318, %dma_start3A_319, %dma_start3A_322] : memref<5x1x2000xf32, #tpu.memory_space<vmem>> -> memref<1x1x2000xf32, #tpu.memory_space<vmem>>
    %dma_start3A_324 = tpu.memref_squeeze %dma_start3A_323 : memref<1x1x2000xf32, #tpu.memory_space<vmem>> -> memref<2000xf32, #tpu.memory_space<vmem>>
    %dma_start3A_325 = arith.constant 0 : i32
    %dma_start3A_326 = tpu.memref_slice %arg15[%dma_start3A_320, %dma_start3A_321, %dma_start3A_325] : memref<5x1x2000xi32, #tpu.memory_space<vmem>> -> memref<1x1x2000xi32, #tpu.memory_space<vmem>>
    %dma_start3A_327 = tpu.memref_squeeze %dma_start3A_326 : memref<1x1x2000xi32, #tpu.memory_space<vmem>> -> memref<2000xi32, #tpu.memory_space<vmem>>
    %dma_start3A_328 = arith.constant 0 : i32
    %dma_start3A_329 = tpu.memref_slice %arg7[%dma_start3A_328] : memref<160000xf32, #tpu.memory_space<vmem_shared>> -> memref<160000xf32, #tpu.memory_space<vmem_shared>>
    tpu.enqueue_indirect_dma source(%dma_start3A_324 : memref<2000xf32, #tpu.memory_space<vmem>>) target(%dma_start3A_329 : memref<160000xf32, #tpu.memory_space<vmem_shared>>) offsets(%dma_start3A_327 : memref<2000xi32, #tpu.memory_space<vmem>>) semaphore(%arg21 : memref<!tpu.dma_semaphore, #tpu.memory_space<semaphore_mem>>) {add = true}
    %dma_start3A_330 = arith.constant 3 : i32
    %dma_start3A_331 = arith.constant 0 : i32
    %dma_start3A_332 = arith.constant 3 : i32
    %dma_start3A_333 = arith.constant 0 : i32
    %dma_start3A_334 = arith.constant 0 : i32
    %dma_start3A_335 = tpu.memref_slice %arg16[%dma_start3A_330, %dma_start3A_331, %dma_start3A_334] : memref<5x1x2000xf32, #tpu.memory_space<vmem>> -> memref<1x1x2000xf32, #tpu.memory_space<vmem>>
    %dma_start3A_336 = tpu.memref_squeeze %dma_start3A_335 : memref<1x1x2000xf32, #tpu.memory_space<vmem>> -> memref<2000xf32, #tpu.memory_space<vmem>>
    %dma_start3A_337 = arith.constant 0 : i32
    %dma_start3A_338 = tpu.memref_slice %arg15[%dma_start3A_332, %dma_start3A_333, %dma_start3A_337] : memref<5x1x2000xi32, #tpu.memory_space<vmem>> -> memref<1x1x2000xi32, #tpu.memory_space<vmem>>
    %dma_start3A_339 = tpu.memref_squeeze %dma_start3A_338 : memref<1x1x2000xi32, #tpu.memory_space<vmem>> -> memref<2000xi32, #tpu.memory_space<vmem>>
    %dma_start3A_340 = arith.constant 0 : i32
    %dma_start3A_341 = tpu.memref_slice %arg7[%dma_start3A_340] : memref<160000xf32, #tpu.memory_space<vmem_shared>> -> memref<160000xf32, #tpu.memory_space<vmem_shared>>
    tpu.enqueue_indirect_dma source(%dma_start3A_336 : memref<2000xf32, #tpu.memory_space<vmem>>) target(%dma_start3A_341 : memref<160000xf32, #tpu.memory_space<vmem_shared>>) offsets(%dma_start3A_339 : memref<2000xi32, #tpu.memory_space<vmem>>) semaphore(%arg21 : memref<!tpu.dma_semaphore, #tpu.memory_space<semaphore_mem>>) {add = true}
    %dma_start3A_342 = arith.constant 4 : i32
    %dma_start3A_343 = arith.constant 0 : i32
    %dma_start3A_344 = arith.constant 4 : i32
    %dma_start3A_345 = arith.constant 0 : i32
    %dma_start3A_346 = arith.constant 0 : i32
    %dma_start3A_347 = tpu.memref_slice %arg16[%dma_start3A_342, %dma_start3A_343, %dma_start3A_346] : memref<5x1x2000xf32, #tpu.memory_space<vmem>> -> memref<1x1x2000xf32, #tpu.memory_space<vmem>>
    %dma_start3A_348 = tpu.memref_squeeze %dma_start3A_347 : memref<1x1x2000xf32, #tpu.memory_space<vmem>> -> memref<2000xf32, #tpu.memory_space<vmem>>
    %dma_start3A_349 = arith.constant 0 : i32
    %dma_start3A_350 = tpu.memref_slice %arg15[%dma_start3A_344, %dma_start3A_345, %dma_start3A_349] : memref<5x1x2000xi32, #tpu.memory_space<vmem>> -> memref<1x1x2000xi32, #tpu.memory_space<vmem>>
    %dma_start3A_351 = tpu.memref_squeeze %dma_start3A_350 : memref<1x1x2000xi32, #tpu.memory_space<vmem>> -> memref<2000xi32, #tpu.memory_space<vmem>>
    %dma_start3A_352 = arith.constant 0 : i32
    %dma_start3A_353 = tpu.memref_slice %arg7[%dma_start3A_352] : memref<160000xf32, #tpu.memory_space<vmem_shared>> -> memref<160000xf32, #tpu.memory_space<vmem_shared>>
    tpu.enqueue_indirect_dma source(%dma_start3A_348 : memref<2000xf32, #tpu.memory_space<vmem>>) target(%dma_start3A_353 : memref<160000xf32, #tpu.memory_space<vmem_shared>>) offsets(%dma_start3A_351 : memref<2000xi32, #tpu.memory_space<vmem>>) semaphore(%arg21 : memref<!tpu.dma_semaphore, #tpu.memory_space<semaphore_mem>>) {add = true}
    %eq3A_354 = arith.constant 0 : i32
    %eq3A_355 = arith.cmpi eq, %arg0, %eq3A_354 : i32
    %convert_element_type3A_356 = arith.extui %eq3A_355 : i1 to i32
    %cond3A_357 = arith.constant 0 : i32
    %cond3A_358 = arith.cmpi ne, %convert_element_type3A_356, %cond3A_357 : i32
    scf.if %cond3A_358 {
      %parallel_loop3A_424 = arith.constant 0 : i32
      %parallel_loop3A_425 = arith.constant 40 : i32
      %parallel_loop3A_426 = arith.constant 1 : i32
      scf.for %parallel_loop3A_451 = %parallel_loop3A_424 to %parallel_loop3A_425 step %parallel_loop3A_426  : i32 {
        %parallel_loop3A_452 = arith.constant 16 : i32
        %parallel_loop3A_453 = arith.muli %parallel_loop3A_451, %parallel_loop3A_452 : i32
        %parallel_loop3A_454 = arith.constant 640 : i32
        %parallel_loop3A_455 = arith.muli %arg1, %parallel_loop3A_454 : i32
        %parallel_loop3A_456 = arith.constant 16 : i32
        %parallel_loop3A_457 = arith.muli %parallel_loop3A_451, %parallel_loop3A_456 : i32
        %parallel_loop3A_458 = arith.addi %parallel_loop3A_455, %parallel_loop3A_457 : i32
        %parallel_loop3A_459 = tpu.iota {dimensions = array<i32: 0>} : vector<16xi32>
        %parallel_loop3A_460 = vector.broadcast %parallel_loop3A_458 : i32 to vector<16xi32>
        %parallel_loop3A_461 = arith.addi %parallel_loop3A_460, %parallel_loop3A_459 : vector<16xi32>
        %parallel_loop3A_462 = arith.constant 10000 : i32
        %parallel_loop3A_463 = vector.broadcast %parallel_loop3A_462 : i32 to vector<16xi32>
        %parallel_loop3A_464 = arith.cmpi slt, %parallel_loop3A_461, %parallel_loop3A_463 : vector<16xi32>
        %parallel_loop3A_465 = arith.constant 9999 : i32
        %parallel_loop3A_466 = vector.broadcast %parallel_loop3A_465 : i32 to vector<16xi32>
        %parallel_loop3A_467 = arith.minsi %parallel_loop3A_461, %parallel_loop3A_466 : vector<16xi32>
        %parallel_loop3A_468 = tpu.vector_load_idx %arg13[%parallel_loop3A_467] : memref<10240xf32, #tpu.memory_space<vmem>>[vector<16xi32>], vector<16xf32>,
        %parallel_loop3A_469 = arith.mulf %parallel_loop3A_468, %parallel_loop3A_468 : vector<16xf32>
        %parallel_loop3A_470 = arith.constant 0.000000e+00 : f32
        %parallel_loop3A_471 = vector.broadcast %parallel_loop3A_470 : f32 to vector<16xf32>
        %parallel_loop3A_472 = arith.select %parallel_loop3A_464, %parallel_loop3A_469, %parallel_loop3A_471 : vector<16xi1>, vector<16xf32>
        %parallel_loop3A_473 = arith.constant 0 : i32
        %parallel_loop3A_474 = arith.constant 0 : i32
        %parallel_loop3A_475 = arith.index_cast %parallel_loop3A_473 : i32 to index
        %parallel_loop3A_476 = arith.index_cast %parallel_loop3A_474 : i32 to index
        %parallel_loop3A_477 = arith.index_cast %parallel_loop3A_453 : i32 to index
        %parallel_loop3A_478 = tpu.vector_load %arg18[%parallel_loop3A_475, %parallel_loop3A_476, %parallel_loop3A_477] {strides = array<i32>} : memref<1x1x640xf32, #tpu.memory_space<vmem>>, vector<16xf32>,
        tpu.vector_store %arg18[%parallel_loop3A_475, %parallel_loop3A_476, %parallel_loop3A_477], %parallel_loop3A_472 {strides = array<i32>} : memref<1x1x640xf32, #tpu.memory_space<vmem>>, vector<16xf32>,
      } {sc.loop_unroll_factor = 4 : i64, sc.parallel_access}
      %dma_start3A_427 = arith.constant 0 : i32
      %dma_start3A_428 = arith.constant 0 : i32
      %dma_start3A_429 = arith.constant 0 : i32
      %dma_start3A_430 = arith.constant 0 : i32
      %dma_start3A_431 = arith.constant 0 : i32
      %dma_start3A_432 = tpu.memref_slice %arg18[%dma_start3A_427, %dma_start3A_428, %dma_start3A_431] : memref<1x1x640xf32, #tpu.memory_space<vmem>> -> memref<1x1x640xf32, #tpu.memory_space<vmem>>
      %dma_start3A_433 = tpu.memref_squeeze %dma_start3A_432 : memref<1x1x640xf32, #tpu.memory_space<vmem>> -> memref<640xf32, #tpu.memory_space<vmem>>
      %dma_start3A_434 = arith.constant 0 : i32
      %dma_start3A_435 = tpu.memref_slice %arg17[%dma_start3A_429, %dma_start3A_430, %dma_start3A_434] : memref<1x1x640xi32, #tpu.memory_space<vmem>> -> memref<1x1x640xi32, #tpu.memory_space<vmem>>
      %dma_start3A_436 = tpu.memref_squeeze %dma_start3A_435 : memref<1x1x640xi32, #tpu.memory_space<vmem>> -> memref<640xi32, #tpu.memory_space<vmem>>
      %dma_start3A_437 = arith.constant 0 : i32
      %dma_start3A_438 = tpu.memref_slice %arg7[%dma_start3A_437] : memref<160000xf32, #tpu.memory_space<vmem_shared>> -> memref<160000xf32, #tpu.memory_space<vmem_shared>>
      tpu.enqueue_indirect_dma source(%dma_start3A_433 : memref<640xf32, #tpu.memory_space<vmem>>) target(%dma_start3A_438 : memref<160000xf32, #tpu.memory_space<vmem_shared>>) offsets(%dma_start3A_436 : memref<640xi32, #tpu.memory_space<vmem>>) semaphore(%arg21 : memref<!tpu.dma_semaphore, #tpu.memory_space<semaphore_mem>>) {add = true}
      %dma_wait3A_439 = arith.constant 0 : i32
      %dma_wait3A_440 = arith.constant 0 : i32
      %dma_wait3A_441 = arith.constant 0 : i32
      %dma_wait3A_442 = arith.constant 0 : i32
      %dma_wait3A_443 = arith.constant 0 : i32
      %dma_wait3A_444 = tpu.memref_slice %arg18[%dma_wait3A_439, %dma_wait3A_440, %dma_wait3A_443] : memref<1x1x640xf32, #tpu.memory_space<vmem>> -> memref<1x1x640xf32, #tpu.memory_space<vmem>>
      %dma_wait3A_445 = tpu.memref_squeeze %dma_wait3A_444 : memref<1x1x640xf32, #tpu.memory_space<vmem>> -> memref<640xf32, #tpu.memory_space<vmem>>
      %dma_wait3A_446 = arith.constant 0 : i32
      %dma_wait3A_447 = tpu.memref_slice %arg17[%dma_wait3A_441, %dma_wait3A_442, %dma_wait3A_446] : memref<1x1x640xi32, #tpu.memory_space<vmem>> -> memref<1x1x640xi32, #tpu.memory_space<vmem>>
      %dma_wait3A_448 = tpu.memref_squeeze %dma_wait3A_447 : memref<1x1x640xi32, #tpu.memory_space<vmem>> -> memref<640xi32, #tpu.memory_space<vmem>>
      %dma_wait3A_449 = arith.constant 0 : i32
      %dma_wait3A_450 = tpu.memref_slice %arg7[%dma_wait3A_449] : memref<160000xf32, #tpu.memory_space<vmem_shared>> -> memref<160000xf32, #tpu.memory_space<vmem_shared>>
      tpu.wait_indirect_dma semaphore(%arg21 : memref<!tpu.dma_semaphore, #tpu.memory_space<semaphore_mem>>) src(%dma_wait3A_445 : memref<640xf32, #tpu.memory_space<vmem>>) dst(%dma_wait3A_450 : memref<160000xf32, #tpu.memory_space<vmem_shared>>)
    } else {
    }
    %dma_wait3A_359 = arith.constant 0 : i32
    %dma_wait3A_360 = arith.constant 0 : i32
    %dma_wait3A_361 = arith.constant 0 : i32
    %dma_wait3A_362 = arith.constant 0 : i32
    %dma_wait3A_363 = arith.constant 0 : i32
    %dma_wait3A_364 = tpu.memref_slice %arg16[%dma_wait3A_359, %dma_wait3A_360, %dma_wait3A_363] : memref<5x1x2000xf32, #tpu.memory_space<vmem>> -> memref<1x1x2000xf32, #tpu.memory_space<vmem>>
    %dma_wait3A_365 = tpu.memref_squeeze %dma_wait3A_364 : memref<1x1x2000xf32, #tpu.memory_space<vmem>> -> memref<2000xf32, #tpu.memory_space<vmem>>
    %dma_wait3A_366 = arith.constant 0 : i32
    %dma_wait3A_367 = tpu.memref_slice %arg15[%dma_wait3A_361, %dma_wait3A_362, %dma_wait3A_366] : memref<5x1x2000xi32, #tpu.memory_space<vmem>> -> memref<1x1x2000xi32, #tpu.memory_space<vmem>>
    %dma_wait3A_368 = tpu.memref_squeeze %dma_wait3A_367 : memref<1x1x2000xi32, #tpu.memory_space<vmem>> -> memref<2000xi32, #tpu.memory_space<vmem>>
    %dma_wait3A_369 = arith.constant 0 : i32
    %dma_wait3A_370 = tpu.memref_slice %arg7[%dma_wait3A_369] : memref<160000xf32, #tpu.memory_space<vmem_shared>> -> memref<160000xf32, #tpu.memory_space<vmem_shared>>
    tpu.wait_indirect_dma semaphore(%arg21 : memref<!tpu.dma_semaphore, #tpu.memory_space<semaphore_mem>>) src(%dma_wait3A_365 : memref<2000xf32, #tpu.memory_space<vmem>>) dst(%dma_wait3A_370 : memref<160000xf32, #tpu.memory_space<vmem_shared>>)
    %dma_wait3A_371 = arith.constant 1 : i32
    %dma_wait3A_372 = arith.constant 0 : i32
    %dma_wait3A_373 = arith.constant 1 : i32
    %dma_wait3A_374 = arith.constant 0 : i32
    %dma_wait3A_375 = arith.constant 0 : i32
    %dma_wait3A_376 = tpu.memref_slice %arg16[%dma_wait3A_371, %dma_wait3A_372, %dma_wait3A_375] : memref<5x1x2000xf32, #tpu.memory_space<vmem>> -> memref<1x1x2000xf32, #tpu.memory_space<vmem>>
    %dma_wait3A_377 = tpu.memref_squeeze %dma_wait3A_376 : memref<1x1x2000xf32, #tpu.memory_space<vmem>> -> memref<2000xf32, #tpu.memory_space<vmem>>
    %dma_wait3A_378 = arith.constant 0 : i32
    %dma_wait3A_379 = tpu.memref_slice %arg15[%dma_wait3A_373, %dma_wait3A_374, %dma_wait3A_378] : memref<5x1x2000xi32, #tpu.memory_space<vmem>> -> memref<1x1x2000xi32, #tpu.memory_space<vmem>>
    %dma_wait3A_380 = tpu.memref_squeeze %dma_wait3A_379 : memref<1x1x2000xi32, #tpu.memory_space<vmem>> -> memref<2000xi32, #tpu.memory_space<vmem>>
    %dma_wait3A_381 = arith.constant 0 : i32
    %dma_wait3A_382 = tpu.memref_slice %arg7[%dma_wait3A_381] : memref<160000xf32, #tpu.memory_space<vmem_shared>> -> memref<160000xf32, #tpu.memory_space<vmem_shared>>
    tpu.wait_indirect_dma semaphore(%arg21 : memref<!tpu.dma_semaphore, #tpu.memory_space<semaphore_mem>>) src(%dma_wait3A_377 : memref<2000xf32, #tpu.memory_space<vmem>>) dst(%dma_wait3A_382 : memref<160000xf32, #tpu.memory_space<vmem_shared>>)
    %dma_wait3A_383 = arith.constant 2 : i32
    %dma_wait3A_384 = arith.constant 0 : i32
    %dma_wait3A_385 = arith.constant 2 : i32
    %dma_wait3A_386 = arith.constant 0 : i32
    %dma_wait3A_387 = arith.constant 0 : i32
    %dma_wait3A_388 = tpu.memref_slice %arg16[%dma_wait3A_383, %dma_wait3A_384, %dma_wait3A_387] : memref<5x1x2000xf32, #tpu.memory_space<vmem>> -> memref<1x1x2000xf32, #tpu.memory_space<vmem>>
    %dma_wait3A_389 = tpu.memref_squeeze %dma_wait3A_388 : memref<1x1x2000xf32, #tpu.memory_space<vmem>> -> memref<2000xf32, #tpu.memory_space<vmem>>
    %dma_wait3A_390 = arith.constant 0 : i32
    %dma_wait3A_391 = tpu.memref_slice %arg15[%dma_wait3A_385, %dma_wait3A_386, %dma_wait3A_390] : memref<5x1x2000xi32, #tpu.memory_space<vmem>> -> memref<1x1x2000xi32, #tpu.memory_space<vmem>>
    %dma_wait3A_392 = tpu.memref_squeeze %dma_wait3A_391 : memref<1x1x2000xi32, #tpu.memory_space<vmem>> -> memref<2000xi32, #tpu.memory_space<vmem>>
    %dma_wait3A_393 = arith.constant 0 : i32
    %dma_wait3A_394 = tpu.memref_slice %arg7[%dma_wait3A_393] : memref<160000xf32, #tpu.memory_space<vmem_shared>> -> memref<160000xf32, #tpu.memory_space<vmem_shared>>
    tpu.wait_indirect_dma semaphore(%arg21 : memref<!tpu.dma_semaphore, #tpu.memory_space<semaphore_mem>>) src(%dma_wait3A_389 : memref<2000xf32, #tpu.memory_space<vmem>>) dst(%dma_wait3A_394 : memref<160000xf32, #tpu.memory_space<vmem_shared>>)
    %dma_wait3A_395 = arith.constant 3 : i32
    %dma_wait3A_396 = arith.constant 0 : i32
    %dma_wait3A_397 = arith.constant 3 : i32
    %dma_wait3A_398 = arith.constant 0 : i32
    %dma_wait3A_399 = arith.constant 0 : i32
    %dma_wait3A_400 = tpu.memref_slice %arg16[%dma_wait3A_395, %dma_wait3A_396, %dma_wait3A_399] : memref<5x1x2000xf32, #tpu.memory_space<vmem>> -> memref<1x1x2000xf32, #tpu.memory_space<vmem>>
    %dma_wait3A_401 = tpu.memref_squeeze %dma_wait3A_400 : memref<1x1x2000xf32, #tpu.memory_space<vmem>> -> memref<2000xf32, #tpu.memory_space<vmem>>
    %dma_wait3A_402 = arith.constant 0 : i32
    %dma_wait3A_403 = tpu.memref_slice %arg15[%dma_wait3A_397, %dma_wait3A_398, %dma_wait3A_402] : memref<5x1x2000xi32, #tpu.memory_space<vmem>> -> memref<1x1x2000xi32, #tpu.memory_space<vmem>>
    %dma_wait3A_404 = tpu.memref_squeeze %dma_wait3A_403 : memref<1x1x2000xi32, #tpu.memory_space<vmem>> -> memref<2000xi32, #tpu.memory_space<vmem>>
    %dma_wait3A_405 = arith.constant 0 : i32
    %dma_wait3A_406 = tpu.memref_slice %arg7[%dma_wait3A_405] : memref<160000xf32, #tpu.memory_space<vmem_shared>> -> memref<160000xf32, #tpu.memory_space<vmem_shared>>
    tpu.wait_indirect_dma semaphore(%arg21 : memref<!tpu.dma_semaphore, #tpu.memory_space<semaphore_mem>>) src(%dma_wait3A_401 : memref<2000xf32, #tpu.memory_space<vmem>>) dst(%dma_wait3A_406 : memref<160000xf32, #tpu.memory_space<vmem_shared>>)
    %dma_wait3A_407 = arith.constant 4 : i32
    %dma_wait3A_408 = arith.constant 0 : i32
    %dma_wait3A_409 = arith.constant 4 : i32
    %dma_wait3A_410 = arith.constant 0 : i32
    %dma_wait3A_411 = arith.constant 0 : i32
    %dma_wait3A_412 = tpu.memref_slice %arg16[%dma_wait3A_407, %dma_wait3A_408, %dma_wait3A_411] : memref<5x1x2000xf32, #tpu.memory_space<vmem>> -> memref<1x1x2000xf32, #tpu.memory_space<vmem>>
    %dma_wait3A_413 = tpu.memref_squeeze %dma_wait3A_412 : memref<1x1x2000xf32, #tpu.memory_space<vmem>> -> memref<2000xf32, #tpu.memory_space<vmem>>
    %dma_wait3A_414 = arith.constant 0 : i32
    %dma_wait3A_415 = tpu.memref_slice %arg15[%dma_wait3A_409, %dma_wait3A_410, %dma_wait3A_414] : memref<5x1x2000xi32, #tpu.memory_space<vmem>> -> memref<1x1x2000xi32, #tpu.memory_space<vmem>>
    %dma_wait3A_416 = tpu.memref_squeeze %dma_wait3A_415 : memref<1x1x2000xi32, #tpu.memory_space<vmem>> -> memref<2000xi32, #tpu.memory_space<vmem>>
    %dma_wait3A_417 = arith.constant 0 : i32
    %dma_wait3A_418 = tpu.memref_slice %arg7[%dma_wait3A_417] : memref<160000xf32, #tpu.memory_space<vmem_shared>> -> memref<160000xf32, #tpu.memory_space<vmem_shared>>
    tpu.wait_indirect_dma semaphore(%arg21 : memref<!tpu.dma_semaphore, #tpu.memory_space<semaphore_mem>>) src(%dma_wait3A_413 : memref<2000xf32, #tpu.memory_space<vmem>>) dst(%dma_wait3A_418 : memref<160000xf32, #tpu.memory_space<vmem_shared>>)
    %barrier3A_419 = arith.constant 0 : index
    tpu.barrier barrier_id(%barrier3A_419)
    %mul3A_420 = arith.constant 10000 : i32
    %mul3A_421 = arith.muli %arg1, %mul3A_420 : i32
    "tpu.region"() ({
      %run_scoped3A = tpu.sem_alloc : memref<!tpu.dma_semaphore, #tpu.memory_space<semaphore_mem>>
      %dma_start3A_424 = tpu.memref_slice %arg7[%mul3A_421] : memref<160000xf32, #tpu.memory_space<vmem_shared>> -> memref<10000xf32, #tpu.memory_space<vmem_shared>>
      %dma_start3A_425 = tpu.memref_slice %arg7[%mul3A_421] : memref<160000xf32, #tpu.memory_space<vmem_shared>> -> memref<10000xf32, #tpu.memory_space<vmem_shared>>
      tpu.enqueue_dma source(%dma_start3A_425 : memref<10000xf32, #tpu.memory_space<vmem_shared>>) target(%arg8 : memref<10000xf32, #tpu.memory_space<vmem>>) target_semaphore(%run_scoped3A : memref<!tpu.dma_semaphore, #tpu.memory_space<semaphore_mem>>)
      %dma_wait3A_426 = tpu.memref_slice %arg7[%mul3A_421] : memref<160000xf32, #tpu.memory_space<vmem_shared>> -> memref<10000xf32, #tpu.memory_space<vmem_shared>>
      %dma_wait3A_427 = tpu.memref_slice %arg7[%mul3A_421] : memref<160000xf32, #tpu.memory_space<vmem_shared>> -> memref<10000xf32, #tpu.memory_space<vmem_shared>>
      tpu.wait_dma2 semaphore(%run_scoped3A : memref<!tpu.dma_semaphore, #tpu.memory_space<semaphore_mem>>) src(%dma_wait3A_427 : memref<10000xf32, #tpu.memory_space<vmem_shared>>) dst(%arg8 : memref<10000xf32, #tpu.memory_space<vmem>>)
      tpu.yield
    }) : () -> ()
    %mul3A_422 = arith.constant 10000 : i32
    %mul3A_423 = arith.muli %add3A, %mul3A_422 : i32
    "tpu.region"() ({
      %run_scoped3A = tpu.sem_alloc : memref<!tpu.dma_semaphore, #tpu.memory_space<semaphore_mem>>
      %dma_start3A_424 = tpu.memref_slice %arg4[%mul3A_423] : memref<320000xf32, #tpu.memory_space<hbm>> -> memref<10000xf32, #tpu.memory_space<hbm>>
      %dma_start3A_425 = tpu.memref_slice %arg4[%mul3A_423] : memref<320000xf32, #tpu.memory_space<hbm>> -> memref<10000xf32, #tpu.memory_space<hbm>>
      tpu.enqueue_dma source(%arg8 : memref<10000xf32, #tpu.memory_space<vmem>>) target(%dma_start3A_425 : memref<10000xf32, #tpu.memory_space<hbm>>) target_semaphore(%run_scoped3A : memref<!tpu.dma_semaphore, #tpu.memory_space<semaphore_mem>>)
      %dma_wait3A_426 = tpu.memref_slice %arg4[%mul3A_423] : memref<320000xf32, #tpu.memory_space<hbm>> -> memref<10000xf32, #tpu.memory_space<hbm>>
      %dma_wait3A_427 = tpu.memref_slice %arg4[%mul3A_423] : memref<320000xf32, #tpu.memory_space<hbm>> -> memref<10000xf32, #tpu.memory_space<hbm>>
      tpu.wait_dma2 semaphore(%run_scoped3A : memref<!tpu.dma_semaphore, #tpu.memory_space<semaphore_mem>>) src(%arg8 : memref<10000xf32, #tpu.memory_space<vmem>>) dst(%dma_wait3A_427 : memref<10000xf32, #tpu.memory_space<hbm>>)
      tpu.yield
    }) : () -> ()
    return
  }
}

module attributes {stable_mosaic.version = 14 : i64} {
  func.func @_tc_a_body(%arg0: memref<10000x128xf32, #tpu.memory_space<vmem>>, %arg1: memref<10000x1xi32, #tpu.memory_space<vmem>>, %arg2: memref<128x128xf32, #tpu.memory_space<vmem>>, %arg3: memref<10000x128xf32, #tpu.memory_space<vmem>>, %arg4: memref<16x1xf32, #tpu.memory_space<vmem>>) attributes {dimension_semantics = [], scalar_prefetch = 0 : i64, scratch_operands = 0 : i64, tpu.core_type = #tpu.core_type<tc>} {
    %get3A = arith.constant 0 : index
    %get3A_0 = arith.constant 0 : index
    %get3A_1 = vector.load %arg0[%get3A, %get3A_0] : memref<10000x128xf32, #tpu.memory_space<vmem>>, vector<10000x128xf32>
    %get3A_2 = arith.constant 0 : index
    %get3A_3 = arith.constant 0 : index
    %get3A_4 = vector.load %arg2[%get3A_2, %get3A_3] : memref<128x128xf32, #tpu.memory_space<vmem>>, vector<128x128xf32>
    %dot_general3A = arith.constant dense<0.000000e+00> : vector<10000x128xf32>
    %dot_general3A_5 = tpu.matmul %get3A_1, %get3A_4, %dot_general3A {dimension_numbers = #tpu.dot_dimension_numbers<[1], [0], [0], [1], [0, 0, 1, 1], [], []>, transpose_lhs_hint = false} : vector<10000x128xf32>, vector<128x128xf32>, vector<10000x128xf32> -> vector<10000x128xf32>
    %swap3A = arith.constant 0 : index
    %swap3A_6 = arith.constant 0 : index
    %swap3A_7 = vector.load %arg3[%swap3A, %swap3A_6] : memref<10000x128xf32, #tpu.memory_space<vmem>>, vector<10000x128xf32>
    tpu.vector_store %arg3[%swap3A, %swap3A_6], %dot_general3A_5 {strides = array<i32>} : memref<10000x128xf32, #tpu.memory_space<vmem>>, vector<10000x128xf32>,
    %iota3A = tpu.iota {dimensions = array<i32: 1>} : vector<10000x16xi32>
    %get3A_8 = arith.constant 0 : index
    %get3A_9 = arith.constant 0 : index
    %get3A_10 = vector.load %arg1[%get3A_8, %get3A_9] : memref<10000x1xi32, #tpu.memory_space<vmem>>, vector<10000x1xi32>
    %eq3A = vector.broadcast %get3A_10 : vector<10000x1xi32> to vector<10000x16xi32>
    %eq3A_11 = arith.cmpi eq, %eq3A, %iota3A : vector<10000x16xi32>
    %jit3A = arith.constant 1.000000e+00 : f32
    %jit3A_12 = arith.constant 0.000000e+00 : f32
    %broadcast_in_dim3A = vector.broadcast %jit3A : f32 to vector<10000x16xf32>
    %broadcast_in_dim3A_13 = vector.broadcast %jit3A_12 : f32 to vector<10000x16xf32>
    %select_n3A = arith.select %eq3A_11, %broadcast_in_dim3A, %broadcast_in_dim3A_13 : vector<10000x16xi1>, vector<10000x16xf32>
    %broadcast_in_dim3A_14 = arith.constant 1.000000e+00 : f32
    %broadcast_in_dim3A_15 = vector.broadcast %broadcast_in_dim3A_14 : f32 to vector<10000x1xf32>
    %dot_general3A_16 = arith.constant dense<0.000000e+00> : vector<16x1xf32>
    %dot_general3A_17 = tpu.matmul %select_n3A, %broadcast_in_dim3A_15, %dot_general3A_16 {dimension_numbers = #tpu.dot_dimension_numbers<[0], [0], [1], [1], [0, 1, 1, 1], [], []>, precision = #tpu.contract_precision<fp32>, transpose_lhs_hint = false} : vector<10000x16xf32>, vector<10000x1xf32>, vector<16x1xf32> -> vector<16x1xf32>
    %swap3A_18 = arith.constant 0 : index
    %swap3A_19 = arith.constant 0 : index
    %swap3A_20 = vector.load %arg4[%swap3A_18, %swap3A_19] : memref<16x1xf32, #tpu.memory_space<vmem>>, vector<16x1xf32>
    tpu.vector_store %arg4[%swap3A_18, %swap3A_19], %dot_general3A_17 {strides = array<i32>} : memref<16x1xf32, #tpu.memory_space<vmem>>, vector<16x1xf32>,
    return
  }
}

module attributes {stable_mosaic.version = 14 : i64} {
  func.func @_tc_b_body(%arg0: memref<2x16x10000xf32, #tpu.memory_space<vmem>>, %arg1: memref<10000x128xf32, #tpu.memory_space<vmem>>, %arg2: memref<16x1xf32, #tpu.memory_space<vmem>>, %arg3: memref<1x128xf32, #tpu.memory_space<vmem>>, %arg4: memref<128x10xf32, #tpu.memory_space<vmem>>, %arg5: memref<1x10xf32, #tpu.memory_space<vmem>>, %arg6: memref<16x10xf32, #tpu.memory_space<vmem>>) attributes {dimension_semantics = [], scalar_prefetch = 0 : i64, scratch_operands = 0 : i64, tpu.core_type = #tpu.core_type<tc>} {
    %get3A = arith.constant 0 : index
    %get3A_0 = arith.constant 0 : index
    %get3A_1 = arith.constant 0 : index
    %get3A_2 = vector.load %arg0[%get3A, %get3A_0, %get3A_1] : memref<2x16x10000xf32, #tpu.memory_space<vmem>>, vector<1x16x10000xf32>
    %get3A_3 = vector.shape_cast %get3A_2 : vector<1x16x10000xf32> to vector<16x10000xf32>
    %get3A_4 = arith.constant 1 : index
    %get3A_5 = arith.constant 0 : index
    %get3A_6 = arith.constant 0 : index
    %get3A_7 = vector.load %arg0[%get3A_4, %get3A_5, %get3A_6] : memref<2x16x10000xf32, #tpu.memory_space<vmem>>, vector<1x16x10000xf32>
    %get3A_8 = vector.shape_cast %get3A_7 : vector<1x16x10000xf32> to vector<16x10000xf32>
    %add3A = arith.addf %get3A_3, %get3A_8 : vector<16x10000xf32>
    %get3A_9 = arith.constant 0 : index
    %get3A_10 = arith.constant 0 : index
    %get3A_11 = vector.load %arg1[%get3A_9, %get3A_10] : memref<10000x128xf32, #tpu.memory_space<vmem>>, vector<10000x128xf32>
    %dot_general3A = arith.constant dense<0.000000e+00> : vector<16x128xf32>
    %dot_general3A_12 = tpu.matmul %add3A, %get3A_11, %dot_general3A {dimension_numbers = #tpu.dot_dimension_numbers<[1], [0], [0], [1], [0, 0, 1, 1], [], []>, precision = #tpu.contract_precision<fp32>, transpose_lhs_hint = false} : vector<16x10000xf32>, vector<10000x128xf32>, vector<16x128xf32> -> vector<16x128xf32>
    %get3A_13 = arith.constant 0 : index
    %get3A_14 = arith.constant 0 : index
    %get3A_15 = vector.load %arg2[%get3A_13, %get3A_14] : memref<16x1xf32, #tpu.memory_space<vmem>>, vector<16x1xf32>
    %get3A_16 = arith.constant 0 : index
    %get3A_17 = arith.constant 0 : index
    %get3A_18 = vector.load %arg3[%get3A_16, %get3A_17] : memref<1x128xf32, #tpu.memory_space<vmem>>, vector<1x128xf32>
    %mul3A = vector.broadcast %get3A_15 : vector<16x1xf32> to vector<16x128xf32>
    %mul3A_19 = vector.broadcast %get3A_18 : vector<1x128xf32> to vector<16x128xf32>
    %mul3A_20 = arith.mulf %mul3A, %mul3A_19 : vector<16x128xf32>
    %add3A_21 = arith.addf %dot_general3A_12, %mul3A_20 : vector<16x128xf32>
    %get3A_22 = arith.constant 0 : index
    %get3A_23 = arith.constant 0 : index
    %get3A_24 = vector.load %arg4[%get3A_22, %get3A_23] : memref<128x10xf32, #tpu.memory_space<vmem>>, vector<128x10xf32>
    %dot_general3A_25 = arith.constant dense<0.000000e+00> : vector<16x10xf32>
    %dot_general3A_26 = tpu.matmul %add3A_21, %get3A_24, %dot_general3A_25 {dimension_numbers = #tpu.dot_dimension_numbers<[1], [0], [0], [1], [0, 0, 1, 1], [], []>, precision = #tpu.contract_precision<fp32>, transpose_lhs_hint = false} : vector<16x128xf32>, vector<128x10xf32>, vector<16x10xf32> -> vector<16x10xf32>
    %get3A_27 = arith.constant 0 : index
    %get3A_28 = arith.constant 0 : index
    %get3A_29 = vector.load %arg5[%get3A_27, %get3A_28] : memref<1x10xf32, #tpu.memory_space<vmem>>, vector<1x10xf32>
    %add3A_30 = vector.broadcast %get3A_29 : vector<1x10xf32> to vector<16x10xf32>
    %add3A_31 = arith.addf %dot_general3A_26, %add3A_30 : vector<16x10xf32>
    %reduce_max3A = arith.constant dense<0xFF800000> : vector<16xf32>
    %reduce_max3A_32 = vector.multi_reduction <maximumf>, %add3A_31, %reduce_max3A [1] : vector<16x10xf32> to vector<16xf32>
    %broadcast_in_dim3A = vector.shape_cast %reduce_max3A_32 : vector<16xf32> to vector<16x1xf32>
    %sub3A = vector.broadcast %broadcast_in_dim3A : vector<16x1xf32> to vector<16x10xf32>
    %sub3A_33 = arith.subf %add3A_31, %sub3A : vector<16x10xf32>
    %exp3A = math.exp %sub3A_33 : vector<16x10xf32>
    %reduce_sum3A = arith.constant dense<0.000000e+00> : vector<16xf32>
    %reduce_sum3A_34 = vector.multi_reduction <add>, %exp3A, %reduce_sum3A [1] : vector<16x10xf32> to vector<16xf32>
    %broadcast_in_dim3A_35 = vector.shape_cast %reduce_sum3A_34 : vector<16xf32> to vector<16x1xf32>
    %div3A = vector.broadcast %broadcast_in_dim3A_35 : vector<16x1xf32> to vector<16x10xf32>
    %div3A_36 = arith.divf %exp3A, %div3A : vector<16x10xf32>
    %swap3A = arith.constant 0 : index
    %swap3A_37 = arith.constant 0 : index
    %swap3A_38 = vector.load %arg6[%swap3A, %swap3A_37] : memref<16x10xf32, #tpu.memory_space<vmem>>, vector<16x10xf32>
    tpu.vector_store %arg6[%swap3A, %swap3A_37], %div3A_36 {strides = array<i32>} : memref<16x10xf32, #tpu.memory_space<vmem>>, vector<16x10xf32>,
    return
  }
}

</mosaic_0001>

<sc_bundles>
// kernel: kernel.5.cloned.1.call-start
scs
__scs_entry_jumppad:
0x0: {  	(pc) =	sbr.rel $0x88, $3  }
0x1: {  	(tag) =	ssettag $0x0;
	lr =	simm.s32 $0x1  }
0x2: {  	[smem:$0x3F9A] =	sst lr;
	_ =	strace $0xD0000000  }
0x3: {  	_ = 	snop  }
0x4: {  	_ = 	snop  }
0x5: {  	_ = 	snop  }
0x6: {  	_ = 	snop  }
0x7: {  	_ = 	snop  }
__scs_overlays_trampoline_lowered:
0x8: {  	[smem:$0x3FA9] =	sst s0  }
0x9: {  	[smem:$0x3FAA] =	sst s1  }
0xa: {  	[smem:$0x3FAB] =	sst s2  }
0xb: {  	[smem:$0x3FAC] =	sst s3  }
0xc: {  	[smem:$0x3FAD] =	sst s4  }
0xd: {  	[smem:$0x3FAE] =	sst s5  }
0xe: {  	[smem:$0x3FAF] =	sst s6  }
0xf: {  	[smem:$0x3FB0] =	sst s7  }
0x10: {  	[smem:$0x3FB1] =	sst s8  }
0x11: {  	[smem:$0x3FB2] =	sst s9;
	s0 =	simm.s32 @!p0 $0x0  }
0x12: {  	s1 =	sld [smem:$0x3F98];
	s0 =	simm.s32 @p0 $0x1  }
0x13: {  	[smem:$0x3FB3] =	sst s0;
	s0 =	simm.s32 @!p1 $0x0  }
0x14: {  	s2 =	sld [smem:$0x3F97];
	s0 =	simm.s32 @p1 $0x1  }
0x15: {  	[smem:$0x3FB4] =	sst s0;
	s0 =	simm.s32 @!p2 $0x0  }
0x16: {  	s3 =	sld [smem:$0x3FDB];
	s0 =	simm.s32 @p2 $0x1  }
0x17: {  	s4 =	simm.s32 $0x1BF5;
	[smem:$0x3FB6] =	sst s0  }
0x18: {  	s0 =	sld [smem:$0x3F99];
	_ =	swait.ge [sflag:s4], $0x0  }
0x19: {  	s7 =	sld [smem:$0x3F9A]  }
0x1a: {  	s8 =	sadd.s32 $0xFFFFE003, lr  }
0x1b: {  	s9 =	sadd.s32 $0xFFFFFEF7, lr;
	s5 =	simm.s32 $0xFFFFFFFF;
	p2 =	slt.u32 s8, $0xFFFFF086  }
0x1c: {  	p1 =	slt.u32 s9, $0xF7A;
	s5 =	simm.s32 @!p2 $0x0  }
0x1d: {  	s5 =	simm.s32 @p1 $0x1;
	p0 =	seq.s32 s7, s2  }
0x1e: {  	s7 =	smul.u32 @!p0 $0xF7A, s2;
	p2 =	seq.s32 @!p0 s5, $0x0  }
0x1f: {  	s9 =	smul.u32 $0xF7A, s1;
	s8 =	simm.s32 @!p0 $0x1BF5;
	p2 =	por !p2, p0  }
0x20: {  	[sflag:s8] =	ssyncset.s32 @!p0 $0xFFFFF086;
	s6 =	sadd.s32 @!p0 s3, s7;
	s7 =	simm.s32 @!p0 $0x108  }
0x21: {  	s3 =	sadd.s32 s3, s9;
	s6 =	sadd.s32 @!p0 $0x88, s6;
	s7 =	simm.s32 @p2 $0x1082  }
0x22: {  	[simem:s7], [sflag:s8] =	dma.local @!p0 [hbm:s6], $0xF7A  }
0x23: {  	s9 =	sor.u32 $0xD0000000, s2;
	s6 =	simm.s32 $0x108;
	_ =	swait.ge @!p0 [sflag:s8], $0x0  }
0x24: {  	s3 =	sadd.s32 $0x88, s3;
	s6 =	simm.s32 @!p1 $0x1082;
	[sflag:s4] =	ssyncset.s32 $0xFFFFF086  }
0x25: {  	[simem:s6], [sflag:s4] =	dma.local [hbm:s3], $0xF7A  }
0x26: {  	[smem:$0x3F9A] =	sst s1;
	(tag) =	ssettag s2;
	_ =	strace s9  }
0x27: {  	s1 =	sld [smem:$0x3FAA]  }
0x28: {  	s2 =	sld [smem:$0x3FAB]  }
0x29: {  	s4 =	sld [smem:$0x3FAD]  }
0x2a: {  	p0 =	seq.s32 s5, $0x0;
	s5 =	sld [smem:$0x3FAE]  }
0x2b: {  	s6 =	sld [smem:$0x3FAF]  }
0x2c: {  	s7 =	sld [smem:$0x3FB0]  }
0x2d: {  	s3 =	simm.s32 $0x108;
	s8 =	sld [smem:$0x3FB1]  }
0x2e: {  	s3 =	simm.s32 @!p0 $0x1082;
	s9 =	sld [smem:$0x3FB2]  }
0x2f: {  	lr =	sadd.s32 s0, s3;
	s0 =	sld [smem:$0x3FA9]  }
0x30: {  	s3 =	sld [smem:$0x3FAC]  }
0x31: {  	[smem:$0x3FB5] =	sst s10  }
0x32: {  	s10 =	sld [smem:$0x3FB3];
	_ =	sdelay $0x3  }
0x33: {  	p0 =	seq.s32 s10, $0x1;
	s10 =	sld [smem:$0x3FB5];
	_ =	sdelay $0x3  }
0x34: {  	[smem:$0x3FB5] =	sst s10  }
0x35: {  	s10 =	sld [smem:$0x3FB4];
	_ =	sdelay $0x3  }
0x36: {  	p1 =	seq.s32 s10, $0x1;
	s10 =	sld [smem:$0x3FB5];
	_ =	sdelay $0x3  }
0x37: {  	[smem:$0x3FB5] =	sst s10  }
0x38: {  	s10 =	sld [smem:$0x3FB6]  }
0x39: {  	_ = 	snop;
	(pc) =	sbr.ind lr, $3  }
0x3a: {  	_ = 	snop  }
0x3b: {  	_ = 	snop  }
0x3c: {  	p2 =	seq.s32 s10, $0x1;
	s10 =	sld [smem:$0x3FB5]  }
0x3d: {  	_ =	shalt  }
0x3e: {  	_ =	shalt  }
0x3f: {  	_ =	shalt  }
0x40: {  	_ =	shalt  }
0x41: {  	_ =	shalt  }
0x42: {  	_ =	shalt  }
0x43: {  	_ =	shalt  }
0x44: {  	_ =	shalt  }
0x45: {  	_ =	shalt  }
0x46: {  	_ =	shalt  }
0x47: {  	_ =	shalt  }
0x48: {  	_ =	shalt  }
0x49: {  	_ =	shalt  }
0x4a: {  	_ =	shalt  }
0x4b: {  	_ =	shalt  }
0x4c: {  	_ =	shalt  }
0x4d: {  	_ =	shalt  }
0x4e: {  	_ =	shalt  }
0x4f: {  	_ =	shalt  }
0x50: {  	_ =	shalt  }
0x51: {  	_ =	shalt  }
0x52: {  	_ =	shalt  }
0x53: {  	_ =	shalt  }
0x54: {  	_ =	shalt  }
0x55: {  	_ =	shalt  }
0x56: {  	_ =	shalt  }
0x57: {  	_ =	shalt  }
0x58: {  	_ =	shalt  }
0x59: {  	_ =	shalt  }
0x5a: {  	_ =	shalt  }
0x5b: {  	_ =	shalt  }
0x5c: {  	_ =	shalt  }
0x5d: {  	_ =	shalt  }
0x5e: {  	_ =	shalt  }
0x5f: {  	_ =	shalt  }
0x60: {  	_ =	shalt  }
0x61: {  	_ =	shalt  }
0x62: {  	_ =	shalt  }
0x63: {  	_ =	shalt  }
0x64: {  	_ =	shalt  }
0x65: {  	_ =	shalt  }
0x66: {  	_ =	shalt  }
0x67: {  	_ =	shalt  }
0x68: {  	_ =	shalt  }
0x69: {  	_ =	shalt  }
0x6a: {  	_ =	shalt  }
0x6b: {  	_ =	shalt  }
0x6c: {  	_ =	shalt  }
0x6d: {  	_ =	shalt  }
0x6e: {  	_ =	shalt  }
0x6f: {  	_ =	shalt  }
0x70: {  	_ =	shalt  }
0x71: {  	_ =	shalt  }
0x72: {  	_ =	shalt  }
0x73: {  	_ =	shalt  }
0x74: {  	_ =	shalt  }
0x75: {  	_ =	shalt  }
0x76: {  	_ =	shalt  }
0x77: {  	_ =	shalt  }
0x78: {  	_ =	shalt  }
0x79: {  	_ =	shalt  }
0x7a: {  	_ =	shalt  }
0x7b: {  	_ =	shalt  }
0x7c: {  	_ =	shalt  }
0x7d: {  	_ =	shalt  }
0x7e: {  	_ =	shalt  }
0x7f: {  	_ =	shalt  }
0x80: {  	_ =	shalt  }
0x81: {  	_ =	shalt  }
0x82: {  	_ =	shalt  }
0x83: {  	_ =	shalt  }
0x84: {  	_ =	shalt  }
0x85: {  	_ =	shalt  }
0x86: {  	_ =	shalt  }
0x87: {  	_ =	shalt  }
.Lfunc_end0:
.L_simem_size_0:
called_computation_lowered:
.L_overlay_start_0:
0x88: {  	s2 =	sld [smem:$0x3FD9]  }
0x89: {  	s3 =	sld [smem:$0x3FFE];
	_ =	sdelay $0x1  }
0x8a: {  	s1 =	srdreg.scid  }
0x8b: {  	s0 =	sand.u32 $0x1, s1  }
0x8c: {  	s17 =	sshll.u32 s0, $0xA;
	s2 =	sadd.s32 s3, s2  }
0x8d: {  	s2 =	sadd.s32 s2, s17  }
0x8e: {  	[smem:$0x3FC1] =	sst s2  }
0x8f: {  	_ = 	snop  }
0x90: {  	s2 =	sld [smem:$0x3FC8]  }
0x91: {  	s18 =	sld [smem:$0x3FC7];
	(tm) =	ssettm $0x1  }
0x92: {  	s4 =	sld [smem:$0x3FFB];
	_ =	sdelay $0x3  }
0x93: {  	_ =	strace s4  }
0x94: {  	s4 =	sld [smem:$0x3FFC];
	_ =	sdelay $0x3  }
0x95: {  	_ =	strace s4  }
0x96: {  	s4 =	sld [smem:$0x3FFD];
	_ =	sdelay $0x3  }
0x97: {  	_ =	strace s4  }
0x98: {  	_ =	strace $0x8FFFFFFF  }
0x99: {  	s19 =	sld [smem:$0x3FDB];
	_ =	sdelay $0x1  }
0x9a: {  	s5 =	simm.s32 $_scs_section_size  }
0x9b: {  	s6 =	simm.s32 $_size__tile_overlayer_lowered;
	s7 =	simm.s32 $_tile_overlayer_lowered  }
0x9c: {  	s22 =	simm.s32 $0x1BFF;
	s21 =	sshll.u32 s7, $0x1;
	s4 =	sadd.s32 s5, s19  }
0x9d: {  	s8 =	simm.s32 $0x0;
	s20 =	sshll.u32 s6, $0x1;
	s6 =	sadd.s32 s21, s4  }
0x9e: {  	[timem:s8], [sflag:s22] =	dma.local [hbm:s6], s20  }
0x9f: {  	_ =	swait.ge [sflag:s22], s20  }
0xa0: {  	s5 =	ssub.s32 $0x0, s20;
	[sflag:s22] =	ssyncset.done $0x0  }
0xa1: {  	[sflag:s22] =	ssyncadd.s32 s5;
	_ =	sdelay $0x1  }
0xa2: {  	s23 =	simm.s32 $0x1B8B  }
0xa3: {  	_ =	swait.ge [sflag:s23], $0x1  }
0xa4: {  	[sflag:s23] =	ssyncset.done $0x0  }
0xa5: {  	s25 =	simm.s32 $0x1B8E;
	s24 =	sld [smem:$0x3FFE];
	[sflag:s23] =	ssyncadd.s32 $0xFFFFFFFF  }
0xa6: {  	s26 =	simm.s32 $execute0_lowered;
	[smem:$0x3FD2] =	sst s25  }
0xa7: {  	s6 =	sshll.u32 s26, $0x1;
	_ =	strace $0x80000046;
	[dreg:$0x1] =	wrdreg $0xFFFFFFFF  }
0xa8: {  	s28 =	simm.s32 $_size_execute0_lowered;
	s4 =	sadd.s32 s4, s6;
	[dreg:$0x0] =	wrdreg $0x0  }
0xa9: {  	s6 =	sshll.u32 s28, $0x1;
	[dreg:$0x2] =	wrdreg s4  }
0xaa: {  	[dreg:$0x3] =	wrdreg s6  }
0xab: {  	[dreg:$0x4] =	wrdreg $0xC0  }
0xac: {  	_ =	task [dreg:s8], $0x5FFFF  }
0xad: {  	[dreg:$0x1] =	wrdreg $0xFFFFFFFF  }
0xae: {  	[dreg:$0x0] =	wrdreg $0x60  }
0xaf: {  	[dreg:$0x2] =	wrdreg s2  }
0xb0: {  	[dreg:$0x3] =	wrdreg s18  }
0xb1: {  	[dreg:$0x4] =	wrdreg s24  }
0xb2: {  	[dreg:$0x5] =	wrdreg $0x0  }
0xb3: {  	[dreg:$0x6] =	wrdreg $0x5000  }
0xb4: {  	[dreg:$0x7] =	wrdreg $0x2800  }
0xb5: {  	[dreg:$0x8] =	wrdreg $0x9  }
0xb6: {  	_ =	task.clear_ibuf [dreg:s8], $0x9FFFF;
	_ =	strace $0x90000046  }
0xb7: {  	s29 =	simm.s32 $0x9;
	_ =	strace $0x80000048  }
0xb8: {  	_ =	swait.ge [sflag:s29], $0x1  }
0xb9: {  	[sflag:s29] =	ssyncadd.s32 $0xFFFFFFFF  }
0xba: {  	_ =	strace $0x90000048  }
0xbb: {  	_ =	sfence  }
0xbc: {  	s30 =	sld [smem:$0x0];
	_ =	sdelay $0x2  }
0xbd: {  	s31 =	sshll.u32 s1, $0xD;
	s1 =	sshrl.u32 s1, $0x2  }
0xbe: {  	s3 =	sand.u32 $0x4000, s31;
	s1 =	sadd.s32 s1, s30  }
0xbf: {  	s0 =	sor.u32 s3, s0;
	s1 =	sshll.u32 s1, $0x11  }
0xc0: {  	s0 =	sor.u32 s1, s0  }
0xc1: {  	s0 =	sadd.s32 $0x8F2B, s0  }
0xc2: {  	[sflag:s0] =	ssyncadd.remote.s32 $0x1  }
0xc3: {  	_ =	sfence.sel $0xFFFF  }
0xc4: {  	[dreg:$0x0] =	wrdreg $0xFFFFFFFF;
	(pc) =	sbr.abs _section_cstart, $3  }
0xc5: {  	[dreg:$0x1] =	wrdreg $0xFFFFFFFF  }
0xc6: {  	_ =	task.clear_ibuf [dreg:s8], $0x2FFFF;
	_ =	strace $0x9FFFFFFF  }
0xc7: {  	(tm) =	ssettm $0x7FFFFFFF  }
tec
execute0_lowered:
.L_overlay_start_1:
0x0: {  	(tag) =	ssettag $0x1  }
0x1: {  	s1 =	rddreg [dreg:$0x0]  }
0x2: {  	s2 =	rddreg [dreg:$0x2]  }
0x3: {  	s12 =	rddreg [dreg:$0x3]  }
0x4: {  	s0 =	srdreg.scid;
	s13 =	stileid.u32  }
0x5: {  	s11 =	rddreg [dreg:$0x4];
	s7 =	smul.u32 $0x9C4, s13  }
0x6: {  	s14 =	rddreg [dreg:$0x5];
	s8 =	smul.u32 $0x4E20, s13  }
0x7: {  	s29 =	simm.s32 $0x0;
	s0 =	sand.u32 $0x1, s0;
	s10 =	smul.u32 $0x9C40, s13  }
0x8: {  	[smem:$0x7FF] =	sst s29;
	s15 =	smul.u32 $0x280, s13;
	s3 =	sshll.u32 s0, $0x4  }
0x9: {  	_ =	strace $0x80000047;
	s6 =	ssub.s32 $0x2, s0;
	s3 =	sor.u32 s13, s3  }
0xa: {  	s22 =	sshrl.u32 s6, $0x1;
	s24 =	sshrl.u32 s10, $0x2;
	s4 =	smul.u32 $0x2710, s3  }
0xb: {  	[dreg:$0x9] =	wrdreg s15;
	s3 =	smul.u32 $0x9C4, s3;
	s18 =	sadd.s32 s24, s11  }
0xc: {  	[dreg:$0xa] =	wrdreg s18;
	s5 =	sshrl.u32 s4, $0x3;
	s20 =	sand.u32 $0x70, s4  }
0xd: {  	s3 =	sand.u32 $0x1FFE0, s3;
	s2 =	sadd.s32 s5, s2;
	s5 =	ssub.s32 s6, s22  }
0xe: {  	s6 =	sshrl.u32 s7, $0x4;
	s25 =	sadd.s32 $0x7C0, s20;
	s31 =	sadd.s32 $0xF90, s20  }
0xf: {  	s11 =	sadd.s32 $0x1760, s20;
	s19 =	sadd.s32 $0x1F30, s20;
	[dreg:$0x7] =	wrdreg s20  }
0x10: {  	s7 =	sshll.u32 s6, $0x7;
	s9 =	sshll.u32 s6, $0x5;
	s26 =	sshll.u32 s25, $0x1  }
0x11: {  	s28 =	sand.u32 $0x70, s25;
	s4 =	sand.u32 $0x70, s31;
	s24 =	sadd.s32 $0x1200, s2  }
0x12: {  	s17 =	sshll.u32 s11, $0x1;
	s25 =	smax.u32 s5, $0x1;
	[dreg:$0x10] =	wrdreg s24  }
0x13: {  	s23 =	sadd.s32 s1, s9;
	s1 =	sadd.s32 s1, s3;
	[dreg:$0x11] =	wrdreg s25  }
0x14: {  	s21 =	sshll.u32 s19, $0x1;
	[dreg:$0xb] =	wrdreg s1;
	s1 =	sand.u32 $0x1F00, s26  }
0x15: {  	s9 =	sshll.u32 s31, $0x1;
	[dreg:$0x8] =	wrdreg s23;
	s16 =	sor.u32 s28, s1  }
0x16: {  	s1 =	sand.u32 $0x3F00, s9;
	s9 =	sand.u32 $0x2F00, s17;
	s28 =	ssub.s32 s8, s7  }
0x17: {  	s17 =	sor.u32 s4, s1;
	s4 =	sadd.s32 $0x30, s28;
	[dreg:$0xc] =	wrdreg s16  }
0x18: {  	s22 =	sand.u32 $0x70, s19;
	s19 =	sadd.s32 $0x5B90, s16;
	[dreg:$0x13] =	wrdreg s4  }
0x19: {  	s3 =	sand.u32 $0x70, s11;
	s23 =	smul.u32 $0x2710, s13;
	[dreg:$0x1b] =	wrdreg s19  }
0x1a: {  	s26 =	sshll.u32 s6, $0x8;
	s9 =	sor.u32 s3, s9;
	[dreg:$0xd] =	wrdreg s17  }
0x1b: {  	s1 =	sand.u32 $0x3F00, s21;
	s2 =	sadd.s32 $0x4E00, s28;
	[dreg:$0xe] =	wrdreg s9  }
0x1c: {  	s11 =	sor.u32 s22, s1;
	s1 =	ssub.s32 s10, s26;
	[dreg:$0x14] =	wrdreg s2  }
0x1d: {  	s31 =	sshrl.u32 s23, $0x4;
	s23 =	sadd.s32 $0x5B90, s17;
	[dreg:$0x12] =	wrdreg s1  }
0x1e: {  	s24 =	sadd.s32 $0x5B90, s9;
	[dreg:$0x1c] =	wrdreg s23  }
0x1f: {  	s30 =	simm.s32 $0x5B90;
	[dreg:$0x1d] =	wrdreg s24  }
0x20: {  	p0 =	sne.s32 s0, $0x0;
	s26 =	sadd.s32 s15, s14;
	[dreg:$0xf] =	wrdreg s11  }
0x21: {  	s3 =	simm.s32 $0x7D0;
	s28 =	sshll.u32 s2, $0x1;
	[dreg:$0x1f] =	wrdreg s26  }
0x22: {  	s5 =	sand.u32 $0x7, s31;
	s22 =	sadd.s32 s15, s12;
	[smem:$0x7FC] =	sst s28  }
0x23: {  	s1 =	sshll.u32 s5, $0x5;
	s25 =	sadd.s32 $0x5B90, s11;
	[dreg:$0x1a] =	wrdreg s22  }
0x24: {  	s16 =	simm.s32 $0x6;
	s6 =	sadd.s32 $0x60, s1;
	[dreg:$0x1e] =	wrdreg s25  }
0x25: {  	s2 =	simm.s32 $0x2C10;
	s7 =	sor.u32 $0x1000, s1;
	[dreg:$0x15] =	wrdreg s6  }
.Ltmp0:
0x26: {  	s8 =	sadd.s32 $0x1FA0, s1;
	[dreg:$0x16] =	wrdreg s7;
	(pc) =	sbr.rel .LBB2_1-.Ltmp0, $4  }
0x27: {  	s17 =	simm.s32 $0x3;
	s10 =	sadd.s32 $0x2F40, s1;
	[dreg:$0x17] =	wrdreg s8  }
0x28: {  	s21 =	sshll.u32 s5, $0x4;
	s13 =	sadd.s32 $0x3EE0, s1;
	[dreg:$0x18] =	wrdreg s10  }
0x29: {  	s31 =	sadd.s32 $0x30, s21;
	s1 =	simm.s32 $0x0;
	[dreg:$0x19] =	wrdreg s13  }
0x2a: {  	v0 =	vimm.f32 $0.0e+00;
	v1 =	vimm.f32 $1.000000000e+00;
	v2 =	vlaneseq.u32;
	[smem:$0x7FD] =	sst s31;
	s8 =	simm.s32 $0x14890;
	s6 =	simm.s32 $0x17010  }
.LBB2_38:
0x2b: {  	_ =	sdelay $0x3  }
0x2c: {  	v4 =	vld.idx.msk [tilespmem:v4+s6+$0x0], $0xffff  }
0x2d: {  	v3 =	vld.idx.msk [tilespmem:v3+s6+$0x0], $0xffff;
	_ =	sdelay $0x1  }
0x2e: {  	v9 =	vmov s0;
	v5 =	vmul.f32 v5, v5  }
0x2f: {  	[tilespmem:s1+$0x0] =	vst v8;
	v6 =	vmul.f32 v6, v6;
	vm2 =	vlt.u32 v9, $0x2710  }
0x30: {  	[tilespmem:s1+$0xFFFFFFE0] =	vst v7;
	s26 =	sadd.s32 $0x40, s1;
	v5 =	vnsel vm2, $0x0, v5;
	v4 =	vmul.f32 v4, v4  }
0x31: {  	vm14 =	vmmov vm4;
	v63 =	vnsel vm0, $0x0, v6;
	[tilespmem:s26+$0x10] =	vst v5;
	v3 =	vmul.f32 v3, v3  }
0x32: {  	vm15 =	vmmov vm1;
	[tilespmem:s26+$0xFFFFFFF0] =	vst v63;
	v4 =	vnsel vm14, $0x0, v4  }
0x33: {  	s28 =	rddreg [dreg:$0x4];
	v3 =	vnsel vm15, $0x0, v3;
	[tilespmem:s26+$0x0] =	vst v4  }
0x34: {  	s31 =	simm.s32 $0x280;
	s2 =	simm.s32 $0x1EA90;
	s4 =	simm.s32 $0x1ED10;
	[tilespmem:s26+$0xFFFFFFE0] =	vst v3  }
0x35: {  	[spmem:s28] =	stream.indirect.scatter.add.f32 [tilespmem:s4], [sflag:$0x3], $0x1, s2, s31, $0xb8;
	[tilespmem:$0x1EF90] =	vst v63  }
0x36: {  	_ =	swait.ge [sflag:s17], $0x280  }
0x37: {  	[sflag:s17] =	ssyncset.done $0x0  }
0x38: {  	s1 =	sld [smem:$0x7FB];
	[sflag:s17] =	ssyncadd.s32 $0xFFFFFD80  }
.LBB2_39:
0x39: {  	_ =	swait.ge [sflag:s17], $0x7D0  }
0x3a: {  	[sflag:s17] =	ssyncset.done $0x0  }
0x3b: {  	[sflag:s17] =	ssyncadd.s32 $0xFFFFF830  }
0x3c: {  	_ =	swait.ge [sflag:s17], $0x7D0  }
0x3d: {  	[sflag:s17] =	ssyncset.done $0x0  }
0x3e: {  	[sflag:s17] =	ssyncadd.s32 $0xFFFFF830  }
0x3f: {  	_ =	swait.ge [sflag:s17], $0x7D0  }
0x40: {  	[sflag:s17] =	ssyncset.done $0x0  }
0x41: {  	[sflag:s17] =	ssyncadd.s32 $0xFFFFF830  }
0x42: {  	_ =	swait.ge [sflag:s17], $0x7D0  }
0x43: {  	[sflag:s17] =	ssyncset.done $0x0  }
0x44: {  	[sflag:s17] =	ssyncadd.s32 $0xFFFFF830  }
0x45: {  	_ =	swait.ge [sflag:s17], $0x7D0  }
0x46: {  	[sflag:s17] =	ssyncset.done $0x0  }
0x47: {  	[sflag:s17] =	ssyncadd.s32 $0xFFFFF830  }
0x48: {  	s2 =	simm.s32 $0x2C10;
	[bflag:$0x0] =	sbarrier.arrive $0xFFFF  }
0x49: {  	[tilespmem:s2], [sflag:$0x6] =	stream.linear.gather [spmem:s18], $0x2710, $0x38;
	[tilespmem:$0x1EF90] =	vst v63  }
0x4a: {  	_ =	swait.ge [sflag:s16], $0x2710  }
0x4b: {  	[sflag:s16] =	ssyncset.done $0x0  }
0x4c: {  	s0 =	rddreg [dreg:$0x10];
	[sflag:s16] =	ssyncadd.s32 $0xFFFFD8F0  }
0x4d: {  	[hbm4b:s0+s29] =	stream.linear.scatter [tilespmem:s2], [sflag:$0x6], $0x2710, $0x38;
	[tilespmem:$0x1EF90] =	vst v63  }
0x4e: {  	_ =	swait.ge [sflag:s16], $0x2710  }
0x4f: {  	s1 =	sadd.s32 $0x1, s1;
	s31 =	rddreg [dreg:$0x11]  }
0x50: {  	p1 =	sne.s32 s1, s31  }
.Ltmp1:
0x51: {  	_ = 	snop;
	(pc) =	sbr.rel @!p1 .LBB2_40-.Ltmp1, $3  }
0x52: {  	_ =	sdelay $0x1  }
0x53: {  	[sflag:s16] =	ssyncset.done $0x0  }
0x54: {  	[sflag:s16] =	ssyncadd.s32 $0xFFFFD8F0  }
.LBB2_1:
0x55: {  	[smem:$0x7FB] =	sst s1  }
0x56: {  	s0 =	rddreg [dreg:$0x8]  }
0x57: {  	[tilespmem:s30], [sflag:$0x4] =	stream.linear.gather [hbm4b:s0+s29], $0x9D00, $0x38;
	[tilespmem:$0x1EF90] =	vst v63  }
0x58: {  	s31 =	rddreg [dreg:$0x1];
	s0 =	simm.s32 $0x2C30  }
0x59: {  	[tilespmem:s8], [sflag:$0x1] =	stream.linear.gather [hbm4b:s31+s29], $0x2780, $0x38;
	[tilespmem:$0x1EF90] =	vst v63  }
0x5a: {  	[tilespmem:s0+$0xFFFFFFE0] =	vst v0  }
0x5b: {  	[tilespmem:s0+$0x10] =	vst v0  }
0x5c: {  	s1 =	simm.s32 $0x0;
	[tilespmem:s0+$0x0] =	vst v0  }
.LBB2_2:
0x5d: {  	s1 =	sadd.s32 $0x4, s1  }
0x5e: {  	[tilespmem:s0+$0xFFFFFFF0] =	vst v0;
	s0 =	sadd.s32 $0x40, s0;
	p1 =	slt.u32 s1, $0x26C  }
.Ltmp2:
0x5f: {  	[tilespmem:s0+$0xFFFFFFE0] =	vst v0;
	(pc) =	sbr.rel @p1 .LBB2_2-.Ltmp2, $3  }
0x60: {  	_ =	sdelay $0x1  }
0x61: {  	[tilespmem:s0+$0x10] =	vst v0  }
0x62: {  	[tilespmem:s0+$0x0] =	vst v0  }
0x63: {  	[tilespmem:s0+$0xFFFFFFF0] =	vst v0  }
0x64: {  	s0 =	simm.s32 $0x53B0;
	[tilespmem:$0x5310] =	vst v0  }
0x65: {  	[tilespmem:s0+$0xFFFFFFE0] =	vst v1  }
0x66: {  	[tilespmem:s0+$0x10] =	vst v1  }
0x67: {  	s1 =	simm.s32 $0x0;
	[tilespmem:s0+$0x0] =	vst v1  }
.LBB2_4:
0x68: {  	s1 =	sadd.s32 $0x4, s1  }
0x69: {  	[tilespmem:s0+$0xFFFFFFF0] =	vst v1;
	s0 =	sadd.s32 $0x40, s0;
	p1 =	slt.u32 s1, $0x78  }
.Ltmp3:
0x6a: {  	[tilespmem:s0+$0xFFFFFFE0] =	vst v1;
	(pc) =	sbr.rel @p1 .LBB2_4-.Ltmp3, $3  }
0x6b: {  	_ =	sdelay $0x1  }
0x6c: {  	[tilespmem:s0+$0x10] =	vst v1  }
0x6d: {  	[tilespmem:s0+$0x0] =	vst v1  }
0x6e: {  	[tilespmem:s0+$0xFFFFFFF0] =	vst v1  }
0x6f: {  	[tilespmem:$0x5B50] =	vst v1  }
0x70: {  	[spmem:s22] =	stream.linear.scatter [tilespmem:s2], [sflag:$0x2], $0x280, $0x38;
	[tilespmem:$0x1EF90] =	vst v63  }
0x71: {  	s25 =	simm.s32 $0x2  }
0x72: {  	[spmem:s18] =	stream.linear.scatter [tilespmem:s2], [sflag:$0x5], $0x2710, $0x38;
	[tilespmem:$0x1EF90] =	vst v63  }
0x73: {  	s26 =	simm.s32 $0x4;
	s7 =	simm.s32 $0xFFFFFFFC;
	_ =	swait.ge [sflag:s25], $0x280  }
0x74: {  	s1 =	simm.s32 $0x0;
	s14 =	smul.u32 $0x625, s7;
	[sflag:s25] =	ssyncset.done $0x0  }
0x75: {  	s0 =	simm.s32 $0x4E0;
	s7 =	simm.s32 $0x3;
	[sflag:s25] =	ssyncadd.s32 $0xFFFFFD80  }
0x76: {  	s20 =	sadd.s32 $0x1894, s14;
	s28 =	sadd.s32 $0x1EB9, s14;
	[bflag:$0x0] =	sbarrier.arrive $0xFFFF  }
0x77: {  	s20 =	sshrl.u32 s20, $0x10;
	s22 =	sshrl.u32 s28, $0x10;
	_ =	swait.ge [sflag:s26], $0x9D00  }
0x78: {  	s31 =	ssub.s32 $0x0, s20;
	[sflag:s26] =	ssyncset.done $0x0;
	s12 =	rddreg [dreg:$0x13]  }
0x79: {  	s25 =	ssub.s32 $0x1, s22;
	s10 =	rddreg [dreg:$0x12];
	[sflag:s26] =	ssyncadd.s32 $0xFFFF6300  }
0x7a: {  	s5 =	sand.u32 $0x70, s12;
	s2 =	sadd.s32 $0x80, s10;
	s4 =	sadd.s32 $0x40, s12  }
0x7b: {  	s13 =	sand.u32 $0xFFFFFF00, s10;
	s9 =	sadd.s32 $0x20, s10;
	s11 =	sadd.s32 $0xFFFFFFE0, s12  }
0x7c: {  	s15 =	sadd.s32 $0xFFFFFFF0, s12;
	s18 =	sadd.s32 $0x40, s10;
	s19 =	sadd.s32 $0xFFFFFFD0, s12  }
0x7d: {  	s12 =	sadd.s32 $0x60, s10;
	s10 =	sadd.s32 $0x2B03, s14;
	s14 =	sadd.s32 $0x24DE, s14  }
0x7e: {  	s9 =	sand.u32 $0xFFFFFF00, s9;
	s11 =	sand.u32 $0x70, s11;
	s19 =	sand.u32 $0x60, s19  }
0x7f: {  	s24 =	sshrl.u32 s14, $0x10;
	s14 =	sand.u32 $0xFFFE, s25;
	s15 =	sand.u32 $0x60, s15  }
0x80: {  	s23 =	sor.u32 s19, s13;
	s13 =	sand.u32 $0xFFFE, s31;
	s26 =	ssub.s32 $0x2, s24  }
0x81: {  	s19 =	sshrl.u32 s10, $0x10;
	s14 =	sshrl.u32 s14, $0x1;
	s13 =	sshrl.u32 s13, $0x1  }
0x82: {  	s22 =	sadd.s32 s22, s14;
	s14 =	sand.u32 $0xFFFFFF00, s18;
	s13 =	sadd.s32 s20, s13  }
0x83: {  	s28 =	ssub.s32 $0x3, s19;
	s20 =	sand.u32 $0xFFFE, s26;
	s13 =	sand.u32 $0xFFC0, s13  }
0x84: {  	s18 =	sand.u32 $0xFFFE, s28;
	s22 =	sand.u32 $0xFFC0, s22;
	s13 =	sshrl.u32 s13, $0x6  }
0x85: {  	s20 =	sshrl.u32 s20, $0x1;
	s18 =	sshrl.u32 s18, $0x1;
	s25 =	smul.u32 $0x7D, s13  }
0x86: {  	s22 =	sshrl.u32 s22, $0x6;
	s20 =	sadd.s32 s24, s20;
	s10 =	sadd.s32 s19, s18  }
0x87: {  	s28 =	smul.u32 $0x7D, s22;
	s20 =	sand.u32 $0xFFC0, s20;
	s31 =	ssub.s32 $0x0, s25  }
0x88: {  	v3 =	vld [tilespmem:s23+$0x5C10];
	s13 =	sshll.u32 s13, $0xB;
	s20 =	sshrl.u32 s20, $0x6;
	s24 =	sshll.u32 s31, $0x4  }
0x89: {  	s23 =	ssub.s32 $0x1, s28;
	s31 =	sand.u32 $0xFFC0, s10;
	s19 =	sand.u32 $0x780, s24  }
0x8a: {  	s26 =	sand.u32 $0x70, s24;
	s18 =	sor.u32 s19, s13;
	s13 =	simm.s32 $0x2  }
0x8b: {  	s19 =	sor.u32 s26, s18;
	s18 =	sshll.u32 s22, $0xB;
	s22 =	sshrl.u32 s31, $0x6  }
.LBB2_6:
0x8c: {  	s14 =	sor.u32 s15, s14;
	s15 =	smul.u32 $0x7D, s20;
	s12 =	sand.u32 $0xFFFFFF00, s12  }
0x8d: {  	[tilespmem:s19+$0xF890] =	vst v3;
	s19 =	smov.u32 s1;
	s24 =	smov.u32 s2;
	s25 =	smov.u32 s4  }
0x8e: {  	s9 =	sor.u32 s11, s9;
	s11 =	sshll.u32 s23, $0x4;
	s5 =	sor.u32 s5, s12  }
0x8f: {  	v3 =	vld [tilespmem:s9+$0x5C10];
	s9 =	sand.u32 $0x70, s11;
	s12 =	ssub.s32 s13, s15;
	s13 =	smul.u32 $0x7D, s22  }
0x90: {  	s15 =	sshll.u32 s22, $0xB;
	v4 =	vld [tilespmem:s14+$0x5C10];
	s12 =	sshll.u32 s12, $0x4;
	s14 =	sshll.u32 s20, $0xB  }
0x91: {  	s20 =	sand.u32 $0x780, s12;
	s12 =	sand.u32 $0x70, s12;
	v5 =	vld [tilespmem:s5+$0x5C10];
	s5 =	ssub.s32 s7, s13  }
0x92: {  	s1 =	sadd.s32 $0x4, s1;
	s7 =	sand.u32 $0x780, s11;
	s5 =	sshll.u32 s5, $0x4  }
0x93: {  	s7 =	sor.u32 s7, s18;
	s11 =	sor.u32 s20, s14;
	s13 =	sand.u32 $0x70, s5  }
0x94: {  	s7 =	sor.u32 s9, s7;
	s9 =	sor.u32 s12, s11;
	s11 =	sand.u32 $0x780, s5  }
0x95: {  	p1 =	slt.u32 s1, $0x4DC;
	s5 =	sand.u32 $0x70, s4;
	[tilespmem:s7+$0xF890] =	vst v3;
	s7 =	sor.u32 s11, s15  }
0x96: {  	[tilespmem:s9+$0xF890] =	vst v4;
	s7 =	sor.u32 s13, s7  }
0x97: {  	s2 =	sadd.s32 $0x80, s2;
	[tilespmem:s7+$0xF890] =	vst v5  }
0x98: {  	s23 =	sadd.s32 $0x5, s19;
	s22 =	smul.u32 $0x625, s19;
	s4 =	sadd.s32 $0x40, s4  }
0x99: {  	s18 =	sand.u32 $0xFFFFFF00, s24;
	s11 =	sadd.s32 $0xFFFFFFE0, s25;
	s7 =	sadd.s32 $0x20, s24  }
0x9a: {  	s13 =	sadd.s32 $0xFFFFFFF0, s25;
	s9 =	sand.u32 $0xFFFFFF00, s7;
	s7 =	sadd.s32 $0x7, s19  }
0x9b: {  	s14 =	sadd.s32 $0x40, s24;
	s12 =	sadd.s32 $0x60, s24;
	s11 =	sand.u32 $0x70, s11  }
0x9c: {  	s20 =	sadd.s32 $0xFFFFFFD0, s25;
	s14 =	sand.u32 $0xFFFFFF00, s14;
	s15 =	sand.u32 $0x60, s13  }
0x9d: {  	s13 =	sadd.s32 $0x6, s19;
	s19 =	sand.u32 $0x60, s20;
	s20 =	sadd.s32 $0x1894, s22  }
0x9e: {  	s24 =	sadd.s32 $0x1EB9, s22;
	s18 =	sor.u32 s19, s18;
	s19 =	sshrl.u32 s20, $0x10  }
0x9f: {  	s20 =	sadd.s32 $0x2B03, s22;
	s25 =	ssub.s32 s1, s19  }
0xa0: {  	s24 =	sshrl.u32 s24, $0x10;
	s22 =	sadd.s32 $0x24DE, s22;
	s25 =	sand.u32 $0xFFFE, s25  }
0xa1: {  	s26 =	ssub.s32 s23, s24;
	s22 =	sshrl.u32 s22, $0x10;
	s25 =	sshrl.u32 s25, $0x1  }
0xa2: {  	s20 =	sshrl.u32 s20, $0x10;
	s28 =	ssub.s32 s13, s22;
	s19 =	sadd.s32 s19, s25  }
0xa3: {  	s25 =	sand.u32 $0xFFFE, s26;
	s26 =	sand.u32 $0xFFFE, s28;
	s28 =	ssub.s32 s7, s20  }
0xa4: {  	s19 =	sand.u32 $0xFFC0, s19;
	s25 =	sshrl.u32 s25, $0x1;
	s28 =	sand.u32 $0xFFFE, s28  }
0xa5: {  	s19 =	sshrl.u32 s19, $0x6;
	s24 =	sadd.s32 s24, s25;
	s25 =	sshrl.u32 s26, $0x1  }
0xa6: {  	s26 =	smul.u32 $0x7D, s19;
	s24 =	sand.u32 $0xFFC0, s24;
	s22 =	sadd.s32 s22, s25  }
0xa7: {  	s25 =	sshrl.u32 s28, $0x1;
	s24 =	sshrl.u32 s24, $0x6;
	s22 =	sand.u32 $0xFFC0, s22  }
.Ltmp4:
0xa8: {  	s26 =	ssub.s32 s1, s26;
	v3 =	vld [tilespmem:s18+$0x5C10];
	s18 =	sshll.u32 s24, $0xB;
	(pc) =	sbr.rel @p1 .LBB2_6-.Ltmp4, $4  }
0xa9: {  	s20 =	sadd.s32 s20, s25;
	s26 =	sshll.u32 s26, $0x4;
	s24 =	smul.u32 $0x7D, s24  }
0xaa: {  	s19 =	sshll.u32 s19, $0xB;
	s28 =	sand.u32 $0xFFC0, s20;
	s25 =	sand.u32 $0x780, s26  }
0xab: {  	s20 =	sshrl.u32 s22, $0x6;
	s26 =	sand.u32 $0x70, s26;
	s19 =	sor.u32 s25, s19  }
0xac: {  	s22 =	sshrl.u32 s28, $0x6;
	s19 =	sor.u32 s26, s19;
	s23 =	ssub.s32 s23, s24  }
0xad: {  	s1 =	sor.u32 s15, s14;
	s2 =	smul.u32 $0x7D, s20;
	s4 =	sand.u32 $0xFFFFFF00, s12  }
0xae: {  	s9 =	sor.u32 s11, s9;
	s10 =	sshll.u32 s23, $0x4;
	s14 =	smul.u32 $0x7D, s22  }
0xaf: {  	s20 =	sshll.u32 s20, $0xB;
	s22 =	sshll.u32 s22, $0xB;
	s4 =	sor.u32 s5, s4;
	v4 =	vld [tilespmem:s9+$0x5C10]  }
0xb0: {  	s12 =	sand.u32 $0x70, s10;
	v5 =	vld [tilespmem:s1+$0x5C10];
	s25 =	sand.u32 $0x780, s10;
	s2 =	ssub.s32 s13, s2  }
0xb1: {  	v6 =	vld [tilespmem:s4+$0x5C10];
	s24 =	ssub.s32 s7, s14;
	s7 =	sor.u32 s25, s18;
	s15 =	sshll.u32 s2, $0x4  }
0xb2: {  	s4 =	sshll.u32 s24, $0x4;
	s5 =	sor.u32 s12, s7;
	s23 =	sand.u32 $0x780, s15  }
0xb3: {  	[tilespmem:s19+$0xF890] =	vst v3;
	s1 =	sand.u32 $0x70, s15;
	s26 =	sand.u32 $0x780, s4;
	s2 =	sor.u32 s23, s20  }
0xb4: {  	s4 =	sand.u32 $0x70, s4;
	s28 =	sor.u32 s26, s22;
	s1 =	sor.u32 s1, s2;
	[tilespmem:s5+$0xF890] =	vst v4  }
0xb5: {  	s31 =	sor.u32 s4, s28;
	[tilespmem:s1+$0xF890] =	vst v5  }
0xb6: {  	[tilespmem:s31+$0xF890] =	vst v6  }
0xb7: {  	s1 =	rddreg [dreg:$0x14]  }
0xb8: {  	s2 =	sld [smem:$0x7FC]  }
.LBB2_8:
0xb9: {  	s4 =	smul.u32 $0x625, s0;
	_ =	sdelay $0x1  }
0xba: {  	s4 =	sshrl.u32 s4, $0x10  }
0xbb: {  	s5 =	ssub.s32 s0, s4  }
0xbc: {  	s5 =	sand.u32 $0xFFFE, s5  }
0xbd: {  	s5 =	sshrl.u32 s5, $0x1  }
0xbe: {  	s4 =	sadd.s32 s4, s5  }
0xbf: {  	s31 =	sand.u32 $0x70, s1;
	s7 =	sand.u32 $0xFFFFFF00, s2;
	s4 =	sand.u32 $0xFFC0, s4  }
0xc0: {  	s5 =	sor.u32 s31, s7;
	s4 =	sshrl.u32 s4, $0x6  }
0xc1: {  	p1 =	sne.s32 s0, $0x4E1;
	v3 =	vld [tilespmem:s5+$0x5C10];
	s4 =	smul.u32 $0x7D, s4  }
.Ltmp5:
0xc2: {  	_ = 	snop;
	(pc) =	sbr.rel @p1 .LBB2_8-.Ltmp5, $4  }
0xc3: {  	s4 =	ssub.s32 s0, s4  }
0xc4: {  	s4 =	sshll.u32 s4, $0x4  }
0xc5: {  	s4 =	sand.u32 $0xFFF0, s4  }
0xc6: {  	s2 =	sadd.s32 $0x20, s2;
	s1 =	sadd.s32 $0x10, s1;
	s0 =	sadd.s32 $0x1, s0;
	[tilespmem:s4+$0x14090] =	vst v3  }
0xc7: {  	s0 =	rddreg [dreg:$0x3];
	s1 =	simm.s32 $0xF890;
	s2 =	simm.s32 $0x5390  }
0xc8: {  	[spmem:s0] =	stream.indirect.scatter.add.f32 [tilespmem:s2], [sflag:$0x3], $0x1, s1, s3, $0xb8;
	[tilespmem:$0x1EF90] =	vst v63  }
0xc9: {  	s15 =	simm.s32 $0x10090  }
0xca: {  	[spmem:s0] =	stream.indirect.scatter.add.f32 [tilespmem:s2], [sflag:$0x3], $0x1, s15, s3, $0xb8;
	[tilespmem:$0x1EF90] =	vst v63  }
0xcb: {  	s18 =	simm.s32 $0x10890  }
0xcc: {  	[spmem:s0] =	stream.indirect.scatter.add.f32 [tilespmem:s2], [sflag:$0x3], $0x1, s18, s3, $0xb8;
	[tilespmem:$0x1EF90] =	vst v63  }
0xcd: {  	s19 =	simm.s32 $0x11090  }
0xce: {  	[spmem:s0] =	stream.indirect.scatter.add.f32 [tilespmem:s2], [sflag:$0x3], $0x1, s19, s3, $0xb8;
	[tilespmem:$0x1EF90] =	vst v63  }
0xcf: {  	s20 =	simm.s32 $0x11890  }
0xd0: {  	[spmem:s0] =	stream.indirect.scatter.add.f32 [tilespmem:s2], [sflag:$0x3], $0x1, s20, s3, $0xb8;
	[tilespmem:$0x1EF90] =	vst v63  }
0xd1: {  	s22 =	simm.s32 $0x12090  }
0xd2: {  	[spmem:s0] =	stream.indirect.scatter.add.f32 [tilespmem:s2], [sflag:$0x3], $0x1, s22, s3, $0xb8;
	[tilespmem:$0x1EF90] =	vst v63  }
0xd3: {  	s23 =	simm.s32 $0x12890  }
0xd4: {  	[spmem:s0] =	stream.indirect.scatter.add.f32 [tilespmem:s2], [sflag:$0x3], $0x1, s23, s3, $0xb8;
	[tilespmem:$0x1EF90] =	vst v63  }
0xd5: {  	s24 =	simm.s32 $0x13090  }
0xd6: {  	[spmem:s0] =	stream.indirect.scatter.add.f32 [tilespmem:s2], [sflag:$0x3], $0x1, s24, s3, $0xb8;
	[tilespmem:$0x1EF90] =	vst v63  }
0xd7: {  	s25 =	simm.s32 $0x13890  }
0xd8: {  	[spmem:s0] =	stream.indirect.scatter.add.f32 [tilespmem:s2], [sflag:$0x3], $0x1, s25, s3, $0xb8;
	[tilespmem:$0x1EF90] =	vst v63  }
0xd9: {  	s26 =	simm.s32 $0x14090  }
0xda: {  	[spmem:s0] =	stream.indirect.scatter.add.f32 [tilespmem:s2], [sflag:$0x3], $0x1, s26, s3, $0xb8;
	[tilespmem:$0x1EF90] =	vst v63  }
0xdb: {  	s4 =	rddreg [dreg:$0xb];
	s5 =	simm.s32 $0x1  }
0xdc: {  	[tilespmem:s30], [sflag:$0x1] =	stream.linear.gather [hbm4b:s4+s29], $0x4F00, $0x38;
	[tilespmem:$0x1EF90] =	vst v63  }
0xdd: {  	_ =	swait.ge [sflag:s5], $0x2780  }
0xde: {  	[sflag:s5] =	ssyncset.done $0x0  }
0xdf: {  	[sflag:s5] =	ssyncadd.s32 $0xFFFFD880  }
0xe0: {  	_ =	swait.ge [sflag:s5], $0x4F00  }
0xe1: {  	s9 =	sld [smem:$0x7FD];
	_ =	sdelay $0x1  }
0xe2: {  	s7 =	rddreg [dreg:$0x15]  }
0xe3: {  	s11 =	sadd.s32 $0xFFFFFFE0, s7;
	s10 =	sadd.s32 $0xFFFFFFF0, s9  }
0xe4: {  	[sflag:s5] =	ssyncset.done $0x0;
	s1 =	sand.u32 $0x1F00, s11;
	s0 =	sand.u32 $0x70, s10  }
0xe5: {  	[sflag:s5] =	ssyncadd.s32 $0xFFFFB100;
	s29 =	sor.u32 s0, s1  }
0xe6: {  	s12 =	sadd.s32 $0xFFFFFFA0, s7;
	s4 =	sadd.s32 $0xFFFFFFC0, s7;
	s5 =	sand.u32 $0x1F00, s7;
	v3 =	vld [tilespmem:s29+$0x5C10]  }
0xe7: {  	s13 =	sadd.s32 $0xFFFFFFE0, s9;
	s14 =	sadd.s32 $0xFFFFFFD0, s9;
	s15 =	sand.u32 $0x70, s9  }
0xe8: {  	s2 =	sand.u32 $0x70, s14;
	s30 =	sor.u32 s15, s5;
	s0 =	sand.u32 $0x1F00, s12  }
0xe9: {  	s4 =	sand.u32 $0x1F00, s4;
	s1 =	sand.u32 $0x70, s13;
	v8 =	vld [tilespmem:s30+$0x5C10];
	s31 =	sor.u32 s2, s0  }
0xea: {  	s2 =	sor.u32 s1, s4;
	v6 =	vld [tilespmem:s31+$0x5C10]  }
0xeb: {  	v7 =	vld [tilespmem:s2+$0x5C10]  }
0xec: {  	s11 =	sadd.s32 $0x40, s9;
	v4 =	vld [tilespmem:s31+$0x5B90]  }
0xed: {  	s28 =	sadd.s32 $0x80, s7;
	s18 =	sadd.s32 $0xFFFFFFF0, s11;
	v5 =	vld [tilespmem:s2+$0x5B90]  }
0xee: {  	s19 =	sadd.s32 $0xFFFFFFE0, s28;
	s0 =	sand.u32 $0x70, s18;
	v9 =	vld.idx.msk [tilespmem:v3+s8+$0x0], $0xffff  }
0xef: {  	s1 =	sand.u32 $0x1F00, s19;
	v3 =	vld [tilespmem:s30+$0x5B90];
	[smem:$0x7F5] =	sst s0  }
0xf0: {  	[smem:$0x7F6] =	sst s1  }
0xf1: {  	s0 =	sor.u32 s0, s1;
	v12 =	vld [tilespmem:s29+$0x5B90]  }
0xf2: {  	s20 =	sadd.s32 $0xFFFFFFA0, s28;
	s7 =	sadd.s32 $0xFFFFFFC0, s28;
	s23 =	sadd.s32 $0xFFFFFFD0, s11;
	v14 =	vld [tilespmem:s0+$0x5C10]  }
0xf3: {  	s22 =	sadd.s32 $0xFFFFFFE0, s11;
	s5 =	sand.u32 $0x70, s23;
	s1 =	sand.u32 $0x1F00, s20;
	v13 =	vld.idx.msk [tilespmem:v6+s8+$0x0], $0xffff  }
0xf4: {  	s10 =	sand.u32 $0x1F00, s7;
	s24 =	sand.u32 $0x70, s22;
	s7 =	sor.u32 s5, s1;
	v15 =	vld.idx.msk [tilespmem:v7+s8+$0x0], $0xffff  }
0xf5: {  	v6 =	vld [tilespmem:s7+$0x5C10];
	[smem:$0x7F7] =	sst s24  }
0xf6: {  	s25 =	sand.u32 $0x70, s11;
	[smem:$0x7F8] =	sst s10  }
0xf7: {  	s26 =	sand.u32 $0x1F00, s28;
	[smem:$0x7F9] =	sst s25  }
0xf8: {  	s13 =	sor.u32 s24, s10;
	[smem:$0x7FA] =	sst s26  }
0xf9: {  	s12 =	sor.u32 s25, s26;
	v7 =	vld [tilespmem:s13+$0x5C10]  }
0xfa: {  	v11 =	vld [tilespmem:s12+$0x5C10];
	v9 =	vmul.u32 $0x2710, v9  }
0xfb: {  	v10 =	vld.idx.msk [tilespmem:v8+s8+$0x0], $0xffff  }
0xfc: {  	s1 =	simm.s32 $0x19AB0;
	v8 =	vld [tilespmem:s7+$0x5B90];
	v13 =	vmul.u32 $0x2710, v13;
	v9 =	vadd.s32 v12, v9  }
0xfd: {  	s9 =	sadd.s32 $0x80, s28;
	s4 =	simm.s32 $0x4;
	s5 =	sadd.s32 $0x40, s11;
	v12 =	vmul.u32 $0x2710, v15;
	[tilespmem:s1+$0x0] =	vst v9;
	v9 =	vld.idx.msk [tilespmem:v14+s8+$0x0], $0xffff  }
.LBB2_10:
0xfe: {  	s14 =	sadd.s32 $0xFFFFFFF0, s5;
	s15 =	sadd.s32 $0xFFFFFFE0, s9;
	s4 =	sadd.s32 $0x4, s4;
	v14 =	vld [tilespmem:s13+$0x5B90];
	v4 =	vadd.s32 v4, v13  }
0xff: {  	s13 =	sand.u32 $0x70, s14;
	s14 =	sand.u32 $0x1F00, s15;
	p1 =	slt.u32 s4, $0x78;
	v13 =	vld [tilespmem:s12+$0x5B90];
	[tilespmem:s1+$0xFFFFFFE0] =	vst v4;
	v16 =	vadd.s32 v5, v12;
	v12 =	vmov v11  }
0x100: {  	s12 =	sadd.s32 $0xFFFFFFA0, s9;
	s15 =	sadd.s32 $0xFFFFFFE0, s5;
	v11 =	vld [tilespmem:s0+$0x5B90];
	s0 =	sor.u32 s13, s14;
	[tilespmem:s1+$0xFFFFFFF0] =	vst v16  }
0x101: {  	s13 =	sadd.s32 $0xFFFFFFD0, s5;
	s12 =	sand.u32 $0x1F00, s12;
	s14 =	sadd.s32 $0xFFFFFFC0, s9;
	v10 =	vmul.u32 $0x2710, v10;
	v15 =	vld [tilespmem:s0+$0x5C10];
	v4 =	vmov v8  }
0x102: {  	s15 =	sand.u32 $0x70, s15;
	s13 =	sand.u32 $0x70, s13;
	s14 =	sand.u32 $0x1F00, s14;
	v16 =	vld.idx.msk [tilespmem:v6+s8+$0x0], $0xffff  }
0x103: {  	s19 =	sand.u32 $0x1F00, s9;
	s18 =	sor.u32 s13, s12;
	s12 =	sand.u32 $0x70, s5;
	v8 =	vmul.u32 $0x2710, v9;
	v17 =	vld.idx.msk [tilespmem:v7+s8+$0x0], $0xffff;
	v7 =	vadd.s32 v3, v10;
	v5 =	vmov v14  }
0x104: {  	s13 =	sor.u32 s15, s14;
	s12 =	sor.u32 s12, s19;
	v6 =	vld [tilespmem:s18+$0x5C10];
	[tilespmem:s1+$0x10] =	vst v7;
	v3 =	vmov v13  }
.Ltmp6:
0x105: {  	s1 =	sadd.s32 $0x40, s1;
	v7 =	vld [tilespmem:s13+$0x5C10];
	v8 =	vadd.s32 v11, v8;
	(pc) =	sbr.rel @p1 .LBB2_10-.Ltmp6, $4  }
0x106: {  	v11 =	vld [tilespmem:s12+$0x5C10];
	[tilespmem:s1+$0x0] =	vst v8  }
0x107: {  	v10 =	vld.idx.msk [tilespmem:v12+s8+$0x0], $0xffff  }
0x108: {  	v13 =	vmul.u32 $0x2710, v16;
	v8 =	vld [tilespmem:s18+$0x5B90]  }
0x109: {  	s9 =	sadd.s32 $0x80, s9;
	s5 =	sadd.s32 $0x40, s5;
	v12 =	vmul.u32 $0x2710, v17;
	v9 =	vld.idx.msk [tilespmem:v15+s8+$0x0], $0xffff  }
0x10a: {  	_ =	sdelay $0x2  }
0x10b: {  	v14 =	vld [tilespmem:s0+$0x5B90]  }
0x10c: {  	v6 =	vld.idx.msk [tilespmem:v6+s8+$0x0], $0xffff  }
0x10d: {  	v7 =	vld.idx.msk [tilespmem:v7+s8+$0x0], $0xffff  }
0x10e: {  	v11 =	vld.idx.msk [tilespmem:v11+s8+$0x0], $0xffff  }
0x10f: {  	v4 =	vadd.s32 v4, v13;
	v13 =	vld [tilespmem:s13+$0x5B90];
	v10 =	vmul.u32 $0x2710, v10  }
0x110: {  	[tilespmem:s1+$0xFFFFFFE0] =	vst v4;
	v4 =	vld [tilespmem:s12+$0x5B90];
	v5 =	vadd.s32 v5, v12;
	v9 =	vmul.u32 $0x2710, v9  }
0x111: {  	[tilespmem:s1+$0xFFFFFFF0] =	vst v5;
	v3 =	vadd.s32 v3, v10;
	v5 =	vmul.u32 $0x2710, v6  }
0x112: {  	s10 =	sadd.s32 $0x40, s1;
	[tilespmem:s1+$0x10] =	vst v3;
	v6 =	vmul.u32 $0x2710, v7;
	v3 =	vadd.s32 v14, v9  }
0x113: {  	[tilespmem:s10+$0x0] =	vst v3;
	v3 =	vadd.s32 v8, v5;
	v5 =	vmul.u32 $0x2710, v11  }
0x114: {  	[tilespmem:s10+$0xFFFFFFE0] =	vst v3;
	v3 =	vadd.s32 v13, v6  }
0x115: {  	[tilespmem:s10+$0xFFFFFFF0] =	vst v3;
	v3 =	vadd.s32 v4, v5  }
0x116: {  	[tilespmem:s10+$0x10] =	vst v3  }
0x117: {  	s0 =	rddreg [dreg:$0x1b]  }
0x118: {  	v3 =	vld [tilespmem:s0+$0x80];
	_ =	sdelay $0x7  }
0x119: {  	v3 =	vld.idx.msk [tilespmem:v3+s8+$0x0], $0xffff  }
0x11a: {  	s12 =	rddreg [dreg:$0xc]  }
0x11b: {  	v4 =	vld [tilespmem:s12+$0x5B90];
	_ =	sdelay $0x2  }
0x11c: {  	s13 =	sadd.s32 $0x0, s21;
	v3 =	vmul.u32 $0x2710, v3  }
0x11d: {  	s14 =	sadd.s32 $0x800, s13;
	s10 =	rddreg [dreg:$0x16]  }
0x11e: {  	s1 =	sand.u32 $0x70, s14;
	s4 =	sand.u32 $0x3F00, s10;
	v3 =	vadd.s32 v4, v3  }
0x11f: {  	[smem:$0x7F1] =	sst s4;
	s5 =	sor.u32 s1, s4;
	[tilespmem:$0x1A250] =	vst v3  }
0x120: {  	s15 =	sadd.s32 $0x7D0, s13;
	s18 =	sadd.s32 $0x7E0, s13;
	v3 =	vld [tilespmem:s5+$0x5C10]  }
0x121: {  	s0 =	sadd.s32 $0x7F0, s13;
	s9 =	sadd.s32 $0xFFFFFFA0, s10;
	s19 =	sadd.s32 $0xFFFFFFC0, s10  }
0x122: {  	s20 =	sadd.s32 $0xFFFFFFE0, s10;
	s1 =	sand.u32 $0x70, s15;
	s9 =	sand.u32 $0x3F00, s9  }
0x123: {  	s22 =	sand.u32 $0x3F00, s19;
	s1 =	sor.u32 s1, s9;
	[smem:$0x7F2] =	sst s9  }
0x124: {  	s4 =	sand.u32 $0x70, s18;
	s23 =	sand.u32 $0x3F00, s20;
	v6 =	vld [tilespmem:s1+$0x5C10];
	[smem:$0x7F3] =	sst s22  }
0x125: {  	s0 =	sand.u32 $0x70, s0;
	s4 =	sor.u32 s4, s22;
	[smem:$0x7F4] =	sst s23  }
0x126: {  	s14 =	sadd.s32 $0x40, s21;
	s12 =	sor.u32 s0, s23;
	v7 =	vld [tilespmem:s4+$0x5C10]  }
0x127: {  	s24 =	simm.s32 $0x10;
	s25 =	simm.s32 $0x20;
	s26 =	sadd.s32 $0x7E0, s14;
	v8 =	vld [tilespmem:s12+$0x5C10]  }
0x128: {  	s13 =	sand.u32 $0x60, s25;
	s25 =	simm.s32 $0x30;
	s20 =	sand.u32 $0x50, s24;
	v10 =	vld.idx.msk [tilespmem:v3+s8+$0x0], $0xffff  }
0x129: {  	s18 =	sadd.s32 $0x800, s14;
	s0 =	simm.s32 $0x40;
	v3 =	vld [tilespmem:s1+$0x5B90];
	s1 =	sadd.s32 $0x80, s10  }
0x12a: {  	s18 =	sand.u32 $0x70, s18;
	s9 =	simm.s32 $0x0;
	v4 =	vld [tilespmem:s4+$0x5B90];
	s19 =	sand.u32 $0x3F00, s1  }
0x12b: {  	s15 =	sand.u32 $0x40, s9;
	s22 =	simm.s32 $0x50;
	v11 =	vld [tilespmem:s5+$0x5B90];
	s5 =	sor.u32 s18, s19  }
0x12c: {  	s23 =	sadd.s32 $0x7D0, s14;
	s14 =	sadd.s32 $0x7F0, s14;
	s9 =	sand.u32 $0x780, s9;
	v13 =	vld [tilespmem:s5+$0x5C10]  }
0x12d: {  	s4 =	simm.s32 $0x4;
	v5 =	vld [tilespmem:s12+$0x5B90];
	s23 =	sand.u32 $0x70, s23;
	s14 =	sand.u32 $0x70, s14  }
0x12e: {  	s10 =	sand.u32 $0x70, s25;
	s25 =	simm.s32 $0x60;
	v12 =	vld.idx.msk [tilespmem:v6+s8+$0x0], $0xffff;
	s19 =	sadd.s32 $0xFFFFFFA0, s1  }
0x12f: {  	s12 =	sadd.s32 $0xFFFFFFC0, s1;
	s24 =	sadd.s32 $0xFFFFFFE0, s1;
	v14 =	vld.idx.msk [tilespmem:v7+s8+$0x0], $0xffff;
	s19 =	sand.u32 $0x3F00, s19  }
0x130: {  	s18 =	sand.u32 $0x70, s26;
	v9 =	vld.idx.msk [tilespmem:v8+s8+$0x0], $0xffff;
	s12 =	sand.u32 $0x3F00, s12;
	s23 =	sor.u32 s23, s19  }
0x131: {  	s26 =	sadd.s32 $0x1A290, s9;
	s24 =	sand.u32 $0x3F00, s24;
	s19 =	sor.u32 s18, s12;
	v8 =	vmul.u32 $0x2710, v10;
	v6 =	vld [tilespmem:s23+$0x5C10]  }
0x132: {  	s9 =	sand.u32 $0x40, s0;
	s10 =	sadd.s32 s10, s26;
	s14 =	sor.u32 s14, s24;
	v7 =	vld [tilespmem:s19+$0x5C10]  }
0x133: {  	s24 =	sadd.s32 s20, s26;
	s12 =	sand.u32 $0x50, s22;
	s18 =	sand.u32 $0x60, s25;
	v10 =	vadd.s32 v11, v8;
	v8 =	vld [tilespmem:s14+$0x5C10]  }
0x134: {  	s25 =	sor.u32 s15, s26;
	s22 =	sor.u32 s13, s26;
	s13 =	simm.s32 $0x80;
	v12 =	vmul.u32 $0x2710, v12;
	v11 =	vmul.u32 $0x2710, v14;
	[tilespmem:s10+$0x0] =	vst v10;
	v10 =	vld.idx.msk [tilespmem:v13+s8+$0x0], $0xffff  }
.LBB2_12:
0x135: {  	s10 =	sadd.s32 s13, s21  }
0x136: {  	s20 =	sadd.s32 $0x10, s13;
	s4 =	sadd.s32 $0x4, s4;
	s15 =	smov.u32 s18  }
0x137: {  	v12 =	vadd.s32 v3, v12;
	v3 =	vld [tilespmem:s23+$0x5B90];
	v9 =	vmul.u32 $0x2710, v9;
	s18 =	smov.u32 s0;
	s0 =	smov.u32 s13;
	s1 =	sadd.s32 $0x80, s1  }
0x138: {  	s23 =	sadd.s32 $0x800, s10;
	p1 =	slt.u32 s4, $0x78;
	[tilespmem:s25+$0x0] =	vst v12;
	v11 =	vadd.s32 v4, v11;
	v4 =	vld [tilespmem:s19+$0x5B90];
	s19 =	sadd.s32 $0x7D0, s10  }
0x139: {  	s25 =	sand.u32 $0x3F00, s1;
	s23 =	sand.u32 $0x70, s23;
	v12 =	vld [tilespmem:s5+$0x5B90];
	[tilespmem:s24+$0x0] =	vst v11;
	v9 =	vadd.s32 v5, v9;
	s24 =	sadd.s32 $0x7E0, s10  }
0x13a: {  	s10 =	sadd.s32 $0x7F0, s10;
	s19 =	sand.u32 $0x70, s19;
	s5 =	sor.u32 s23, s25;
	v5 =	vld [tilespmem:s14+$0x5B90];
	[tilespmem:s22+$0x0] =	vst v9  }
0x13b: {  	s14 =	sadd.s32 $0xFFFFFFA0, s1;
	s22 =	sadd.s32 $0xFFFFFFC0, s1;
	s25 =	sadd.s32 $0xFFFFFFE0, s1;
	v11 =	vld [tilespmem:s5+$0x5C10]  }
0x13c: {  	s23 =	sand.u32 $0x780, s18;
	s18 =	sadd.s32 $0x30, s18;
	s24 =	sand.u32 $0x70, s24;
	v13 =	vld.idx.msk [tilespmem:v6+s8+$0x0], $0xffff;
	v6 =	vmul.u32 $0x2710, v10  }
0x13d: {  	s26 =	sadd.s32 $0x1A290, s23;
	s18 =	sand.u32 $0x70, s18;
	s14 =	sand.u32 $0x3F00, s14;
	v14 =	vld.idx.msk [tilespmem:v7+s8+$0x0], $0xffff  }
0x13e: {  	s10 =	sand.u32 $0x70, s10;
	s18 =	sadd.s32 s18, s26;
	s23 =	sor.u32 s19, s14;
	v9 =	vld.idx.msk [tilespmem:v8+s8+$0x0], $0xffff;
	v6 =	vadd.s32 v12, v6  }
.Ltmp7:
0x13f: {  	s14 =	sand.u32 $0x3F00, s22;
	s22 =	sand.u32 $0x3F00, s25;
	[tilespmem:s18+$0x0] =	vst v6;
	(pc) =	sbr.rel @p1 .LBB2_12-.Ltmp7, $4  }
0x140: {  	s19 =	sor.u32 s24, s14;
	s14 =	sor.u32 s10, s22;
	s18 =	sadd.s32 $0x20, s13;
	v6 =	vld [tilespmem:s23+$0x5C10]  }
0x141: {  	s20 =	sand.u32 $0x50, s20;
	s10 =	sand.u32 $0x40, s13;
	s18 =	sand.u32 $0x60, s18;
	v7 =	vld [tilespmem:s19+$0x5C10]  }
0x142: {  	s25 =	sor.u32 s9, s26;
	s24 =	sadd.s32 s12, s26;
	s22 =	sor.u32 s15, s26;
	v12 =	vmul.u32 $0x2710, v13;
	v8 =	vld [tilespmem:s14+$0x5C10]  }
0x143: {  	s12 =	smov.u32 s20;
	s9 =	smov.u32 s10;
	s13 =	sadd.s32 $0x40, s13;
	v10 =	vld.idx.msk [tilespmem:v11+s8+$0x0], $0xffff;
	v11 =	vmul.u32 $0x2710, v14  }
0x144: {  	_ =	sdelay $0x2  }
0x145: {  	v13 =	vld [tilespmem:s23+$0x5B90]  }
0x146: {  	v14 =	vld [tilespmem:s5+$0x5B90]  }
0x147: {  	v6 =	vld.idx.msk [tilespmem:v6+s8+$0x0], $0xffff  }
0x148: {  	v7 =	vld.idx.msk [tilespmem:v7+s8+$0x0], $0xffff  }
0x149: {  	v8 =	vld.idx.msk [tilespmem:v8+s8+$0x0], $0xffff  }
0x14a: {  	v3 =	vadd.s32 v3, v12;
	v9 =	vmul.u32 $0x2710, v9;
	v12 =	vld [tilespmem:s19+$0x5B90]  }
0x14b: {  	s1 =	sand.u32 $0x780, s0;
	[tilespmem:s25+$0x0] =	vst v3;
	v3 =	vadd.s32 v4, v11;
	v4 =	vld [tilespmem:s14+$0x5B90];
	s14 =	sadd.s32 $0x30, s0;
	v10 =	vmul.u32 $0x2710, v10  }
0x14c: {  	s1 =	sadd.s32 $0x1A290, s1;
	[tilespmem:s24+$0x0] =	vst v3;
	v3 =	vadd.s32 v5, v9;
	s0 =	sand.u32 $0x70, s14;
	v5 =	vmul.u32 $0x2710, v6  }
0x14d: {  	[tilespmem:s22+$0x0] =	vst v3;
	s0 =	sadd.s32 s0, s1;
	v3 =	vadd.s32 v14, v10;
	v6 =	vmul.u32 $0x2710, v7  }
0x14e: {  	s15 =	sor.u32 s9, s1;
	[tilespmem:s0+$0x0] =	vst v3;
	v3 =	vadd.s32 v13, v5;
	v5 =	vmul.u32 $0x2710, v8  }
0x14f: {  	s4 =	sadd.s32 s12, s1;
	[tilespmem:s15+$0x0] =	vst v3;
	v3 =	vadd.s32 v12, v6  }
0x150: {  	s19 =	sor.u32 s18, s1;
	[tilespmem:s4+$0x0] =	vst v3;
	v3 =	vadd.s32 v4, v5  }
0x151: {  	[tilespmem:s19+$0x0] =	vst v3  }
0x152: {  	s0 =	rddreg [dreg:$0x1c]  }
0x153: {  	v3 =	vld [tilespmem:s0+$0x80];
	_ =	sdelay $0x7  }
0x154: {  	v3 =	vld.idx.msk [tilespmem:v3+s8+$0x0], $0xffff  }
0x155: {  	s20 =	rddreg [dreg:$0xd]  }
0x156: {  	v4 =	vld [tilespmem:s20+$0x5B90]  }
0x157: {  	s22 =	sadd.s32 $0x0, s21  }
0x158: {  	s23 =	sadd.s32 $0xFD0, s22;
	s25 =	sadd.s32 $0xFA0, s22  }
0x159: {  	s26 =	sadd.s32 $0xFB0, s22;
	s1 =	sand.u32 $0x70, s23;
	s14 =	rddreg [dreg:$0x17];
	v3 =	vmul.u32 $0x2710, v3  }
0x15a: {  	s4 =	sand.u32 $0x70, s26;
	s24 =	sand.u32 $0x7F00, s14;
	s12 =	sadd.s32 $0xFFFFFFA0, s14  }
0x15b: {  	s10 =	sadd.s32 $0xFFFFFFC0, s14;
	s13 =	sadd.s32 $0xFFFFFFE0, s14;
	[smem:$0x7ED] =	sst s24;
	v3 =	vadd.s32 v4, v3  }
0x15c: {  	s5 =	sor.u32 s1, s24;
	s1 =	sand.u32 $0x70, s25;
	s9 =	sand.u32 $0x7F00, s12;
	[tilespmem:$0x1AA50] =	vst v3  }
0x15d: {  	s10 =	sand.u32 $0x7F00, s10;
	v3 =	vld [tilespmem:s5+$0x5C10];
	[smem:$0x7EE] =	sst s9;
	s9 =	sor.u32 s1, s9  }
0x15e: {  	s0 =	sadd.s32 $0xFC0, s22;
	s15 =	sand.u32 $0x7F00, s13;
	v6 =	vld [tilespmem:s9+$0x5C10];
	[smem:$0x7EF] =	sst s10  }
0x15f: {  	s0 =	sand.u32 $0x70, s0;
	s10 =	sor.u32 s4, s10;
	[smem:$0x7F0] =	sst s15  }
0x160: {  	s19 =	simm.s32 $0x20;
	s0 =	sor.u32 s0, s15;
	v7 =	vld [tilespmem:s10+$0x5C10]  }
0x161: {  	s18 =	simm.s32 $0x10;
	s26 =	sand.u32 $0x60, s19;
	s13 =	sadd.s32 $0x40, s21;
	v8 =	vld [tilespmem:s0+$0x5C10]  }
0x162: {  	s22 =	sand.u32 $0x50, s18;
	s23 =	sadd.s32 $0xFD0, s13;
	s4 =	sadd.s32 $0x80, s14;
	v4 =	vld [tilespmem:s10+$0x5B90]  }
0x163: {  	s12 =	simm.s32 $0x0;
	s24 =	sand.u32 $0x70, s23;
	s14 =	sand.u32 $0x7F00, s4;
	v11 =	vld [tilespmem:s5+$0x5B90]  }
0x164: {  	s20 =	sand.u32 $0x40, s12;
	s25 =	sadd.s32 $0xFA0, s13;
	v5 =	vld [tilespmem:s0+$0x5B90];
	s14 =	sor.u32 s24, s14  }
0x165: {  	s12 =	sand.u32 $0x780, s12;
	s23 =	sadd.s32 $0xFB0, s13;
	s18 =	sand.u32 $0x70, s25;
	v13 =	vld [tilespmem:s14+$0x5C10]  }
0x166: {  	s12 =	sadd.s32 $0x1AA90, s12;
	s1 =	simm.s32 $0x40;
	s15 =	simm.s32 $0x50;
	v10 =	vld.idx.msk [tilespmem:v3+s8+$0x0], $0xffff  }
0x167: {  	s10 =	sadd.s32 $0xFC0, s13;
	s13 =	sadd.s32 $0xFFFFFFA0, s4;
	s0 =	sadd.s32 $0xFFFFFFC0, s4;
	v3 =	vld [tilespmem:s9+$0x5B90]  }
0x168: {  	s19 =	sadd.s32 $0xFFFFFFE0, s4;
	s5 =	sand.u32 $0x70, s23;
	s13 =	sand.u32 $0x7F00, s13;
	v12 =	vld.idx.msk [tilespmem:v6+s8+$0x0], $0xffff  }
0x169: {  	s15 =	sand.u32 $0x50, s15;
	s24 =	simm.s32 $0x30;
	s23 =	sor.u32 s18, s13;
	v14 =	vld.idx.msk [tilespmem:v7+s8+$0x0], $0xffff  }
0x16a: {  	s10 =	sand.u32 $0x70, s10;
	s0 =	sand.u32 $0x7F00, s0;
	s25 =	sand.u32 $0x70, s24;
	v6 =	vld [tilespmem:s23+$0x5C10]  }
0x16b: {  	s18 =	sand.u32 $0x7F00, s19;
	s19 =	sor.u32 s5, s0;
	s0 =	sand.u32 $0x40, s1;
	v9 =	vld.idx.msk [tilespmem:v8+s8+$0x0], $0xffff;
	v8 =	vmul.u32 $0x2710, v10  }
0x16c: {  	s24 =	sadd.s32 s25, s12;
	s25 =	simm.s32 $0x60;
	s18 =	sor.u32 s10, s18;
	v7 =	vld [tilespmem:s19+$0x5C10]  }
0x16d: {  	s5 =	simm.s32 $0x80;
	s13 =	sand.u32 $0x60, s25;
	s25 =	sor.u32 s20, s12;
	v10 =	vadd.s32 v11, v8;
	v8 =	vld [tilespmem:s18+$0x5C10]  }
0x16e: {  	s9 =	simm.s32 $0x4;
	v12 =	vmul.u32 $0x2710, v12;
	v11 =	vmul.u32 $0x2710, v14;
	[tilespmem:s24+$0x0] =	vst v10;
	s24 =	sadd.s32 s22, s12;
	s22 =	sor.u32 s26, s12;
	v10 =	vld.idx.msk [tilespmem:v13+s8+$0x0], $0xffff  }
.LBB2_14:
0x16f: {  	s10 =	sadd.s32 s5, s21  }
0x170: {  	s20 =	sadd.s32 $0x10, s5;
	s9 =	sadd.s32 $0x4, s9;
	s12 =	smov.u32 s13  }
0x171: {  	v12 =	vadd.s32 v3, v12;
	v3 =	vld [tilespmem:s23+$0x5B90];
	v9 =	vmul.u32 $0x2710, v9;
	s13 =	smov.u32 s1;
	s1 =	smov.u32 s5;
	s4 =	sadd.s32 $0x80, s4  }
0x172: {  	s23 =	sadd.s32 $0xFD0, s10;
	p1 =	slt.u32 s9, $0x78;
	[tilespmem:s25+$0x0] =	vst v12;
	v11 =	vadd.s32 v4, v11;
	v4 =	vld [tilespmem:s19+$0x5B90];
	s19 =	sadd.s32 $0xFA0, s10  }
0x173: {  	s25 =	sand.u32 $0x7F00, s4;
	s23 =	sand.u32 $0x70, s23;
	v12 =	vld [tilespmem:s14+$0x5B90];
	[tilespmem:s24+$0x0] =	vst v11;
	v9 =	vadd.s32 v5, v9;
	s24 =	sadd.s32 $0xFB0, s10  }
0x174: {  	s10 =	sadd.s32 $0xFC0, s10;
	s19 =	sand.u32 $0x70, s19;
	s14 =	sor.u32 s23, s25;
	v5 =	vld [tilespmem:s18+$0x5B90];
	[tilespmem:s22+$0x0] =	vst v9  }
0x175: {  	s18 =	sadd.s32 $0xFFFFFFA0, s4;
	s22 =	sadd.s32 $0xFFFFFFC0, s4;
	s25 =	sadd.s32 $0xFFFFFFE0, s4;
	v11 =	vld [tilespmem:s14+$0x5C10]  }
0x176: {  	s23 =	sand.u32 $0x780, s13;
	s13 =	sadd.s32 $0x30, s13;
	s24 =	sand.u32 $0x70, s24;
	v13 =	vld.idx.msk [tilespmem:v6+s8+$0x0], $0xffff;
	v6 =	vmul.u32 $0x2710, v10  }
0x177: {  	s26 =	sadd.s32 $0x1AA90, s23;
	s13 =	sand.u32 $0x70, s13;
	s18 =	sand.u32 $0x7F00, s18;
	v14 =	vld.idx.msk [tilespmem:v7+s8+$0x0], $0xffff  }
0x178: {  	s10 =	sand.u32 $0x70, s10;
	s13 =	sadd.s32 s13, s26;
	s23 =	sor.u32 s19, s18;
	v9 =	vld.idx.msk [tilespmem:v8+s8+$0x0], $0xffff;
	v6 =	vadd.s32 v12, v6  }
.Ltmp8:
0x179: {  	s18 =	sand.u32 $0x7F00, s22;
	s22 =	sand.u32 $0x7F00, s25;
	[tilespmem:s13+$0x0] =	vst v6;
	(pc) =	sbr.rel @p1 .LBB2_14-.Ltmp8, $4  }
0x17a: {  	s19 =	sor.u32 s24, s18;
	s18 =	sor.u32 s10, s22;
	s13 =	sadd.s32 $0x20, s5;
	v6 =	vld [tilespmem:s23+$0x5C10]  }
0x17b: {  	s20 =	sand.u32 $0x50, s20;
	s10 =	sand.u32 $0x40, s5;
	s13 =	sand.u32 $0x60, s13;
	v7 =	vld [tilespmem:s19+$0x5C10]  }
0x17c: {  	s25 =	sor.u32 s0, s26;
	s24 =	sadd.s32 s15, s26;
	s22 =	sor.u32 s12, s26;
	v12 =	vmul.u32 $0x2710, v13;
	v8 =	vld [tilespmem:s18+$0x5C10]  }
0x17d: {  	s15 =	smov.u32 s20;
	s0 =	smov.u32 s10;
	s5 =	sadd.s32 $0x40, s5;
	v10 =	vld.idx.msk [tilespmem:v11+s8+$0x0], $0xffff;
	v11 =	vmul.u32 $0x2710, v14  }
0x17e: {  	_ =	sdelay $0x2  }
0x17f: {  	v13 =	vld [tilespmem:s23+$0x5B90]  }
0x180: {  	v14 =	vld [tilespmem:s14+$0x5B90]  }
0x181: {  	v6 =	vld.idx.msk [tilespmem:v6+s8+$0x0], $0xffff  }
0x182: {  	v7 =	vld.idx.msk [tilespmem:v7+s8+$0x0], $0xffff  }
0x183: {  	v8 =	vld.idx.msk [tilespmem:v8+s8+$0x0], $0xffff  }
0x184: {  	v3 =	vadd.s32 v3, v12;
	v9 =	vmul.u32 $0x2710, v9;
	v12 =	vld [tilespmem:s19+$0x5B90]  }
0x185: {  	s4 =	sand.u32 $0x780, s1;
	s14 =	sadd.s32 $0x30, s1;
	[tilespmem:s25+$0x0] =	vst v3;
	v3 =	vadd.s32 v4, v11;
	v4 =	vld [tilespmem:s18+$0x5B90];
	v10 =	vmul.u32 $0x2710, v10  }
0x186: {  	s4 =	sadd.s32 $0x1AA90, s4;
	s1 =	sand.u32 $0x70, s14;
	[tilespmem:s24+$0x0] =	vst v3;
	v3 =	vadd.s32 v5, v9;
	v5 =	vmul.u32 $0x2710, v6  }
0x187: {  	s1 =	sadd.s32 s1, s4;
	[tilespmem:s22+$0x0] =	vst v3;
	v3 =	vadd.s32 v14, v10;
	v6 =	vmul.u32 $0x2710, v7  }
0x188: {  	s0 =	sor.u32 s0, s4;
	[tilespmem:s1+$0x0] =	vst v3;
	v3 =	vadd.s32 v13, v5;
	v5 =	vmul.u32 $0x2710, v8  }
0x189: {  	s18 =	sadd.s32 s15, s4;
	[tilespmem:s0+$0x0] =	vst v3;
	v3 =	vadd.s32 v12, v6  }
0x18a: {  	s19 =	sor.u32 s13, s4;
	[tilespmem:s18+$0x0] =	vst v3;
	v3 =	vadd.s32 v4, v5  }
0x18b: {  	[tilespmem:s19+$0x0] =	vst v3  }
0x18c: {  	s0 =	rddreg [dreg:$0x1d]  }
0x18d: {  	v3 =	vld [tilespmem:s0+$0x80];
	_ =	sdelay $0x7  }
0x18e: {  	v3 =	vld.idx.msk [tilespmem:v3+s8+$0x0], $0xffff  }
0x18f: {  	s20 =	rddreg [dreg:$0xe]  }
0x190: {  	v4 =	vld [tilespmem:s20+$0x5B90];
	_ =	sdelay $0x2  }
0x191: {  	s22 =	sadd.s32 $0x0, s21;
	v3 =	vmul.u32 $0x2710, v3  }
0x192: {  	s23 =	sadd.s32 $0x17A0, s22;
	s24 =	rddreg [dreg:$0x18]  }
0x193: {  	s1 =	sand.u32 $0x70, s23;
	s25 =	sand.u32 $0x3F00, s24;
	v3 =	vadd.s32 v4, v3  }
0x194: {  	[smem:$0x7E9] =	sst s25;
	s4 =	sor.u32 s1, s25;
	[tilespmem:$0x1B250] =	vst v3  }
0x195: {  	s26 =	sadd.s32 $0x1770, s22;
	s5 =	sadd.s32 $0x1780, s22;
	v3 =	vld [tilespmem:s4+$0x5C10]  }
0x196: {  	s5 =	sand.u32 $0x70, s5;
	s9 =	sadd.s32 $0xFFFFFFA0, s24;
	s10 =	sadd.s32 $0xFFFFFFC0, s24  }
0x197: {  	s12 =	sadd.s32 $0xFFFFFFE0, s24;
	s1 =	sand.u32 $0x70, s26;
	s9 =	sand.u32 $0x3F00, s9  }
0x198: {  	s10 =	sand.u32 $0x3F00, s10;
	[smem:$0x7EA] =	sst s9;
	s9 =	sor.u32 s1, s9  }
0x199: {  	s0 =	sadd.s32 $0x1790, s22;
	s12 =	sand.u32 $0x3F00, s12;
	v6 =	vld [tilespmem:s9+$0x5C10];
	[smem:$0x7EB] =	sst s10  }
0x19a: {  	s0 =	sand.u32 $0x70, s0;
	s5 =	sor.u32 s5, s10;
	[smem:$0x7EC] =	sst s12  }
0x19b: {  	s19 =	sadd.s32 $0x40, s21;
	s0 =	sor.u32 s0, s12;
	v7 =	vld [tilespmem:s5+$0x5C10]  }
0x19c: {  	s13 =	simm.s32 $0x10;
	s15 =	simm.s32 $0x20;
	s22 =	sadd.s32 $0x17A0, s19;
	v8 =	vld [tilespmem:s0+$0x5C10]  }
0x19d: {  	s18 =	simm.s32 $0x4;
	s20 =	sand.u32 $0x50, s13;
	s23 =	sand.u32 $0x70, s22;
	v10 =	vld.idx.msk [tilespmem:v3+s8+$0x0], $0xffff  }
0x19e: {  	s26 =	sadd.s32 $0x1770, s19;
	s1 =	simm.s32 $0x40;
	v3 =	vld [tilespmem:s9+$0x5B90];
	s9 =	sadd.s32 $0x80, s24  }
0x19f: {  	s10 =	simm.s32 $0x0;
	s12 =	sand.u32 $0x60, s15;
	v4 =	vld [tilespmem:s5+$0x5B90];
	s25 =	sand.u32 $0x3F00, s9  }
0x1a0: {  	s14 =	sand.u32 $0x40, s10;
	v11 =	vld [tilespmem:s4+$0x5B90];
	s10 =	sand.u32 $0x780, s10;
	s23 =	sor.u32 s23, s25  }
0x1a1: {  	s4 =	sadd.s32 $0x1780, s19;
	s5 =	sadd.s32 $0x1790, s19;
	s10 =	sadd.s32 $0x1B290, s10;
	v13 =	vld [tilespmem:s23+$0x5C10]  }
0x1a2: {  	v5 =	vld [tilespmem:s0+$0x5B90];
	s4 =	sand.u32 $0x70, s4;
	s5 =	sand.u32 $0x70, s5;
	s20 =	sadd.s32 s20, s10  }
0x1a3: {  	s15 =	sadd.s32 $0xFFFFFFA0, s9;
	s0 =	sadd.s32 $0xFFFFFFC0, s9;
	s22 =	sadd.s32 $0xFFFFFFE0, s9;
	v12 =	vld.idx.msk [tilespmem:v6+s8+$0x0], $0xffff  }
0x1a4: {  	s25 =	sand.u32 $0x70, s26;
	s26 =	simm.s32 $0x30;
	v14 =	vld.idx.msk [tilespmem:v7+s8+$0x0], $0xffff;
	s13 =	sand.u32 $0x3F00, s15  }
0x1a5: {  	v9 =	vld.idx.msk [tilespmem:v8+s8+$0x0], $0xffff;
	s0 =	sand.u32 $0x3F00, s0;
	s19 =	sand.u32 $0x70, s26;
	s15 =	sor.u32 s25, s13  }
0x1a6: {  	s26 =	sadd.s32 s19, s10;
	s19 =	sand.u32 $0x3F00, s22;
	v6 =	vld [tilespmem:s15+$0x5C10];
	s22 =	sor.u32 s4, s0;
	v8 =	vmul.u32 $0x2710, v10  }
0x1a7: {  	s24 =	simm.s32 $0x50;
	s25 =	simm.s32 $0x60;
	s19 =	sor.u32 s5, s19;
	v7 =	vld [tilespmem:s22+$0x5C10]  }
0x1a8: {  	s24 =	sand.u32 $0x50, s24;
	s0 =	sand.u32 $0x40, s1;
	s13 =	sand.u32 $0x60, s25;
	v10 =	vadd.s32 v11, v8;
	v8 =	vld [tilespmem:s19+$0x5C10]  }
0x1a9: {  	s25 =	sor.u32 s14, s10;
	s4 =	sor.u32 s12, s10;
	s5 =	simm.s32 $0x80;
	v12 =	vmul.u32 $0x2710, v12;
	v11 =	vmul.u32 $0x2710, v14;
	[tilespmem:s26+$0x0] =	vst v10;
	v10 =	vld.idx.msk [tilespmem:v13+s8+$0x0], $0xffff  }
.LBB2_16:
0x1aa: {  	s10 =	sadd.s32 s5, s21  }
0x1ab: {  	s14 =	sadd.s32 $0x10, s5;
	s18 =	sadd.s32 $0x4, s18;
	s12 =	smov.u32 s13  }
0x1ac: {  	v12 =	vadd.s32 v3, v12;
	v3 =	vld [tilespmem:s15+$0x5B90];
	v9 =	vmul.u32 $0x2710, v9;
	s13 =	smov.u32 s1;
	s1 =	smov.u32 s5;
	s9 =	sadd.s32 $0x80, s9  }
0x1ad: {  	s15 =	sadd.s32 $0x17A0, s10;
	p1 =	slt.u32 s18, $0x78;
	[tilespmem:s25+$0x0] =	vst v12;
	v11 =	vadd.s32 v4, v11;
	v4 =	vld [tilespmem:s22+$0x5B90];
	s22 =	sadd.s32 $0x1770, s10  }
0x1ae: {  	s25 =	sand.u32 $0x3F00, s9;
	s15 =	sand.u32 $0x70, s15;
	v12 =	vld [tilespmem:s23+$0x5B90];
	[tilespmem:s20+$0x0] =	vst v11;
	v9 =	vadd.s32 v5, v9;
	s20 =	sadd.s32 $0x1780, s10  }
0x1af: {  	s10 =	sadd.s32 $0x1790, s10;
	s23 =	sor.u32 s15, s25;
	v5 =	vld [tilespmem:s19+$0x5B90];
	[tilespmem:s4+$0x0] =	vst v9;
	s4 =	sadd.s32 $0xFFFFFFA0, s9  }
0x1b0: {  	s19 =	sadd.s32 $0xFFFFFFC0, s9;
	s25 =	sadd.s32 $0xFFFFFFE0, s9;
	s15 =	sand.u32 $0x70, s22;
	v11 =	vld [tilespmem:s23+$0x5C10]  }
0x1b1: {  	s22 =	sand.u32 $0x780, s13;
	s13 =	sadd.s32 $0x30, s13;
	s20 =	sand.u32 $0x70, s20;
	v13 =	vld.idx.msk [tilespmem:v6+s8+$0x0], $0xffff;
	v6 =	vmul.u32 $0x2710, v10  }
0x1b2: {  	s26 =	sadd.s32 $0x1B290, s22;
	s13 =	sand.u32 $0x70, s13;
	s4 =	sand.u32 $0x3F00, s4;
	v14 =	vld.idx.msk [tilespmem:v7+s8+$0x0], $0xffff  }
0x1b3: {  	s10 =	sand.u32 $0x70, s10;
	s13 =	sadd.s32 s13, s26;
	s15 =	sor.u32 s15, s4;
	v9 =	vld.idx.msk [tilespmem:v8+s8+$0x0], $0xffff;
	v6 =	vadd.s32 v12, v6  }
.Ltmp9:
0x1b4: {  	s4 =	sand.u32 $0x3F00, s19;
	s19 =	sand.u32 $0x3F00, s25;
	[tilespmem:s13+$0x0] =	vst v6;
	(pc) =	sbr.rel @p1 .LBB2_16-.Ltmp9, $4  }
0x1b5: {  	s22 =	sor.u32 s20, s4;
	s4 =	sadd.s32 $0x20, s5;
	s19 =	sor.u32 s10, s19;
	v6 =	vld [tilespmem:s15+$0x5C10]  }
0x1b6: {  	s14 =	sand.u32 $0x50, s14;
	s10 =	sand.u32 $0x40, s5;
	s13 =	sand.u32 $0x60, s4;
	v7 =	vld [tilespmem:s22+$0x5C10]  }
0x1b7: {  	s25 =	sor.u32 s0, s26;
	s20 =	sadd.s32 s24, s26;
	s4 =	sor.u32 s12, s26;
	v12 =	vmul.u32 $0x2710, v13;
	v8 =	vld [tilespmem:s19+$0x5C10]  }
0x1b8: {  	s5 =	sadd.s32 $0x40, s5;
	s24 =	smov.u32 s14;
	s0 =	smov.u32 s10;
	v10 =	vld.idx.msk [tilespmem:v11+s8+$0x0], $0xffff;
	v11 =	vmul.u32 $0x2710, v14  }
0x1b9: {  	_ =	sdelay $0x2  }
0x1ba: {  	v13 =	vld [tilespmem:s15+$0x5B90]  }
0x1bb: {  	v14 =	vld [tilespmem:s23+$0x5B90]  }
0x1bc: {  	v6 =	vld.idx.msk [tilespmem:v6+s8+$0x0], $0xffff  }
0x1bd: {  	v7 =	vld.idx.msk [tilespmem:v7+s8+$0x0], $0xffff  }
0x1be: {  	v8 =	vld.idx.msk [tilespmem:v8+s8+$0x0], $0xffff  }
0x1bf: {  	v3 =	vadd.s32 v3, v12;
	v9 =	vmul.u32 $0x2710, v9;
	v12 =	vld [tilespmem:s22+$0x5B90]  }
0x1c0: {  	s5 =	sand.u32 $0x780, s1;
	s15 =	sadd.s32 $0x30, s1;
	[tilespmem:s25+$0x0] =	vst v3;
	v3 =	vadd.s32 v4, v11;
	v4 =	vld [tilespmem:s19+$0x5B90];
	v10 =	vmul.u32 $0x2710, v10  }
0x1c1: {  	s5 =	sadd.s32 $0x1B290, s5;
	s1 =	sand.u32 $0x70, s15;
	[tilespmem:s20+$0x0] =	vst v3;
	v3 =	vadd.s32 v5, v9;
	v5 =	vmul.u32 $0x2710, v6  }
0x1c2: {  	s1 =	sadd.s32 s1, s5;
	[tilespmem:s4+$0x0] =	vst v3;
	v3 =	vadd.s32 v14, v10;
	v6 =	vmul.u32 $0x2710, v7  }
0x1c3: {  	s0 =	sor.u32 s0, s5;
	[tilespmem:s1+$0x0] =	vst v3;
	v3 =	vadd.s32 v13, v5;
	v5 =	vmul.u32 $0x2710, v8  }
0x1c4: {  	s18 =	sadd.s32 s24, s5;
	[tilespmem:s0+$0x0] =	vst v3;
	v3 =	vadd.s32 v12, v6  }
0x1c5: {  	s19 =	sor.u32 s13, s5;
	[tilespmem:s18+$0x0] =	vst v3;
	v3 =	vadd.s32 v4, v5  }
0x1c6: {  	[tilespmem:s19+$0x0] =	vst v3  }
0x1c7: {  	s0 =	rddreg [dreg:$0x1e]  }
0x1c8: {  	v3 =	vld [tilespmem:s0+$0x80];
	_ =	sdelay $0x7  }
0x1c9: {  	v3 =	vld.idx.msk [tilespmem:v3+s8+$0x0], $0xffff  }
0x1ca: {  	s20 =	rddreg [dreg:$0xf]  }
0x1cb: {  	v4 =	vld [tilespmem:s20+$0x5B90]  }
0x1cc: {  	s22 =	sadd.s32 $0x0, s21  }
0x1cd: {  	s23 =	sadd.s32 $0x1F70, s22;
	s5 =	sadd.s32 $0x1F40, s22  }
0x1ce: {  	s13 =	sadd.s32 $0x1F50, s22;
	s1 =	sand.u32 $0x70, s23;
	s24 =	rddreg [dreg:$0x19];
	v3 =	vmul.u32 $0x2710, v3  }
0x1cf: {  	s26 =	sand.u32 $0x7F00, s24;
	s0 =	sadd.s32 $0x1F60, s22;
	s9 =	sadd.s32 $0xFFFFFFA0, s24  }
0x1d0: {  	s10 =	sadd.s32 $0xFFFFFFC0, s24;
	s12 =	sadd.s32 $0xFFFFFFE0, s24;
	[smem:$0x7E5] =	sst s26;
	v3 =	vadd.s32 v4, v3  }
0x1d1: {  	s4 =	sor.u32 s1, s26;
	s1 =	sand.u32 $0x70, s5;
	s9 =	sand.u32 $0x7F00, s9;
	[tilespmem:$0x1BA50] =	vst v3  }
0x1d2: {  	s10 =	sand.u32 $0x7F00, s10;
	v3 =	vld [tilespmem:s4+$0x5C10];
	[smem:$0x7E6] =	sst s9;
	s9 =	sor.u32 s1, s9  }
0x1d3: {  	s5 =	sand.u32 $0x70, s13;
	s14 =	sand.u32 $0x7F00, s12;
	v6 =	vld [tilespmem:s9+$0x5C10];
	[smem:$0x7E7] =	sst s10  }
0x1d4: {  	s0 =	sand.u32 $0x70, s0;
	s5 =	sor.u32 s5, s10;
	[smem:$0x7E8] =	sst s14  }
0x1d5: {  	s19 =	simm.s32 $0x20;
	s12 =	sor.u32 s0, s14;
	v7 =	vld [tilespmem:s5+$0x5C10]  }
0x1d6: {  	s18 =	simm.s32 $0x10;
	s25 =	sand.u32 $0x60, s19;
	s14 =	sadd.s32 $0x40, s21;
	v8 =	vld [tilespmem:s12+$0x5C10]  }
0x1d7: {  	s22 =	sand.u32 $0x50, s18;
	s18 =	sadd.s32 $0x80, s24;
	s20 =	sadd.s32 $0x1F70, s14;
	v4 =	vld [tilespmem:s5+$0x5B90]  }
0x1d8: {  	s23 =	sand.u32 $0x7F00, s18;
	s26 =	simm.s32 $0x4;
	v11 =	vld [tilespmem:s4+$0x5B90];
	s0 =	sand.u32 $0x70, s20  }
0x1d9: {  	s19 =	sadd.s32 $0xFFFFFFE0, s18;
	s10 =	simm.s32 $0x0;
	v5 =	vld [tilespmem:s12+$0x5B90];
	s0 =	sor.u32 s0, s23  }
0x1da: {  	s19 =	sand.u32 $0x7F00, s19;
	s1 =	simm.s32 $0x40;
	s13 =	sand.u32 $0x40, s10;
	v13 =	vld [tilespmem:s0+$0x5C10]  }
0x1db: {  	s24 =	sadd.s32 $0x1F40, s14;
	s5 =	sadd.s32 $0x1F60, s14;
	s12 =	sadd.s32 $0xFFFFFFC0, s18;
	v10 =	vld.idx.msk [tilespmem:v3+s8+$0x0], $0xffff  }
0x1dc: {  	s10 =	sand.u32 $0x780, s10;
	s20 =	sadd.s32 $0x1F50, s14;
	s14 =	sadd.s32 $0xFFFFFFA0, s18;
	v3 =	vld [tilespmem:s9+$0x5B90]  }
0x1dd: {  	s15 =	sand.u32 $0x70, s24;
	s10 =	sadd.s32 $0x1BA90, s10;
	s14 =	sand.u32 $0x7F00, s14;
	v12 =	vld.idx.msk [tilespmem:v6+s8+$0x0], $0xffff  }
0x1de: {  	s23 =	simm.s32 $0x30;
	s4 =	sand.u32 $0x70, s20;
	s20 =	sor.u32 s15, s14;
	v14 =	vld.idx.msk [tilespmem:v7+s8+$0x0], $0xffff  }
0x1df: {  	s5 =	sand.u32 $0x70, s5;
	s12 =	sand.u32 $0x7F00, s12;
	s24 =	sand.u32 $0x70, s23;
	v6 =	vld [tilespmem:s20+$0x5C10]  }
0x1e0: {  	s15 =	sor.u32 s4, s12;
	s12 =	sor.u32 s5, s19;
	s5 =	sand.u32 $0x40, s1;
	v9 =	vld.idx.msk [tilespmem:v8+s8+$0x0], $0xffff;
	v8 =	vmul.u32 $0x2710, v10  }
0x1e1: {  	s23 =	sadd.s32 s24, s10;
	s24 =	simm.s32 $0x60;
	s9 =	simm.s32 $0x50;
	v7 =	vld [tilespmem:s15+$0x5C10]  }
0x1e2: {  	s14 =	sand.u32 $0x60, s24;
	s24 =	sor.u32 s13, s10;
	s19 =	sand.u32 $0x50, s9;
	v10 =	vadd.s32 v11, v8;
	v8 =	vld [tilespmem:s12+$0x5C10]  }
0x1e3: {  	s9 =	sor.u32 s25, s10;
	v12 =	vmul.u32 $0x2710, v12;
	v11 =	vmul.u32 $0x2710, v14;
	[tilespmem:s23+$0x0] =	vst v10;
	s23 =	sadd.s32 s22, s10;
	v10 =	vld.idx.msk [tilespmem:v13+s8+$0x0], $0xffff;
	s22 =	simm.s32 $0x80  }
.LBB2_18:
0x1e4: {  	s10 =	sadd.s32 s22, s21  }
0x1e5: {  	s4 =	sadd.s32 $0x10, s22;
	s26 =	sadd.s32 $0x4, s26;
	s13 =	smov.u32 s14  }
0x1e6: {  	v12 =	vadd.s32 v3, v12;
	v3 =	vld [tilespmem:s20+$0x5B90];
	v9 =	vmul.u32 $0x2710, v9;
	s14 =	smov.u32 s1;
	s1 =	smov.u32 s22;
	s18 =	sadd.s32 $0x80, s18  }
0x1e7: {  	s20 =	sadd.s32 $0x1F70, s10;
	p1 =	slt.u32 s26, $0x78;
	[tilespmem:s24+$0x0] =	vst v12;
	v11 =	vadd.s32 v4, v11;
	v4 =	vld [tilespmem:s15+$0x5B90];
	s15 =	sadd.s32 $0x1F40, s10  }
0x1e8: {  	s24 =	sand.u32 $0x7F00, s18;
	s20 =	sand.u32 $0x70, s20;
	v12 =	vld [tilespmem:s0+$0x5B90];
	[tilespmem:s23+$0x0] =	vst v11;
	v9 =	vadd.s32 v5, v9;
	s23 =	sadd.s32 $0x1F50, s10  }
0x1e9: {  	s10 =	sadd.s32 $0x1F60, s10;
	s15 =	sand.u32 $0x70, s15;
	s0 =	sor.u32 s20, s24;
	v5 =	vld [tilespmem:s12+$0x5B90];
	[tilespmem:s9+$0x0] =	vst v9  }
0x1ea: {  	s9 =	sadd.s32 $0xFFFFFFA0, s18;
	s12 =	sadd.s32 $0xFFFFFFC0, s18;
	s24 =	sadd.s32 $0xFFFFFFE0, s18;
	v11 =	vld [tilespmem:s0+$0x5C10]  }
0x1eb: {  	s20 =	sand.u32 $0x780, s14;
	s14 =	sadd.s32 $0x30, s14;
	s23 =	sand.u32 $0x70, s23;
	v13 =	vld.idx.msk [tilespmem:v6+s8+$0x0], $0xffff;
	v6 =	vmul.u32 $0x2710, v10  }
0x1ec: {  	s25 =	sadd.s32 $0x1BA90, s20;
	s14 =	sand.u32 $0x70, s14;
	s9 =	sand.u32 $0x7F00, s9;
	v14 =	vld.idx.msk [tilespmem:v7+s8+$0x0], $0xffff  }
0x1ed: {  	s10 =	sand.u32 $0x70, s10;
	s14 =	sadd.s32 s14, s25;
	s20 =	sor.u32 s15, s9;
	v9 =	vld.idx.msk [tilespmem:v8+s8+$0x0], $0xffff;
	v6 =	vadd.s32 v12, v6  }
.Ltmp10:
0x1ee: {  	s9 =	sand.u32 $0x7F00, s12;
	s12 =	sand.u32 $0x7F00, s24;
	[tilespmem:s14+$0x0] =	vst v6;
	(pc) =	sbr.rel @p1 .LBB2_18-.Ltmp10, $4  }
0x1ef: {  	s15 =	sor.u32 s23, s9;
	s9 =	sadd.s32 $0x20, s22;
	s12 =	sor.u32 s10, s12;
	v6 =	vld [tilespmem:s20+$0x5C10]  }
0x1f0: {  	s4 =	sand.u32 $0x50, s4;
	s10 =	sand.u32 $0x40, s22;
	s14 =	sand.u32 $0x60, s9;
	v7 =	vld [tilespmem:s15+$0x5C10]  }
0x1f1: {  	s24 =	sor.u32 s5, s25;
	s23 =	sadd.s32 s19, s25;
	s9 =	sor.u32 s13, s25;
	v12 =	vmul.u32 $0x2710, v13;
	v8 =	vld [tilespmem:s12+$0x5C10]  }
0x1f2: {  	s22 =	sadd.s32 $0x40, s22;
	s19 =	smov.u32 s4;
	s5 =	smov.u32 s10;
	v10 =	vld.idx.msk [tilespmem:v11+s8+$0x0], $0xffff;
	v11 =	vmul.u32 $0x2710, v14  }
0x1f3: {  	_ =	sdelay $0x2  }
0x1f4: {  	v13 =	vld [tilespmem:s20+$0x5B90]  }
0x1f5: {  	v14 =	vld [tilespmem:s0+$0x5B90]  }
0x1f6: {  	v6 =	vld.idx.msk [tilespmem:v6+s8+$0x0], $0xffff  }
0x1f7: {  	v7 =	vld.idx.msk [tilespmem:v7+s8+$0x0], $0xffff  }
0x1f8: {  	v8 =	vld.idx.msk [tilespmem:v8+s8+$0x0], $0xffff  }
0x1f9: {  	v3 =	vadd.s32 v3, v12;
	v9 =	vmul.u32 $0x2710, v9;
	v58 =	vld [tilespmem:s15+$0x5B90]  }
0x1fa: {  	v59 =	vld [tilespmem:s12+$0x5B90];
	s25 =	sadd.s32 $0x30, s1;
	[tilespmem:s24+$0x0] =	vst v3;
	v3 =	vadd.s32 v4, v11;
	s24 =	sand.u32 $0x780, s1;
	v10 =	vmul.u32 $0x2710, v10  }
0x1fb: {  	s1 =	sand.u32 $0x70, s25;
	[tilespmem:s23+$0x0] =	vst v3;
	v3 =	vadd.s32 v5, v9;
	s0 =	sadd.s32 $0x1BA90, s24;
	v60 =	vmul.u32 $0x2710, v6  }
0x1fc: {  	[tilespmem:s9+$0x0] =	vst v3;
	s1 =	sadd.s32 s1, s0;
	v3 =	vadd.s32 v14, v10;
	v61 =	vmul.u32 $0x2710, v7  }
0x1fd: {  	s26 =	sor.u32 s5, s0;
	[tilespmem:s1+$0x0] =	vst v3;
	v3 =	vadd.s32 v13, v60;
	v62 =	vmul.u32 $0x2710, v8  }
0x1fe: {  	s4 =	sadd.s32 s19, s0;
	[tilespmem:s26+$0x0] =	vst v3;
	v3 =	vadd.s32 v58, v61  }
0x1ff: {  	s0 =	sor.u32 s14, s0;
	[tilespmem:s4+$0x0] =	vst v3;
	v3 =	vadd.s32 v59, v62  }
0x200: {  	[tilespmem:s0+$0x0] =	vst v3  }
0x201: {  	s20 =	rddreg [dreg:$0x7]  }
0x202: {  	v3 =	vld [tilespmem:s20+$0xAA10];
	_ =	sdelay $0x7  }
0x203: {  	v3 =	vld.idx.msk [tilespmem:v3+s8+$0x0], $0xffff;
	_ =	sdelay $0x1  }
0x204: {  	v63 =	vld [tilespmem:s20+$0xA990];
	_ =	sdelay $0x1  }
.Ltmp11:
0x205: {  	_ = 	snop;
	(pc) =	sbr.rel @p0 .LBB2_23-.Ltmp11, $3  }
0x206: {  	v3 =	vmul.u32 $0x2710, v3;
	_ =	sdelay $0x1  }
0x207: {  	v3 =	vadd.s32 v63, v3  }
0x208: {  	s13 =	simm.s32 $0x19810;
	s22 =	rddreg [dreg:$0x1a];
	[tilespmem:$0x1C250] =	vst v3  }
0x209: {  	s5 =	rddreg [dreg:$0x9]  }
0x20a: {  	s1 =	sadd.s32 $0x30, s5  }
0x20b: {  	s0 =	sadd.s32 $0x10, s5;
	v3 =	vor.u32 s1, v2  }
0x20c: {  	s4 =	sadd.s32 $0x20, s5;
	v4 =	vor.u32 s0, v2;
	vm0 =	vlt.s32 v3, $0x270F  }
0x20d: {  	v6 =	vnsel vm0, $0x270F, v3;
	vm0 =	vlt.s32 v4, $0x270F;
	v3 =	vor.u32 s4, v2  }
0x20e: {  	v5 =	vor.u32 s5, v2;
	vm1 =	vlt.s32 v3, $0x270F;
	v8 =	vnsel vm0, $0x270F, v4  }
0x20f: {  	s26 =	sadd.s32 $0x40, s5;
	vm0 =	vlt.s32 v5, $0x270F;
	v10 =	vnsel vm1, $0x270F, v3  }
0x210: {  	v12 =	vmov s26;
	v9 =	vor.u32 s26, v2;
	s9 =	sadd.s32 $0x20, s26;
	v11 =	vnsel vm0, $0x270F, v5  }
0x211: {  	v17 =	vmov s1;
	v63 =	vmov s9;
	v4 =	vmov s0  }
0x212: {  	s0 =	sadd.s32 $0x30, s26;
	v3 =	vmov s5;
	v5 =	vmov s4;
	vm0 =	vlt.u32 v4, $0x2710;
	v7 =	vld.idx.msk [tilespmem:v6+s8+$0x0], $0xffff  }
0x213: {  	s5 =	sadd.s32 $0x10, s26;
	v4 =	vor.u32 s0, v2;
	vm1 =	vlt.u32 v3, $0x2710;
	vm2 =	vlt.u32 v5, $0x2710;
	v13 =	vld.idx.msk [tilespmem:v8+s8+$0x0], $0xffff  }
0x214: {  	vm0 =	vmmov vm0;
	v3 =	vor.u32 s5, v2;
	v5 =	vor.u32 s9, v2;
	v14 =	vld.idx.msk [tilespmem:v10+s8+$0x0], $0xffff  }
0x215: {  	vm5 =	vlt.s32 v4, $0x270F;
	vm3 =	vmmov vm1;
	vm2 =	vmmov vm2;
	v15 =	vld.idx.msk [tilespmem:v11+s8+$0x0], $0xffff  }
0x216: {  	vm1 =	vlt.s32 v9, $0x270F;
	vm4 =	vlt.s32 v3, $0x270F;
	v4 =	vnsel vm5, $0x270F, v4  }
0x217: {  	vm6 =	vlt.s32 v5, $0x270F;
	v3 =	vnsel vm4, $0x270F, v3;
	v16 =	vmul.u32 $0x2710, v7  }
0x218: {  	v5 =	vnsel vm6, $0x270F, v5;
	v7 =	vnsel vm1, $0x270F, v9;
	vm1 =	vlt.u32 v17, $0x2710  }
0x219: {  	v9 =	vmov s5;
	v13 =	vmul.u32 $0x2710, v13;
	v6 =	vadd.s32 v6, v16  }
0x21a: {  	v14 =	vmul.u32 $0x2710, v14;
	v15 =	vmul.u32 $0x2710, v15;
	v6 =	vnsel vm1, $0x0, v6  }
0x21b: {  	vm5 =	vlt.u32 v63, $0x2710;
	vm4 =	vlt.u32 v9, $0x2710;
	v9 =	vld.idx.msk [tilespmem:v4+s8+$0x0], $0xffff;
	v13 =	vadd.s32 v8, v13  }
0x21c: {  	s1 =	simm.s32 $0x1EAB0;
	vm1 =	vlt.u32 v12, $0x2710;
	v8 =	vld.idx.msk [tilespmem:v3+s8+$0x0], $0xffff;
	v14 =	vadd.s32 v10, v14;
	v11 =	vadd.s32 v11, v15  }
0x21d: {  	s12 =	sadd.s32 $0x40, s26;
	s5 =	simm.s32 $0x4;
	[tilespmem:s1+$0x10] =	vst v6;
	v10 =	vld.idx.msk [tilespmem:v5+s8+$0x0], $0xffff;
	v13 =	vnsel vm0, $0x0, v13;
	v11 =	vnsel vm3, $0x0, v11;
	v12 =	vnsel vm2, $0x0, v14;
	v6 =	vmovc v7  }
.LBB2_21:
0x21e: {  	v14 =	vmov s12;
	v15 =	vor.u32 s12, v2  }
0x21f: {  	s4 =	sadd.s32 $0x10, s12;
	s9 =	sadd.s32 $0x30, s12;
	s5 =	sadd.s32 $0x4, s5;
	v16 =	vld.idx.msk [tilespmem:v7+s8+$0x0], $0xffff;
	[tilespmem:s1+$0xFFFFFFF0] =	vst v13;
	vm0 =	vmmov vm4;
	vm3 =	vmmov vm1;
	vm2 =	vmmov vm5  }
0x220: {  	s10 =	sadd.s32 $0x20, s12;
	vm1 =	vlt.s32 v15, $0x270F;
	v7 =	vor.u32 s4, v2;
	v13 =	vor.u32 s9, v2;
	p1 =	slt.u32 s5, $0x24;
	[tilespmem:s1+$0x0] =	vst v12  }
0x221: {  	v12 =	vor.u32 s10, v2;
	vm4 =	vlt.s32 v7, $0x270F;
	vm5 =	vlt.s32 v13, $0x270F;
	[tilespmem:s1+$0xFFFFFFE0] =	vst v11  }
0x222: {  	vm6 =	vlt.s32 v12, $0x270F;
	v9 =	vmul.u32 $0x2710, v9;
	v11 =	vnsel vm5, $0x270F, v13  }
0x223: {  	v17 =	vmov s0;
	s0 =	smov.u32 s9;
	v13 =	vnsel vm4, $0x270F, v7;
	v12 =	vnsel vm6, $0x270F, v12  }
0x224: {  	v7 =	vnsel vm1, $0x270F, v15;
	vm1 =	vlt.u32 v17, $0x2710;
	v9 =	vadd.s32 v4, v9;
	v4 =	vmovc v11  }
.Ltmp12:
0x225: {  	s1 =	sadd.s32 $0x40, s1;
	v8 =	vmul.u32 $0x2710, v8;
	v10 =	vmul.u32 $0x2710, v10;
	v9 =	vnsel vm1, $0x0, v9;
	(pc) =	sbr.rel @p1 .LBB2_21-.Ltmp12, $4  }
0x226: {  	v15 =	vmov s4;
	v17 =	vmov s10;
	v16 =	vmul.u32 $0x2710, v16;
	[tilespmem:s1+$0x10] =	vst v9  }
0x227: {  	vm4 =	vlt.u32 v15, $0x2710;
	v15 =	vadd.s32 v3, v8;
	v3 =	vmovc v13;
	v18 =	vadd.s32 v5, v10;
	v9 =	vld.idx.msk [tilespmem:v11+s8+$0x0], $0xffff  }
0x228: {  	vm5 =	vlt.u32 v17, $0x2710;
	vm1 =	vlt.u32 v14, $0x2710;
	v5 =	vmovc v12;
	v11 =	vadd.s32 v6, v16;
	v6 =	vmovc v7;
	v8 =	vld.idx.msk [tilespmem:v13+s8+$0x0], $0xffff  }
0x229: {  	s12 =	sadd.s32 $0x40, s12;
	v11 =	vnsel vm3, $0x0, v11;
	v13 =	vnsel vm0, $0x0, v15;
	v10 =	vld.idx.msk [tilespmem:v12+s8+$0x0], $0xffff;
	v12 =	vnsel vm2, $0x0, v18  }
0x22a: {  	_ =	sdelay $0x3  }
0x22b: {  	v7 =	vld.idx.msk [tilespmem:v7+s8+$0x0], $0xffff;
	_ =	sdelay $0x1  }
0x22c: {  	v9 =	vmul.u32 $0x2710, v9  }
0x22d: {  	[tilespmem:s1+$0xFFFFFFF0] =	vst v13;
	vm0 =	vmmov vm4;
	v60 =	vmov s0;
	v8 =	vmul.u32 $0x2710, v8  }
0x22e: {  	[tilespmem:s1+$0x0] =	vst v12;
	vm2 =	vlt.u32 v60, $0x2710;
	v4 =	vadd.s32 v4, v9;
	v61 =	vmul.u32 $0x2710, v10  }
0x22f: {  	[tilespmem:s1+$0xFFFFFFE0] =	vst v11;
	s26 =	sadd.s32 $0x40, s1;
	v4 =	vnsel vm2, $0x0, v4;
	v7 =	vmul.u32 $0x2710, v7;
	v3 =	vadd.s32 v3, v8  }
0x230: {  	vm14 =	vmmov vm5;
	[tilespmem:s26+$0x10] =	vst v4;
	v62 =	vadd.s32 v5, v61;
	v3 =	vnsel vm0, $0x0, v3  }
0x231: {  	vm15 =	vmmov vm1;
	v63 =	vadd.s32 v6, v7;
	v4 =	vnsel vm14, $0x0, v62;
	[tilespmem:s26+$0xFFFFFFF0] =	vst v3  }
0x232: {  	v3 =	vnsel vm15, $0x0, v63;
	[tilespmem:s26+$0x0] =	vst v4  }
0x233: {  	[tilespmem:s26+$0xFFFFFFE0] =	vst v3  }
.LBB2_23:
0x234: {  	s0 =	simm.s32 $0x5  }
0x235: {  	_ =	swait.ge [sflag:s0], $0x2710  }
0x236: {  	[sflag:s0] =	ssyncset.done $0x0  }
0x237: {  	[sflag:s0] =	ssyncadd.s32 $0xFFFFD8F0  }
0x238: {  	_ =	swait.ge [sflag:s17], $0x7D0  }
0x239: {  	[sflag:s17] =	ssyncset.done $0x0  }
0x23a: {  	[sflag:s17] =	ssyncadd.s32 $0xFFFFF830  }
0x23b: {  	_ =	swait.ge [sflag:s17], $0x7D0  }
0x23c: {  	[sflag:s17] =	ssyncset.done $0x0  }
0x23d: {  	[sflag:s17] =	ssyncadd.s32 $0xFFFFF830  }
0x23e: {  	_ =	swait.ge [sflag:s17], $0x7D0  }
0x23f: {  	[sflag:s17] =	ssyncset.done $0x0  }
0x240: {  	[sflag:s17] =	ssyncadd.s32 $0xFFFFF830  }
0x241: {  	_ =	swait.ge [sflag:s17], $0x7D0  }
0x242: {  	[sflag:s17] =	ssyncset.done $0x0  }
0x243: {  	[sflag:s17] =	ssyncadd.s32 $0xFFFFF830  }
0x244: {  	_ =	swait.ge [sflag:s17], $0x7D0  }
0x245: {  	[sflag:s17] =	ssyncset.done $0x0  }
0x246: {  	[sflag:s17] =	ssyncadd.s32 $0xFFFFF830  }
0x247: {  	_ =	swait.ge [sflag:s17], $0x7D0  }
0x248: {  	[sflag:s17] =	ssyncset.done $0x0  }
0x249: {  	[sflag:s17] =	ssyncadd.s32 $0xFFFFF830  }
0x24a: {  	_ =	swait.ge [sflag:s17], $0x7D0  }
0x24b: {  	[sflag:s17] =	ssyncset.done $0x0  }
0x24c: {  	[sflag:s17] =	ssyncadd.s32 $0xFFFFF830  }
0x24d: {  	_ =	swait.ge [sflag:s17], $0x7D0  }
0x24e: {  	[sflag:s17] =	ssyncset.done $0x0  }
0x24f: {  	[sflag:s17] =	ssyncadd.s32 $0xFFFFF830  }
0x250: {  	_ =	swait.ge [sflag:s17], $0x7D0  }
0x251: {  	[sflag:s17] =	ssyncset.done $0x0  }
0x252: {  	[sflag:s17] =	ssyncadd.s32 $0xFFFFF830  }
0x253: {  	_ =	swait.ge [sflag:s17], $0x7D0  }
0x254: {  	[sflag:s17] =	ssyncset.done $0x0  }
0x255: {  	[sflag:s17] =	ssyncadd.s32 $0xFFFFF830  }
0x256: {  	[bflag:$0x0] =	sbarrier.arrive $0xFFFF  }
0x257: {  	[tilespmem:s13], [sflag:$0x6] =	stream.linear.gather [spmem:s22], $0x280, $0x38;
	[tilespmem:$0x1EF90] =	vst v63  }
0x258: {  	_ =	swait.ge [sflag:s16], $0x280  }
0x259: {  	[sflag:s16] =	ssyncset.done $0x0  }
0x25a: {  	s26 =	simm.s32 $0x19830;
	[sflag:s16] =	ssyncadd.s32 $0xFFFFFD80  }
0x25b: {  	v3 =	vld [tilespmem:s26+$0x10];
	_ =	sdelay $0x4  }
0x25c: {  	v3 =	vadd.f32 $1.000000000e+00, v3  }
0x25d: {  	v4 =	vld [tilespmem:s26+$0xFFFFFFE0]  }
0x25e: {  	v5 =	vshra.s32 v3, $0x1;
	v3 =	vmul.f32 $5.000000000e-01, v3  }
0x25f: {  	v5 =	vsub.s32 $0x5F3759DF, v5  }
0x260: {  	v6 =	vld [tilespmem:s26+$0xFFFFFFF0];
	v7 =	vmul.f32 v5, v3;
	_ =	sdelay $0x1  }
0x261: {  	v8 =	vld [tilespmem:s26+$0x0];
	v4 =	vadd.f32 $1.000000000e+00, v4;
	v7 =	vmul.f32 v5, v7;
	_ =	sdelay $0x1  }
0x262: {  	v9 =	vshra.s32 v4, $0x1;
	v10 =	vmul.f32 $5.000000000e-01, v4;
	v7 =	vsub.f32 $1.500000000e+00, v7  }
0x263: {  	s1 =	simm.s32 $0x19870;
	v4 =	vadd.f32 $1.000000000e+00, v6;
	v6 =	vsub.s32 $0x5F3759DF, v9  }
0x264: {  	v12 =	vld [tilespmem:s1+$0x10];
	v9 =	vmul.f32 v6, v10;
	v5 =	vmul.f32 v5, v7  }
0x265: {  	v11 =	vmul.f32 $5.000000000e-01, v4;
	v7 =	vshra.s32 v4, $0x1;
	v4 =	vadd.f32 $1.000000000e+00, v8  }
0x266: {  	v7 =	vsub.s32 $0x5F3759DF, v7;
	v8 =	vmul.f32 v5, v3  }
0x267: {  	v9 =	vmul.f32 v6, v9;
	v13 =	vmul.f32 v7, v11;
	v14 =	vshra.s32 v4, $0x1  }
0x268: {  	v15 =	vmul.f32 $5.000000000e-01, v4;
	v4 =	vmul.f32 v8, v5;
	v8 =	vsub.s32 $0x5F3759DF, v14;
	v14 =	vld [tilespmem:s1+$0xFFFFFFE0]  }
0x269: {  	v12 =	vadd.f32 $1.000000000e+00, v12;
	v9 =	vsub.f32 $1.500000000e+00, v9;
	v13 =	vmul.f32 v7, v13  }
0x26a: {  	v16 =	vmul.f32 v8, v15;
	v4 =	vsub.f32 $1.500000000e+00, v4  }
0x26b: {  	v18 =	vmul.f32 $5.000000000e-01, v12;
	v9 =	vmul.f32 v6, v9;
	v6 =	vsub.f32 $1.500000000e+00, v13  }
0x26c: {  	v13 =	vmul.f32 v8, v16;
	v16 =	vld [tilespmem:s1+$0x0];
	v4 =	vmul.f32 v4, v5  }
0x26d: {  	v5 =	vld [tilespmem:s1+$0xFFFFFFF0];
	v17 =	vmul.f32 v7, v6;
	v6 =	vshra.s32 v12, $0x1;
	v7 =	vadd.f32 $1.000000000e+00, v14  }
0x26e: {  	v6 =	vsub.s32 $0x5F3759DF, v6;
	v13 =	vsub.f32 $1.500000000e+00, v13;
	v14 =	vmul.f32 v9, v10  }
0x26f: {  	v12 =	vmul.f32 v4, v3;
	v19 =	vmul.f32 v6, v18  }
0x270: {  	v20 =	vshra.s32 v7, $0x1;
	v3 =	vmul.f32 $5.000000000e-01, v7;
	v8 =	vmul.f32 v8, v13  }
0x271: {  	v7 =	vmul.f32 v12, v4;
	v12 =	vadd.f32 $1.000000000e+00, v16;
	v16 =	vsub.s32 $0x5F3759DF, v20  }
0x272: {  	v19 =	vmul.f32 v6, v19;
	v20 =	vadd.f32 $1.000000000e+00, v5;
	v5 =	vmul.f32 v17, v11  }
0x273: {  	v14 =	vmul.f32 v14, v9;
	v21 =	vmul.f32 v16, v3  }
0x274: {  	v19 =	vsub.f32 $1.500000000e+00, v19;
	v22 =	vmul.f32 v5, v17;
	v5 =	vshra.s32 v20, $0x1  }
0x275: {  	v21 =	vmul.f32 v16, v21;
	v23 =	vsub.s32 $0x5F3759DF, v5;
	v5 =	vmul.f32 $5.000000000e-01, v12  }
0x276: {  	v13 =	vshra.s32 v12, $0x1;
	v12 =	vmul.f32 v6, v19;
	v6 =	vmul.f32 $5.000000000e-01, v20  }
0x277: {  	v20 =	vsub.f32 $1.500000000e+00, v7;
	v19 =	vsub.f32 $1.500000000e+00, v21;
	v21 =	vmul.f32 v8, v15  }
0x278: {  	v25 =	vsub.s32 $0x5F3759DF, v13;
	v24 =	vmul.f32 v12, v18;
	v13 =	vmul.f32 v23, v6  }
0x279: {  	v4 =	vmul.f32 v20, v4;
	v7 =	vmul.f32 v16, v19;
	v16 =	vsub.f32 $1.500000000e+00, v22  }
0x27a: {  	s18 =	simm.s32 $0x198B0;
	v22 =	vmul.f32 v25, v5;
	v19 =	vmul.f32 v24, v12  }
0x27b: {  	v20 =	vld [tilespmem:s18+$0xFFFFFFE0];
	v13 =	vmul.f32 v23, v13;
	v27 =	vmul.f32 v16, v17  }
0x27c: {  	v24 =	vld [tilespmem:s18+$0x10];
	v17 =	vmul.f32 v25, v22;
	v22 =	vmul.f32 v7, v3;
	v19 =	vsub.f32 $1.500000000e+00, v19  }
0x27d: {  	v14 =	vsub.f32 $1.500000000e+00, v14;
	v16 =	vmul.f32 v21, v8;
	v13 =	vsub.f32 $1.500000000e+00, v13  }
0x27e: {  	v62 =	vmul.f32 v22, v7;
	v26 =	vmul.f32 v19, v12  }
0x27f: {  	v19 =	vmul.f32 v14, v9;
	v9 =	vsub.f32 $1.500000000e+00, v16;
	v12 =	vmul.f32 v23, v13  }
0x280: {  	v14 =	vsub.f32 $1.500000000e+00, v17;
	v17 =	vmul.f32 v27, v11;
	v11 =	vadd.f32 $1.000000000e+00, v20  }
0x281: {  	v21 =	vld [tilespmem:s18+$0x0];
	v18 =	vmul.f32 v26, v18;
	v13 =	vmul.f32 v9, v8;
	v9 =	vadd.f32 $1.000000000e+00, v24  }
0x282: {  	v16 =	vld [tilespmem:s18+$0xFFFFFFF0];
	v20 =	vmul.f32 v19, v10;
	v23 =	vshra.s32 v11, $0x1;
	v8 =	vmul.f32 $5.000000000e-01, v11  }
0x283: {  	v10 =	vmul.f32 v25, v14;
	v17 =	vmul.f32 v17, v27;
	v23 =	vsub.s32 $0x5F3759DF, v23  }
0x284: {  	v18 =	vmul.f32 v18, v26;
	v14 =	vshra.s32 v9, $0x1;
	v11 =	vmul.f32 $5.000000000e-01, v9  }
0x285: {  	v20 =	vmul.f32 v20, v19;
	v9 =	vmul.f32 v13, v15;
	v24 =	vsub.s32 $0x5F3759DF, v14  }
0x286: {  	v21 =	vadd.f32 $1.000000000e+00, v21;
	v29 =	vmul.f32 v23, v8;
	v25 =	vmul.f32 v24, v11  }
0x287: {  	v22 =	vmul.f32 v10, v5;
	v15 =	vadd.f32 $1.000000000e+00, v16;
	v16 =	vmul.f32 v12, v6  }
0x288: {  	v14 =	vshra.s32 v21, $0x1;
	v28 =	vmul.f32 v9, v13;
	v25 =	vmul.f32 v24, v25  }
0x289: {  	v31 =	vsub.f32 $1.500000000e+00, v20;
	v9 =	vshra.s32 v15, $0x1;
	v30 =	vmul.f32 v16, v12  }
0x28a: {  	v16 =	vsub.s32 $0x5F3759DF, v9;
	v9 =	vmul.f32 $5.000000000e-01, v21;
	v21 =	vsub.f32 $1.500000000e+00, v25  }
0x28b: {  	v15 =	vmul.f32 $5.000000000e-01, v15;
	v25 =	vmul.f32 v23, v29  }
0x28c: {  	v63 =	vsub.f32 $1.500000000e+00, v17;
	v61 =	vmul.f32 v31, v19;
	v19 =	vmul.f32 v24, v21  }
0x28d: {  	v14 =	vsub.s32 $0x5F3759DF, v14;
	v21 =	vsub.f32 $1.500000000e+00, v25;
	v24 =	vsub.f32 $1.500000000e+00, v18  }
0x28e: {  	v20 =	vsub.f32 $1.500000000e+00, v30;
	v25 =	vmul.f32 v16, v15;
	v32 =	vmul.f32 v19, v11  }
0x28f: {  	v18 =	vmul.f32 v23, v21;
	v17 =	vmul.f32 v24, v26;
	v23 =	vsub.f32 $1.500000000e+00, v28  }
0x290: {  	s5 =	simm.s32 $0x198F0;
	s0 =	simm.s32 $0x8;
	[tilespmem:s26+$0xFFFFFFE0] =	vst v61;
	v24 =	vsub.f32 $1.500000000e+00, v62;
	v21 =	vmul.f32 v63, v27;
	v26 =	vmul.f32 v32, v19  }
.LBB2_24:
0x291: {  	v27 =	vld [tilespmem:s5+$0xFFFFFFE0];
	s0 =	sadd.s32 $0x4, s0;
	v25 =	vmul.f32 v16, v25;
	v28 =	vmul.f32 v14, v9  }
0x292: {  	v30 =	vmul.f32 v20, v12;
	v12 =	vmul.f32 v22, v10;
	v29 =	vld [tilespmem:s5+$0x10];
	p1 =	slt.u32 s0, $0x24;
	v26 =	vsub.f32 $1.500000000e+00, v26;
	[tilespmem:s26+$0xFFFFFFF0] =	vst v21  }
0x293: {  	v13 =	vmul.f32 v23, v13;
	v20 =	vld [tilespmem:s5+$0xFFFFFFF0];
	v21 =	vsub.f32 $1.500000000e+00, v25;
	v22 =	vmul.f32 v14, v28;
	[tilespmem:s26+$0x10] =	vst v4;
	v4 =	vmovc v17  }
0x294: {  	v17 =	vld [tilespmem:s5+$0x0];
	v23 =	vmul.f32 v26, v19;
	v19 =	vmul.f32 v24, v7;
	v24 =	vsub.f32 $1.500000000e+00, v12;
	v7 =	vmovc v18  }
0x295: {  	v18 =	vmul.f32 v30, v6;
	v6 =	vmovc v15;
	v12 =	vmul.f32 v16, v21;
	v16 =	vsub.f32 $1.500000000e+00, v22;
	[tilespmem:s26+$0x0] =	vst v13;
	s26 =	smov.u32 s1;
	s1 =	smov.u32 s18;
	s18 =	smov.u32 s5  }
0x296: {  	v15 =	vadd.f32 $1.000000000e+00, v27;
	v11 =	vmul.f32 v23, v11;
	v13 =	vmul.f32 v24, v10  }
0x297: {  	v22 =	vmul.f32 v7, v8;
	v24 =	vmul.f32 v19, v3;
	v3 =	vmovc v8;
	v21 =	vadd.f32 $1.000000000e+00, v29  }
0x298: {  	v25 =	vshra.s32 v15, $0x1;
	v8 =	vmul.f32 $5.000000000e-01, v15;
	v15 =	vmul.f32 v11, v23  }
0x299: {  	v10 =	vmul.f32 v14, v16;
	v16 =	vmul.f32 v24, v19;
	v17 =	vadd.f32 $1.000000000e+00, v17  }
0x29a: {  	v14 =	vshra.s32 v21, $0x1;
	v11 =	vmul.f32 $5.000000000e-01, v21;
	v21 =	vmul.f32 v13, v5;
	v5 =	vmovc v9  }
0x29b: {  	v24 =	vadd.f32 $1.000000000e+00, v20;
	v9 =	vmul.f32 v12, v6;
	v26 =	vsub.s32 $0x5F3759DF, v14  }
0x29c: {  	v14 =	vshra.s32 v17, $0x1;
	v20 =	vmul.f32 v26, v11;
	v21 =	vmul.f32 v21, v13  }
0x29d: {  	v27 =	vsub.s32 $0x5F3759DF, v25;
	v9 =	vmul.f32 v9, v12;
	v14 =	vsub.s32 $0x5F3759DF, v14  }
0x29e: {  	v25 =	vshra.s32 v24, $0x1;
	v29 =	vsub.f32 $1.500000000e+00, v16;
	v28 =	vmul.f32 v26, v20  }
0x29f: {  	v31 =	vmul.f32 v27, v8;
	v16 =	vsub.s32 $0x5F3759DF, v25;
	v20 =	vsub.f32 $1.500000000e+00, v9  }
0x2a0: {  	v18 =	vmul.f32 v18, v30;
	v9 =	vmul.f32 $5.000000000e-01, v17;
	v17 =	vsub.f32 $1.500000000e+00, v28  }
0x2a1: {  	v25 =	vmul.f32 v27, v31;
	v29 =	vmul.f32 v29, v19;
	v28 =	vsub.f32 $1.500000000e+00, v15  }
.Ltmp13:
0x2a2: {  	v31 =	vsub.f32 $1.500000000e+00, v18;
	v15 =	vmul.f32 $5.000000000e-01, v24;
	v19 =	vmul.f32 v26, v17;
	(pc) =	sbr.rel @p1 .LBB2_24-.Ltmp13, $4  }
0x2a3: {  	v24 =	vmul.f32 v22, v7;
	v22 =	vmul.f32 v10, v5;
	v17 =	vsub.f32 $1.500000000e+00, v25;
	[tilespmem:s26+$0xFFFFFFE0] =	vst v29  }
0x2a4: {  	v25 =	vmul.f32 v16, v15;
	v26 =	vmul.f32 v19, v11  }
0x2a5: {  	v18 =	vmul.f32 v27, v17;
	v17 =	vmul.f32 v28, v23;
	v23 =	vsub.f32 $1.500000000e+00, v21  }
0x2a6: {  	s5 =	sadd.s32 $0x40, s5;
	v24 =	vsub.f32 $1.500000000e+00, v24;
	v21 =	vmul.f32 v31, v30;
	v26 =	vmul.f32 v26, v19  }
0x2a7: {  	v25 =	vmul.f32 v16, v25;
	v27 =	vmul.f32 v14, v9  }
0x2a8: {  	v12 =	vmul.f32 v20, v12;
	v48 =	vmul.f32 v22, v10  }
0x2a9: {  	v13 =	vmul.f32 v23, v13;
	v49 =	vsub.f32 $1.500000000e+00, v25;
	v50 =	vmul.f32 v14, v27  }
0x2aa: {  	v53 =	vmul.f32 v18, v8;
	v26 =	vsub.f32 $1.500000000e+00, v26;
	v7 =	vmul.f32 v24, v7  }
0x2ab: {  	v6 =	vmul.f32 v12, v6;
	v51 =	vmul.f32 v16, v49;
	v52 =	vsub.f32 $1.500000000e+00, v50  }
0x2ac: {  	v20 =	vsub.f32 $1.500000000e+00, v48;
	v19 =	vmul.f32 v26, v19;
	v3 =	vmul.f32 v7, v3  }
0x2ad: {  	v54 =	vmul.f32 v14, v52;
	v55 =	vmul.f32 v51, v15  }
0x2ae: {  	v10 =	vmul.f32 v20, v10;
	v20 =	vmul.f32 v53, v18  }
0x2af: {  	v22 =	vmul.f32 v55, v51;
	v56 =	vmul.f32 v54, v9  }
0x2b0: {  	v6 =	vmul.f32 v6, v12;
	v3 =	vmul.f32 v3, v7;
	v20 =	vsub.f32 $1.500000000e+00, v20  }
0x2b1: {  	v5 =	vmul.f32 v10, v5;
	v22 =	vsub.f32 $1.500000000e+00, v22;
	v23 =	vmul.f32 v56, v54  }
0x2b2: {  	v11 =	vmul.f32 v19, v11;
	v3 =	vsub.f32 $1.500000000e+00, v3;
	v57 =	vmul.f32 v20, v18  }
0x2b3: {  	v5 =	vmul.f32 v5, v10;
	v16 =	vmul.f32 v22, v51;
	v58 =	vsub.f32 $1.500000000e+00, v23  }
0x2b4: {  	v6 =	vsub.f32 $1.500000000e+00, v6;
	v3 =	vmul.f32 v3, v7;
	v7 =	vmul.f32 v57, v8  }
0x2b5: {  	[tilespmem:s26+$0x10] =	vst v4;
	v8 =	vmul.f32 v16, v15;
	v14 =	vmul.f32 v58, v54  }
0x2b6: {  	[tilespmem:s1+$0x10] =	vst v17;
	v4 =	vmul.f32 v6, v12;
	v6 =	vmul.f32 v7, v57  }
0x2b7: {  	[tilespmem:s26+$0xFFFFFFF0] =	vst v21;
	v5 =	vsub.f32 $1.500000000e+00, v5;
	v7 =	vmul.f32 v14, v9;
	v8 =	vmul.f32 v8, v16  }
0x2b8: {  	[tilespmem:s1+$0xFFFFFFE0] =	vst v3;
	v3 =	vsub.f32 $1.500000000e+00, v6;
	v9 =	vmul.f32 v11, v19  }
0x2b9: {  	[tilespmem:s1+$0xFFFFFFF0] =	vst v4;
	v4 =	vmul.f32 v5, v10;
	v5 =	vmul.f32 v7, v14;
	v6 =	vsub.f32 $1.500000000e+00, v8  }
0x2ba: {  	[tilespmem:s26+$0x0] =	vst v13;
	v3 =	vmul.f32 v3, v57;
	v7 =	vsub.f32 $1.500000000e+00, v9  }
0x2bb: {  	[tilespmem:s1+$0x0] =	vst v4;
	v4 =	vsub.f32 $1.500000000e+00, v5;
	v5 =	vmul.f32 v6, v16  }
0x2bc: {  	[tilespmem:s18+$0xFFFFFFE0] =	vst v3;
	v6 =	vmul.f32 v7, v19  }
0x2bd: {  	[tilespmem:s18+$0xFFFFFFF0] =	vst v5;
	v3 =	vmul.f32 v4, v14  }
0x2be: {  	[tilespmem:s18+$0x10] =	vst v6  }
0x2bf: {  	[tilespmem:s18+$0x0] =	vst v3  }
0x2c0: {  	s0 =	rddreg [dreg:$0x1f]  }
0x2c1: {  	[spmem:s0] =	stream.linear.scatter [tilespmem:s13], [sflag:$0x6], $0x280, $0x38;
	[tilespmem:$0x1EF90] =	vst v63  }
0x2c2: {  	_ =	swait.ge [sflag:s16], $0x280  }
0x2c3: {  	[sflag:s16] =	ssyncset.done $0x0  }
0x2c4: {  	[sflag:s16] =	ssyncadd.s32 $0xFFFFFD80  }
0x2c5: {  	[bflag:$0x0] =	sbarrier.arrive $0xFFFF  }
0x2c6: {  	s23 =	rddreg [dreg:$0x5]  }
0x2c7: {  	[tilespmem:s6], [sflag:$0x6] =	stream.linear.gather [spmem:s23], $0x2800, $0x38;
	[tilespmem:$0x1EF90] =	vst v63  }
0x2c8: {  	_ =	swait.ge [sflag:s16], $0x2800  }
0x2c9: {  	[sflag:s16] =	ssyncset.done $0x0  }
0x2ca: {  	[sflag:s16] =	ssyncadd.s32 $0xFFFFD800  }
0x2cb: {  	v3 =	vld [tilespmem:s29+$0x5B90]  }
0x2cc: {  	v4 =	vld [tilespmem:s29+$0x5C10]  }
0x2cd: {  	v5 =	vld [tilespmem:s31+$0x5B90]  }
0x2ce: {  	v6 =	vld [tilespmem:s31+$0x5C10]  }
0x2cf: {  	s24 =	sld [smem:$0x7F5];
	v7 =	vld [tilespmem:s2+$0x5B90]  }
0x2d0: {  	s25 =	sld [smem:$0x7F6];
	v8 =	vld [tilespmem:s2+$0x5C10]  }
0x2d1: {  	v9 =	vld [tilespmem:s30+$0x5B90]  }
0x2d2: {  	v10 =	vld [tilespmem:s30+$0x5C10]  }
0x2d3: {  	v63 =	vld [tilespmem:s7+$0x5B90];
	s0 =	sor.u32 s24, s25  }
0x2d4: {  	v60 =	vld [tilespmem:s0+$0x5C10]  }
0x2d5: {  	v3 =	vld.idx.msk [tilespmem:v3+s6+$0x0], $0xffff  }
0x2d6: {  	v4 =	vld.idx.msk [tilespmem:v4+s6+$0x0], $0xffff  }
0x2d7: {  	v5 =	vld.idx.msk [tilespmem:v5+s6+$0x0], $0xffff  }
0x2d8: {  	s26 =	sld [smem:$0x7F7];
	v6 =	vld.idx.msk [tilespmem:v6+s6+$0x0], $0xffff  }
0x2d9: {  	s29 =	sld [smem:$0x7F8];
	v11 =	vld.idx.msk [tilespmem:v7+s6+$0x0], $0xffff  }
0x2da: {  	v59 =	vld.idx.msk [tilespmem:v8+s6+$0x0], $0xffff  }
0x2db: {  	v8 =	vld [tilespmem:s0+$0x5B90]  }
0x2dc: {  	v61 =	vld.idx.msk [tilespmem:v9+s6+$0x0], $0xffff;
	s0 =	sor.u32 s26, s29  }
0x2dd: {  	v7 =	vld [tilespmem:s0+$0x5B90];
	v3 =	vmul.f32 v4, v3  }
0x2de: {  	v4 =	vld [tilespmem:s0+$0x5C10];
	s0 =	simm.s32 $0x1C2B0  }
0x2df: {  	v62 =	vld.idx.msk [tilespmem:v10+s6+$0x0], $0xffff;
	[tilespmem:s0+$0x0] =	vst v3  }
0x2e0: {  	v9 =	vld [tilespmem:s7+$0x5C10];
	s30 =	sld [smem:$0x7F9]  }
0x2e1: {  	s31 =	sld [smem:$0x7FA];
	_ =	sdelay $0x1  }
0x2e2: {  	v10 =	vld.idx.msk [tilespmem:v60+s6+$0x0], $0xffff;
	v5 =	vmul.f32 v6, v5  }
0x2e3: {  	v3 =	vmul.f32 v59, v11;
	v8 =	vld.idx.msk [tilespmem:v8+s6+$0x0], $0xffff;
	s1 =	sor.u32 s30, s31  }
0x2e4: {  	v6 =	vmul.f32 v62, v61;
	[tilespmem:s0+$0xFFFFFFE0] =	vst v5;
	v5 =	vld [tilespmem:s1+$0x5B90]  }
0x2e5: {  	[tilespmem:s0+$0xFFFFFFF0] =	vst v3;
	v3 =	vld [tilespmem:s1+$0x5C10]  }
0x2e6: {  	s5 =	sadd.s32 $0x80, s28;
	s2 =	sadd.s32 $0x40, s11;
	[tilespmem:s0+$0x10] =	vst v6;
	v6 =	vld.idx.msk [tilespmem:v63+s6+$0x0], $0xffff;
	s1 =	simm.s32 $0x4  }
.LBB2_26:
0x2e7: {  	s4 =	sadd.s32 $0xFFFFFFA0, s5;
	s7 =	sadd.s32 $0xFFFFFFF0, s2;
	s9 =	sadd.s32 $0xFFFFFFE0, s5;
	v9 =	vld.idx.msk [tilespmem:v9+s6+$0x0], $0xffff  }
0x2e8: {  	s1 =	sadd.s32 $0x4, s1;
	s7 =	sand.u32 $0x70, s7;
	s9 =	sand.u32 $0x1F00, s9;
	v7 =	vld.idx.msk [tilespmem:v7+s6+$0x0], $0xffff  }
0x2e9: {  	s10 =	sadd.s32 $0xFFFFFFE0, s2;
	p1 =	slt.u32 s1, $0x78;
	v8 =	vmul.f32 v10, v8;
	s7 =	sor.u32 s7, s9;
	v4 =	vld.idx.msk [tilespmem:v4+s6+$0x0], $0xffff  }
0x2ea: {  	s11 =	sadd.s32 $0xFFFFFFC0, s5;
	s0 =	sadd.s32 $0x40, s0;
	s9 =	sadd.s32 $0xFFFFFFD0, s2;
	v10 =	vld [tilespmem:s7+$0x5B90]  }
0x2eb: {  	s4 =	sand.u32 $0x1F00, s4;
	s10 =	sand.u32 $0x70, s10;
	s9 =	sand.u32 $0x70, s9;
	v11 =	vld [tilespmem:s7+$0x5C10];
	[tilespmem:s0+$0x0] =	vst v8  }
0x2ec: {  	s12 =	sand.u32 $0x1F00, s5;
	s7 =	sand.u32 $0x1F00, s11;
	s11 =	sand.u32 $0x70, s2;
	v5 =	vld.idx.msk [tilespmem:v5+s6+$0x0], $0xffff  }
0x2ed: {  	s4 =	sor.u32 s9, s4;
	s7 =	sor.u32 s10, s7;
	s9 =	sor.u32 s11, s12;
	v6 =	vmul.f32 v9, v6;
	v3 =	vld.idx.msk [tilespmem:v3+s6+$0x0], $0xffff  }
0x2ee: {  	v12 =	vld [tilespmem:s4+$0x5B90]  }
0x2ef: {  	v9 =	vld [tilespmem:s4+$0x5C10];
	[tilespmem:s0+$0xFFFFFFE0] =	vst v6;
	v6 =	vmul.f32 v4, v7  }
0x2f0: {  	v7 =	vld [tilespmem:s7+$0x5B90]  }
0x2f1: {  	v4 =	vld [tilespmem:s7+$0x5C10];
	[tilespmem:s0+$0xFFFFFFF0] =	vst v6  }
.Ltmp14:
0x2f2: {  	v8 =	vld.idx.msk [tilespmem:v10+s6+$0x0], $0xffff;
	(pc) =	sbr.rel @p1 .LBB2_26-.Ltmp14, $4  }
0x2f3: {  	v6 =	vmul.f32 v3, v5;
	v10 =	vld.idx.msk [tilespmem:v11+s6+$0x0], $0xffff  }
0x2f4: {  	v5 =	vld [tilespmem:s9+$0x5B90]  }
0x2f5: {  	v3 =	vld [tilespmem:s9+$0x5C10];
	[tilespmem:s0+$0x10] =	vst v6  }
0x2f6: {  	s5 =	sadd.s32 $0x80, s5;
	s2 =	sadd.s32 $0x40, s2;
	v6 =	vld.idx.msk [tilespmem:v12+s6+$0x0], $0xffff  }
0x2f7: {  	_ =	sdelay $0x3  }
0x2f8: {  	v9 =	vld.idx.msk [tilespmem:v9+s6+$0x0], $0xffff  }
0x2f9: {  	v7 =	vld.idx.msk [tilespmem:v7+s6+$0x0], $0xffff  }
0x2fa: {  	v4 =	vld.idx.msk [tilespmem:v4+s6+$0x0], $0xffff  }
0x2fb: {  	v5 =	vld.idx.msk [tilespmem:v5+s6+$0x0], $0xffff  }
0x2fc: {  	v3 =	vld.idx.msk [tilespmem:v3+s6+$0x0], $0xffff;
	_ =	sdelay $0x1  }
0x2fd: {  	v8 =	vmul.f32 v10, v8  }
0x2fe: {  	s0 =	sadd.s32 $0x40, s0;
	v6 =	vmul.f32 v9, v6  }
0x2ff: {  	[tilespmem:s0+$0x0] =	vst v8;
	v4 =	vmul.f32 v4, v7  }
0x300: {  	[tilespmem:s0+$0xFFFFFFE0] =	vst v6;
	v3 =	vmul.f32 v3, v5  }
0x301: {  	[tilespmem:s0+$0xFFFFFFF0] =	vst v4  }
0x302: {  	[tilespmem:s0+$0x10] =	vst v3  }
0x303: {  	s0 =	rddreg [dreg:$0xc]  }
0x304: {  	s19 =	rddreg [dreg:$0x1b];
	v3 =	vld [tilespmem:s0+$0x5B90]  }
0x305: {  	v4 =	vld [tilespmem:s19+$0x80];
	_ =	sdelay $0x6  }
0x306: {  	v3 =	vld.idx.msk [tilespmem:v3+s6+$0x0], $0xffff  }
0x307: {  	v4 =	vld.idx.msk [tilespmem:v4+s6+$0x0], $0xffff;
	_ =	sdelay $0x3  }
0x308: {  	s23 =	sadd.s32 $0x0, s21;
	s2 =	sld [smem:$0x7F1]  }
0x309: {  	s1 =	sadd.s32 $0x800, s23;
	v3 =	vmul.f32 v4, v3  }
0x30a: {  	s1 =	sand.u32 $0x70, s1  }
0x30b: {  	s1 =	sor.u32 s1, s2;
	[tilespmem:$0x1CA50] =	vst v3  }
0x30c: {  	s26 =	sld [smem:$0x7F3];
	v3 =	vld [tilespmem:s1+$0x5B90]  }
0x30d: {  	s25 =	sadd.s32 $0x7E0, s23;
	s28 =	sld [smem:$0x7F4];
	v4 =	vld [tilespmem:s1+$0x5C10]  }
0x30e: {  	s4 =	sld [smem:$0x7F2];
	s0 =	sadd.s32 $0x7F0, s23;
	s2 =	sand.u32 $0x70, s25  }
0x30f: {  	s24 =	sadd.s32 $0x7D0, s23;
	s0 =	sand.u32 $0x70, s0;
	s2 =	sor.u32 s2, s26  }
0x310: {  	s0 =	sor.u32 s0, s28;
	s1 =	sand.u32 $0x70, s24;
	v7 =	vld [tilespmem:s2+$0x5B90]  }
0x311: {  	v10 =	vld [tilespmem:s0+$0x5C10];
	s1 =	sor.u32 s1, s4  }
0x312: {  	v5 =	vld [tilespmem:s1+$0x5B90]  }
0x313: {  	v6 =	vld [tilespmem:s1+$0x5C10]  }
0x314: {  	v8 =	vld.idx.msk [tilespmem:v3+s6+$0x0], $0xffff  }
0x315: {  	v9 =	vld.idx.msk [tilespmem:v4+s6+$0x0], $0xffff  }
0x316: {  	v3 =	vld [tilespmem:s2+$0x5C10]  }
0x317: {  	s31 =	sadd.s32 $0x40, s21;
	s10 =	rddreg [dreg:$0x16];
	v4 =	vld [tilespmem:s0+$0x5B90]  }
0x318: {  	s11 =	sadd.s32 $0x800, s31;
	s1 =	sadd.s32 $0x80, s10;
	v7 =	vld.idx.msk [tilespmem:v7+s6+$0x0], $0xffff  }
0x319: {  	s5 =	simm.s32 $0x0;
	s12 =	sand.u32 $0x3F00, s1;
	s0 =	sand.u32 $0x70, s11;
	v10 =	vld.idx.msk [tilespmem:v10+s6+$0x0], $0xffff  }
0x31a: {  	s13 =	simm.s32 $0x10;
	s7 =	simm.s32 $0x20;
	s0 =	sor.u32 s0, s12;
	v11 =	vld.idx.msk [tilespmem:v5+s6+$0x0], $0xffff  }
0x31b: {  	s10 =	sand.u32 $0x50, s13;
	s13 =	sadd.s32 $0xFFFFFFC0, s1;
	s12 =	sadd.s32 $0x7E0, s31;
	v12 =	vld [tilespmem:s0+$0x5B90]  }
0x31c: {  	s18 =	simm.s32 $0x40;
	s13 =	sand.u32 $0x3F00, s13;
	v13 =	vld [tilespmem:s0+$0x5C10];
	s12 =	sand.u32 $0x70, s12  }
0x31d: {  	s29 =	simm.s32 $0x0;
	s9 =	sand.u32 $0x40, s5;
	v6 =	vld.idx.msk [tilespmem:v6+s6+$0x0], $0xffff;
	s25 =	sor.u32 s12, s13  }
0x31e: {  	s14 =	sand.u32 $0x780, s5;
	s15 =	sadd.s32 $0x7D0, s31;
	s19 =	sadd.s32 $0xFFFFFFA0, s1;
	v5 =	vld [tilespmem:s25+$0x5B90]  }
0x31f: {  	s5 =	sand.u32 $0x70, s15;
	s11 =	sand.u32 $0x60, s7;
	s7 =	sand.u32 $0x3F00, s19;
	v14 =	vld.idx.msk [tilespmem:v3+s6+$0x0], $0xffff  }
0x320: {  	s30 =	simm.s32 $0x5B90;
	s14 =	sadd.s32 $0x1CA90, s14;
	s5 =	sor.u32 s5, s7;
	v15 =	vld.idx.msk [tilespmem:v4+s6+$0x0], $0xffff  }
0x321: {  	s9 =	sor.u32 s9, s14;
	s23 =	simm.s32 $0x30;
	s28 =	simm.s32 $0x50;
	v3 =	vld [tilespmem:s5+$0x5B90]  }
0x322: {  	s24 =	sand.u32 $0x70, s23;
	s4 =	sadd.s32 $0x7F0, s31;
	s26 =	sadd.s32 $0xFFFFFFE0, s1;
	v8 =	vmul.f32 v9, v8;
	v4 =	vld [tilespmem:s5+$0x5C10]  }
0x323: {  	s4 =	sand.u32 $0x70, s4;
	s0 =	sadd.s32 s24, s14;
	v9 =	vmul.f32 v6, v11;
	s5 =	sand.u32 $0x3F00, s26;
	v6 =	vld.idx.msk [tilespmem:v12+s6+$0x0], $0xffff  }
0x324: {  	s10 =	sadd.s32 s10, s14;
	s31 =	simm.s32 $0x60;
	[tilespmem:s0+$0x0] =	vst v8;
	s4 =	sor.u32 s4, s5;
	v8 =	vld.idx.msk [tilespmem:v13+s6+$0x0], $0xffff;
	v11 =	vmul.f32 v14, v7  }
0x325: {  	s2 =	simm.s32 $0x4;
	s7 =	sand.u32 $0x60, s31;
	s0 =	sand.u32 $0x50, s28;
	[tilespmem:s9+$0x0] =	vst v9;
	v9 =	vld [tilespmem:s4+$0x5B90]  }
0x326: {  	s5 =	sand.u32 $0x40, s18;
	s9 =	sor.u32 s11, s14;
	s11 =	simm.s32 $0x80;
	v7 =	vld [tilespmem:s25+$0x5C10];
	v10 =	vmul.f32 v10, v15;
	[tilespmem:s10+$0x0] =	vst v11  }
.LBB2_28:
0x327: {  	s10 =	sadd.s32 s11, s21  }
0x328: {  	s12 =	sand.u32 $0x780, s18;
	v11 =	vld [tilespmem:s4+$0x5C10];
	s1 =	sadd.s32 $0x80, s1;
	[tilespmem:s9+$0x0] =	vst v10;
	s2 =	sadd.s32 $0x4, s2  }
0x329: {  	s9 =	sadd.s32 $0x30, s18;
	s4 =	sadd.s32 $0x800, s10;
	v3 =	vld.idx.msk [tilespmem:v3+s6+$0x0], $0xffff;
	s13 =	sand.u32 $0x3F00, s1  }
0x32a: {  	p1 =	slt.u32 s2, $0x78;
	s12 =	sadd.s32 $0x1CA90, s12;
	s4 =	sand.u32 $0x70, s4;
	v4 =	vld.idx.msk [tilespmem:v4+s6+$0x0], $0xffff  }
0x32b: {  	s9 =	sand.u32 $0x70, s9;
	s14 =	sadd.s32 $0x7E0, s10;
	s4 =	sor.u32 s4, s13;
	v10 =	vld.idx.msk [tilespmem:v5+s6+$0x0], $0xffff;
	v5 =	vmul.f32 v8, v6  }
0x32c: {  	s15 =	sadd.s32 $0xFFFFFFA0, s1;
	s9 =	sadd.s32 s9, s12;
	s13 =	sadd.s32 $0x7D0, s10;
	v6 =	vld [tilespmem:s4+$0x5B90]  }
0x32d: {  	s18 =	sadd.s32 $0xFFFFFFC0, s1;
	s5 =	sor.u32 s5, s12;
	s10 =	sadd.s32 $0x7F0, s10;
	v8 =	vld [tilespmem:s4+$0x5C10];
	[tilespmem:s9+$0x0] =	vst v5  }
0x32e: {  	s4 =	sand.u32 $0x70, s13;
	s9 =	sand.u32 $0x70, s14;
	s13 =	sadd.s32 $0xFFFFFFE0, s1;
	v7 =	vld.idx.msk [tilespmem:v7+s6+$0x0], $0xffff  }
0x32f: {  	s10 =	sand.u32 $0x70, s10;
	s14 =	sand.u32 $0x3F00, s15;
	s15 =	sand.u32 $0x3F00, s18;
	v9 =	vld.idx.msk [tilespmem:v9+s6+$0x0], $0xffff  }
0x330: {  	s14 =	sor.u32 s4, s14;
	s15 =	sor.u32 s9, s15;
	s4 =	sand.u32 $0x3F00, s13;
	v12 =	vmul.f32 v4, v3;
	v11 =	vld.idx.msk [tilespmem:v11+s6+$0x0], $0xffff  }
0x331: {  	s9 =	sadd.s32 $0x10, s11;
	s13 =	sadd.s32 $0x20, s11;
	s4 =	sor.u32 s10, s4;
	v3 =	vld [tilespmem:s14+$0x5B90]  }
0x332: {  	s10 =	sand.u32 $0x40, s11;
	s13 =	sand.u32 $0x60, s13;
	v4 =	vld [tilespmem:s14+$0x5C10];
	s14 =	sand.u32 $0x50, s9  }
.Ltmp15:
0x333: {  	s19 =	sadd.s32 s0, s12;
	s9 =	sor.u32 s7, s12;
	v5 =	vld [tilespmem:s15+$0x5B90];
	(pc) =	sbr.rel @p1 .LBB2_28-.Ltmp15, $4  }
0x334: {  	s7 =	smov.u32 s13;
	v10 =	vmul.f32 v7, v10;
	s0 =	smov.u32 s14;
	v6 =	vld.idx.msk [tilespmem:v6+s6+$0x0], $0xffff;
	[tilespmem:s5+$0x0] =	vst v12;
	s5 =	smov.u32 s10  }
0x335: {  	s18 =	smov.u32 s11;
	v8 =	vld.idx.msk [tilespmem:v8+s6+$0x0], $0xffff  }
0x336: {  	v7 =	vld [tilespmem:s15+$0x5C10];
	[tilespmem:s19+$0x0] =	vst v10;
	v10 =	vmul.f32 v11, v9  }
0x337: {  	s11 =	sadd.s32 $0x40, s11;
	v9 =	vld [tilespmem:s4+$0x5B90]  }
0x338: {  	_ = 	snop  }
0x339: {  	v11 =	vld [tilespmem:s4+$0x5C10];
	_ =	sdelay $0x2  }
0x33a: {  	v3 =	vld.idx.msk [tilespmem:v3+s6+$0x0], $0xffff  }
0x33b: {  	v4 =	vld.idx.msk [tilespmem:v4+s6+$0x0], $0xffff  }
0x33c: {  	v5 =	vld.idx.msk [tilespmem:v5+s6+$0x0], $0xffff  }
0x33d: {  	v7 =	vld.idx.msk [tilespmem:v7+s6+$0x0], $0xffff  }
0x33e: {  	v9 =	vld.idx.msk [tilespmem:v9+s6+$0x0], $0xffff  }
0x33f: {  	v11 =	vld.idx.msk [tilespmem:v11+s6+$0x0], $0xffff  }
0x340: {  	s1 =	sand.u32 $0x780, s18;
	s2 =	sadd.s32 $0x30, s18  }
0x341: {  	s1 =	sadd.s32 $0x1CA90, s1;
	s2 =	sand.u32 $0x70, s2;
	v6 =	vmul.f32 v8, v6  }
0x342: {  	[tilespmem:s9+$0x0] =	vst v10;
	s2 =	sadd.s32 s2, s1;
	v3 =	vmul.f32 v4, v3  }
0x343: {  	s11 =	sor.u32 s5, s1;
	[tilespmem:s2+$0x0] =	vst v6;
	v4 =	vmul.f32 v7, v5  }
0x344: {  	s0 =	sadd.s32 s0, s1;
	[tilespmem:s11+$0x0] =	vst v3;
	v3 =	vmul.f32 v11, v9  }
0x345: {  	s1 =	sor.u32 s7, s1;
	[tilespmem:s0+$0x0] =	vst v4  }
0x346: {  	[tilespmem:s1+$0x0] =	vst v3  }
0x347: {  	s0 =	rddreg [dreg:$0xd]  }
0x348: {  	s12 =	rddreg [dreg:$0x1c];
	v3 =	vld [tilespmem:s0+$0x5B90]  }
0x349: {  	v4 =	vld [tilespmem:s12+$0x80];
	_ =	sdelay $0x6  }
0x34a: {  	v3 =	vld.idx.msk [tilespmem:v3+s6+$0x0], $0xffff  }
0x34b: {  	v4 =	vld.idx.msk [tilespmem:v4+s6+$0x0], $0xffff;
	_ =	sdelay $0x3  }
0x34c: {  	s13 =	sadd.s32 $0x0, s21;
	s2 =	sld [smem:$0x7ED]  }
0x34d: {  	s14 =	sadd.s32 $0xFD0, s13;
	v3 =	vmul.f32 v4, v3  }
0x34e: {  	s1 =	sand.u32 $0x70, s14  }
0x34f: {  	s1 =	sor.u32 s1, s2;
	[tilespmem:$0x1D250] =	vst v3  }
0x350: {  	s23 =	sld [smem:$0x7EF];
	v3 =	vld [tilespmem:s1+$0x5B90]  }
0x351: {  	s18 =	sadd.s32 $0xFB0, s13;
	s24 =	sld [smem:$0x7F0];
	v4 =	vld [tilespmem:s1+$0x5C10]  }
0x352: {  	s19 =	sld [smem:$0x7EE];
	s0 =	sadd.s32 $0xFC0, s13;
	s2 =	sand.u32 $0x70, s18  }
0x353: {  	s15 =	sadd.s32 $0xFA0, s13;
	s0 =	sand.u32 $0x70, s0;
	s2 =	sor.u32 s2, s23  }
0x354: {  	s0 =	sor.u32 s0, s24;
	s1 =	sand.u32 $0x70, s15;
	v7 =	vld [tilespmem:s2+$0x5B90]  }
0x355: {  	v10 =	vld [tilespmem:s0+$0x5C10];
	s1 =	sor.u32 s1, s19  }
0x356: {  	v5 =	vld [tilespmem:s1+$0x5B90]  }
0x357: {  	v6 =	vld [tilespmem:s1+$0x5C10]  }
0x358: {  	v8 =	vld.idx.msk [tilespmem:v3+s6+$0x0], $0xffff  }
0x359: {  	v9 =	vld.idx.msk [tilespmem:v4+s6+$0x0], $0xffff  }
0x35a: {  	s31 =	simm.s32 $0x0;
	v3 =	vld [tilespmem:s2+$0x5C10]  }
0x35b: {  	s9 =	sand.u32 $0x40, s31;
	v4 =	vld [tilespmem:s0+$0x5B90]  }
0x35c: {  	s14 =	simm.s32 $0x20;
	s25 =	rddreg [dreg:$0x17];
	s2 =	sadd.s32 $0x40, s21;
	v7 =	vld.idx.msk [tilespmem:v7+s6+$0x0], $0xffff  }
0x35d: {  	s11 =	sand.u32 $0x60, s14;
	s0 =	sadd.s32 $0x80, s25;
	v10 =	vld.idx.msk [tilespmem:v10+s6+$0x0], $0xffff;
	s26 =	sadd.s32 $0xFD0, s2  }
0x35e: {  	s13 =	simm.s32 $0x10;
	s28 =	sand.u32 $0x7F00, s0;
	v11 =	vld.idx.msk [tilespmem:v5+s6+$0x0], $0xffff;
	s1 =	sand.u32 $0x70, s26  }
0x35f: {  	s23 =	simm.s32 $0x30;
	s15 =	sand.u32 $0x780, s31;
	v6 =	vld.idx.msk [tilespmem:v6+s6+$0x0], $0xffff;
	s1 =	sor.u32 s1, s28  }
0x360: {  	s10 =	sand.u32 $0x50, s13;
	s24 =	sand.u32 $0x70, s23;
	s15 =	sadd.s32 $0x1D290, s15;
	v12 =	vld [tilespmem:s1+$0x5B90]  }
0x361: {  	s4 =	sadd.s32 s24, s15;
	s18 =	sadd.s32 $0xFA0, s2;
	s19 =	sadd.s32 $0xFFFFFFA0, s0;
	v13 =	vld [tilespmem:s1+$0x5C10]  }
0x362: {  	s13 =	sadd.s32 $0xFB0, s2;
	s5 =	sand.u32 $0x70, s18;
	s7 =	sand.u32 $0x7F00, s19;
	v14 =	vld.idx.msk [tilespmem:v3+s6+$0x0], $0xffff  }
0x363: {  	s14 =	sadd.s32 $0xFFFFFFC0, s0;
	s2 =	sadd.s32 $0xFC0, s2;
	s5 =	sor.u32 s5, s7;
	v15 =	vld.idx.msk [tilespmem:v4+s6+$0x0], $0xffff  }
0x364: {  	s13 =	sand.u32 $0x70, s13;
	s14 =	sand.u32 $0x7F00, s14;
	s26 =	sadd.s32 $0xFFFFFFE0, s0;
	v8 =	vmul.f32 v9, v8;
	v3 =	vld [tilespmem:s5+$0x5B90]  }
0x365: {  	s2 =	sand.u32 $0x70, s2;
	s25 =	sor.u32 s13, s14;
	v9 =	vmul.f32 v6, v11;
	v4 =	vld [tilespmem:s5+$0x5C10];
	s5 =	sand.u32 $0x7F00, s26  }
0x366: {  	s9 =	sor.u32 s9, s15;
	v5 =	vld [tilespmem:s25+$0x5B90];
	[tilespmem:s4+$0x0] =	vst v8;
	s4 =	sor.u32 s2, s5  }
0x367: {  	s12 =	simm.s32 $0x40;
	[tilespmem:s9+$0x0] =	vst v9;
	v9 =	vld [tilespmem:s4+$0x5B90]  }
0x368: {  	s31 =	simm.s32 $0x60;
	s10 =	sadd.s32 s10, s15;
	s28 =	simm.s32 $0x50;
	v6 =	vld.idx.msk [tilespmem:v12+s6+$0x0], $0xffff;
	v11 =	vmul.f32 v14, v7  }
0x369: {  	s7 =	sand.u32 $0x60, s31;
	s1 =	simm.s32 $0x4;
	s5 =	sand.u32 $0x40, s12;
	v8 =	vld.idx.msk [tilespmem:v13+s6+$0x0], $0xffff  }
0x36a: {  	s2 =	sand.u32 $0x50, s28;
	s9 =	sor.u32 s11, s15;
	s11 =	simm.s32 $0x80;
	v7 =	vld [tilespmem:s25+$0x5C10];
	v10 =	vmul.f32 v10, v15;
	[tilespmem:s10+$0x0] =	vst v11  }
.LBB2_30:
0x36b: {  	s10 =	sadd.s32 s11, s21  }
0x36c: {  	s13 =	sand.u32 $0x780, s12;
	v11 =	vld [tilespmem:s4+$0x5C10];
	s0 =	sadd.s32 $0x80, s0;
	[tilespmem:s9+$0x0] =	vst v10;
	s1 =	sadd.s32 $0x4, s1  }
0x36d: {  	s9 =	sadd.s32 $0x30, s12;
	s4 =	sadd.s32 $0xFD0, s10;
	v3 =	vld.idx.msk [tilespmem:v3+s6+$0x0], $0xffff;
	s12 =	sand.u32 $0x7F00, s0  }
0x36e: {  	p1 =	slt.u32 s1, $0x78;
	s9 =	sand.u32 $0x70, s9;
	s4 =	sand.u32 $0x70, s4;
	v4 =	vld.idx.msk [tilespmem:v4+s6+$0x0], $0xffff  }
0x36f: {  	s14 =	sadd.s32 $0xFB0, s10;
	s4 =	sor.u32 s4, s12;
	s12 =	sadd.s32 $0x1D290, s13;
	v10 =	vld.idx.msk [tilespmem:v5+s6+$0x0], $0xffff;
	v5 =	vmul.f32 v8, v6  }
0x370: {  	s13 =	sadd.s32 $0xFA0, s10;
	s10 =	sadd.s32 $0xFC0, s10;
	v6 =	vld [tilespmem:s4+$0x5B90];
	s9 =	sadd.s32 s9, s12  }
0x371: {  	s15 =	sadd.s32 $0xFFFFFFA0, s0;
	s18 =	sadd.s32 $0xFFFFFFC0, s0;
	s10 =	sand.u32 $0x70, s10;
	v8 =	vld [tilespmem:s4+$0x5C10];
	[tilespmem:s9+$0x0] =	vst v5  }
0x372: {  	s4 =	sand.u32 $0x70, s13;
	s9 =	sand.u32 $0x70, s14;
	s13 =	sadd.s32 $0xFFFFFFE0, s0;
	v7 =	vld.idx.msk [tilespmem:v7+s6+$0x0], $0xffff  }
0x373: {  	s5 =	sor.u32 s5, s12;
	s14 =	sand.u32 $0x7F00, s15;
	s15 =	sand.u32 $0x7F00, s18;
	v9 =	vld.idx.msk [tilespmem:v9+s6+$0x0], $0xffff  }
0x374: {  	s14 =	sor.u32 s4, s14;
	s15 =	sor.u32 s9, s15;
	s4 =	sand.u32 $0x7F00, s13;
	v12 =	vmul.f32 v4, v3;
	v11 =	vld.idx.msk [tilespmem:v11+s6+$0x0], $0xffff  }
0x375: {  	s9 =	sadd.s32 $0x10, s11;
	s13 =	sadd.s32 $0x20, s11;
	s4 =	sor.u32 s10, s4;
	v3 =	vld [tilespmem:s14+$0x5B90]  }
0x376: {  	s10 =	sand.u32 $0x40, s11;
	s13 =	sand.u32 $0x60, s13;
	v4 =	vld [tilespmem:s14+$0x5C10];
	s14 =	sand.u32 $0x50, s9  }
.Ltmp16:
0x377: {  	s18 =	sadd.s32 s2, s12;
	s9 =	sor.u32 s7, s12;
	v5 =	vld [tilespmem:s15+$0x5B90];
	(pc) =	sbr.rel @p1 .LBB2_30-.Ltmp16, $4  }
0x378: {  	s7 =	smov.u32 s13;
	v10 =	vmul.f32 v7, v10;
	s2 =	smov.u32 s14;
	v6 =	vld.idx.msk [tilespmem:v6+s6+$0x0], $0xffff;
	[tilespmem:s5+$0x0] =	vst v12;
	s5 =	smov.u32 s10  }
0x379: {  	s12 =	smov.u32 s11;
	v8 =	vld.idx.msk [tilespmem:v8+s6+$0x0], $0xffff  }
0x37a: {  	v7 =	vld [tilespmem:s15+$0x5C10];
	[tilespmem:s18+$0x0] =	vst v10;
	v10 =	vmul.f32 v11, v9  }
0x37b: {  	s11 =	sadd.s32 $0x40, s11;
	v9 =	vld [tilespmem:s4+$0x5B90]  }
0x37c: {  	_ = 	snop  }
0x37d: {  	v11 =	vld [tilespmem:s4+$0x5C10];
	_ =	sdelay $0x2  }
0x37e: {  	v3 =	vld.idx.msk [tilespmem:v3+s6+$0x0], $0xffff  }
0x37f: {  	v4 =	vld.idx.msk [tilespmem:v4+s6+$0x0], $0xffff  }
0x380: {  	v5 =	vld.idx.msk [tilespmem:v5+s6+$0x0], $0xffff  }
0x381: {  	v7 =	vld.idx.msk [tilespmem:v7+s6+$0x0], $0xffff  }
0x382: {  	v9 =	vld.idx.msk [tilespmem:v9+s6+$0x0], $0xffff  }
0x383: {  	v11 =	vld.idx.msk [tilespmem:v11+s6+$0x0], $0xffff  }
0x384: {  	s0 =	sand.u32 $0x780, s12;
	s1 =	sadd.s32 $0x30, s12  }
0x385: {  	s0 =	sadd.s32 $0x1D290, s0;
	s1 =	sand.u32 $0x70, s1;
	v6 =	vmul.f32 v8, v6  }
0x386: {  	[tilespmem:s9+$0x0] =	vst v10;
	s1 =	sadd.s32 s1, s0;
	v3 =	vmul.f32 v4, v3  }
0x387: {  	s26 =	sor.u32 s5, s0;
	[tilespmem:s1+$0x0] =	vst v6;
	v4 =	vmul.f32 v7, v5  }
0x388: {  	s2 =	sadd.s32 s2, s0;
	[tilespmem:s26+$0x0] =	vst v3;
	v3 =	vmul.f32 v11, v9  }
0x389: {  	s0 =	sor.u32 s7, s0;
	[tilespmem:s2+$0x0] =	vst v4  }
0x38a: {  	[tilespmem:s0+$0x0] =	vst v3  }
0x38b: {  	s0 =	rddreg [dreg:$0xe]  }
0x38c: {  	s28 =	rddreg [dreg:$0x1d];
	v3 =	vld [tilespmem:s0+$0x5B90]  }
0x38d: {  	v4 =	vld [tilespmem:s28+$0x80];
	_ =	sdelay $0x6  }
0x38e: {  	v3 =	vld.idx.msk [tilespmem:v3+s6+$0x0], $0xffff  }
0x38f: {  	v4 =	vld.idx.msk [tilespmem:v4+s6+$0x0], $0xffff;
	_ =	sdelay $0x3  }
0x390: {  	s31 =	sadd.s32 $0x0, s21;
	s2 =	sld [smem:$0x7E9]  }
0x391: {  	s4 =	sadd.s32 $0x17A0, s31;
	v3 =	vmul.f32 v4, v3  }
0x392: {  	s1 =	sand.u32 $0x70, s4  }
0x393: {  	s1 =	sor.u32 s1, s2;
	[tilespmem:$0x1DA50] =	vst v3  }
0x394: {  	s10 =	sld [smem:$0x7EB];
	v3 =	vld [tilespmem:s1+$0x5B90]  }
0x395: {  	s7 =	sadd.s32 $0x1780, s31;
	s11 =	sld [smem:$0x7EC];
	v4 =	vld [tilespmem:s1+$0x5C10]  }
0x396: {  	s9 =	sld [smem:$0x7EA];
	s0 =	sadd.s32 $0x1790, s31;
	s2 =	sand.u32 $0x70, s7  }
0x397: {  	s5 =	sadd.s32 $0x1770, s31;
	s0 =	sand.u32 $0x70, s0;
	s2 =	sor.u32 s2, s10  }
0x398: {  	s0 =	sor.u32 s0, s11;
	s1 =	sand.u32 $0x70, s5;
	v7 =	vld [tilespmem:s2+$0x5B90]  }
0x399: {  	v10 =	vld [tilespmem:s0+$0x5C10];
	s1 =	sor.u32 s1, s9  }
0x39a: {  	v5 =	vld [tilespmem:s1+$0x5B90]  }
0x39b: {  	v6 =	vld [tilespmem:s1+$0x5C10]  }
0x39c: {  	v8 =	vld.idx.msk [tilespmem:v3+s6+$0x0], $0xffff  }
0x39d: {  	v9 =	vld.idx.msk [tilespmem:v4+s6+$0x0], $0xffff  }
0x39e: {  	v3 =	vld [tilespmem:s2+$0x5C10]  }
0x39f: {  	v4 =	vld [tilespmem:s0+$0x5B90]  }
0x3a0: {  	s12 =	sadd.s32 $0x40, s21;
	s19 =	rddreg [dreg:$0x18];
	v7 =	vld.idx.msk [tilespmem:v7+s6+$0x0], $0xffff  }
0x3a1: {  	s25 =	simm.s32 $0x0;
	s23 =	sadd.s32 $0x17A0, s12;
	s0 =	sadd.s32 $0x80, s19;
	v10 =	vld.idx.msk [tilespmem:v10+s6+$0x0], $0xffff  }
0x3a2: {  	s15 =	sand.u32 $0x780, s25;
	s1 =	sand.u32 $0x70, s23;
	s24 =	sand.u32 $0x3F00, s0;
	v11 =	vld.idx.msk [tilespmem:v5+s6+$0x0], $0xffff  }
0x3a3: {  	s18 =	sadd.s32 $0x1770, s12;
	s13 =	sadd.s32 $0x1780, s12;
	v6 =	vld.idx.msk [tilespmem:v6+s6+$0x0], $0xffff;
	s1 =	sor.u32 s1, s24  }
0x3a4: {  	s13 =	sand.u32 $0x70, s13;
	s15 =	sadd.s32 $0x1DA90, s15;
	s26 =	simm.s32 $0x10;
	v12 =	vld [tilespmem:s1+$0x5B90]  }
0x3a5: {  	s28 =	simm.s32 $0x20;
	s31 =	sand.u32 $0x50, s26;
	s19 =	sadd.s32 $0xFFFFFFA0, s0;
	v13 =	vld [tilespmem:s1+$0x5C10]  }
0x3a6: {  	s7 =	sand.u32 $0x60, s28;
	s5 =	sand.u32 $0x70, s18;
	s9 =	sand.u32 $0x3F00, s19;
	v14 =	vld.idx.msk [tilespmem:v3+s6+$0x0], $0xffff  }
0x3a7: {  	s10 =	sand.u32 $0x40, s25;
	s14 =	sadd.s32 $0xFFFFFFC0, s0;
	s5 =	sor.u32 s5, s9;
	v15 =	vld.idx.msk [tilespmem:v4+s6+$0x0], $0xffff  }
0x3a8: {  	s2 =	sadd.s32 $0x1790, s12;
	s25 =	sadd.s32 $0xFFFFFFE0, s0;
	s14 =	sand.u32 $0x3F00, s14;
	v3 =	vld [tilespmem:s5+$0x5B90]  }
0x3a9: {  	s2 =	sand.u32 $0x70, s2;
	s13 =	sor.u32 s13, s14;
	v8 =	vmul.f32 v9, v8;
	v9 =	vmul.f32 v6, v11;
	v4 =	vld [tilespmem:s5+$0x5C10];
	s5 =	sand.u32 $0x3F00, s25  }
0x3aa: {  	s28 =	sor.u32 s10, s15;
	s23 =	simm.s32 $0x30;
	v5 =	vld [tilespmem:s13+$0x5B90];
	s9 =	sor.u32 s2, s5  }
0x3ab: {  	s26 =	simm.s32 $0x50;
	s31 =	sadd.s32 s31, s15;
	s24 =	sand.u32 $0x70, s23;
	[tilespmem:s28+$0x0] =	vst v9;
	v9 =	vld [tilespmem:s9+$0x5B90]  }
0x3ac: {  	s11 =	simm.s32 $0x40;
	s18 =	simm.s32 $0x60;
	s4 =	sadd.s32 s24, s15;
	v6 =	vld.idx.msk [tilespmem:v12+s6+$0x0], $0xffff;
	v11 =	vmul.f32 v14, v7  }
0x3ad: {  	s12 =	sor.u32 s7, s15;
	s7 =	simm.s32 $0x80;
	s1 =	simm.s32 $0x4;
	[tilespmem:s4+$0x0] =	vst v8;
	v8 =	vld.idx.msk [tilespmem:v13+s6+$0x0], $0xffff  }
0x3ae: {  	s4 =	sand.u32 $0x40, s11;
	s2 =	sand.u32 $0x50, s26;
	s5 =	sand.u32 $0x60, s18;
	v7 =	vld [tilespmem:s13+$0x5C10];
	v10 =	vmul.f32 v10, v15;
	[tilespmem:s31+$0x0] =	vst v11  }
.LBB2_32:
0x3af: {  	s10 =	sadd.s32 s7, s21  }
0x3b0: {  	s13 =	sand.u32 $0x780, s11;
	v11 =	vld [tilespmem:s9+$0x5C10];
	s0 =	sadd.s32 $0x80, s0;
	[tilespmem:s12+$0x0] =	vst v10;
	s1 =	sadd.s32 $0x4, s1  }
0x3b1: {  	s11 =	sadd.s32 $0x30, s11;
	s9 =	sadd.s32 $0x17A0, s10;
	v3 =	vld.idx.msk [tilespmem:v3+s6+$0x0], $0xffff;
	s12 =	sand.u32 $0x3F00, s0  }
0x3b2: {  	p1 =	slt.u32 s1, $0x78;
	s11 =	sand.u32 $0x70, s11;
	s9 =	sand.u32 $0x70, s9;
	v4 =	vld.idx.msk [tilespmem:v4+s6+$0x0], $0xffff  }
0x3b3: {  	s14 =	sadd.s32 $0x1780, s10;
	s9 =	sor.u32 s9, s12;
	s12 =	sadd.s32 $0x1DA90, s13;
	v10 =	vld.idx.msk [tilespmem:v5+s6+$0x0], $0xffff;
	v5 =	vmul.f32 v8, v6  }
0x3b4: {  	s13 =	sadd.s32 $0x1770, s10;
	s10 =	sadd.s32 $0x1790, s10;
	v6 =	vld [tilespmem:s9+$0x5B90];
	s11 =	sadd.s32 s11, s12  }
0x3b5: {  	s15 =	sadd.s32 $0xFFFFFFA0, s0;
	s18 =	sadd.s32 $0xFFFFFFC0, s0;
	s10 =	sand.u32 $0x70, s10;
	v8 =	vld [tilespmem:s9+$0x5C10];
	[tilespmem:s11+$0x0] =	vst v5  }
0x3b6: {  	s9 =	sand.u32 $0x70, s13;
	s11 =	sand.u32 $0x70, s14;
	s13 =	sadd.s32 $0xFFFFFFE0, s0;
	v7 =	vld.idx.msk [tilespmem:v7+s6+$0x0], $0xffff  }
0x3b7: {  	s4 =	sor.u32 s4, s12;
	s14 =	sand.u32 $0x3F00, s15;
	s15 =	sand.u32 $0x3F00, s18;
	v9 =	vld.idx.msk [tilespmem:v9+s6+$0x0], $0xffff  }
0x3b8: {  	s14 =	sor.u32 s9, s14;
	s15 =	sor.u32 s11, s15;
	s9 =	sand.u32 $0x3F00, s13;
	v12 =	vmul.f32 v4, v3;
	v11 =	vld.idx.msk [tilespmem:v11+s6+$0x0], $0xffff  }
0x3b9: {  	s11 =	sadd.s32 $0x10, s7;
	s13 =	sadd.s32 $0x20, s7;
	s9 =	sor.u32 s10, s9;
	v3 =	vld [tilespmem:s14+$0x5B90]  }
0x3ba: {  	s10 =	sand.u32 $0x40, s7;
	s11 =	sand.u32 $0x50, s11;
	s13 =	sand.u32 $0x60, s13;
	v4 =	vld [tilespmem:s14+$0x5C10]  }
.Ltmp17:
0x3bb: {  	s14 =	sadd.s32 s2, s12;
	s12 =	sor.u32 s5, s12;
	v5 =	vld [tilespmem:s15+$0x5B90];
	(pc) =	sbr.rel @p1 .LBB2_32-.Ltmp17, $4  }
0x3bc: {  	s2 =	smov.u32 s11;
	s5 =	smov.u32 s13;
	v10 =	vmul.f32 v7, v10;
	v6 =	vld.idx.msk [tilespmem:v6+s6+$0x0], $0xffff;
	[tilespmem:s4+$0x0] =	vst v12;
	s4 =	smov.u32 s10  }
0x3bd: {  	s11 =	smov.u32 s7;
	v8 =	vld.idx.msk [tilespmem:v8+s6+$0x0], $0xffff  }
0x3be: {  	v7 =	vld [tilespmem:s15+$0x5C10];
	[tilespmem:s14+$0x0] =	vst v10;
	v10 =	vmul.f32 v11, v9  }
0x3bf: {  	s7 =	sadd.s32 $0x40, s7;
	v9 =	vld [tilespmem:s9+$0x5B90]  }
0x3c0: {  	_ = 	snop  }
0x3c1: {  	v11 =	vld [tilespmem:s9+$0x5C10];
	_ =	sdelay $0x2  }
0x3c2: {  	v3 =	vld.idx.msk [tilespmem:v3+s6+$0x0], $0xffff  }
0x3c3: {  	v4 =	vld.idx.msk [tilespmem:v4+s6+$0x0], $0xffff  }
0x3c4: {  	v5 =	vld.idx.msk [tilespmem:v5+s6+$0x0], $0xffff  }
0x3c5: {  	v7 =	vld.idx.msk [tilespmem:v7+s6+$0x0], $0xffff  }
0x3c6: {  	v9 =	vld.idx.msk [tilespmem:v9+s6+$0x0], $0xffff  }
0x3c7: {  	v11 =	vld.idx.msk [tilespmem:v11+s6+$0x0], $0xffff  }
0x3c8: {  	s0 =	sand.u32 $0x780, s11;
	s1 =	sadd.s32 $0x30, s11  }
0x3c9: {  	s0 =	sadd.s32 $0x1DA90, s0;
	s1 =	sand.u32 $0x70, s1;
	v6 =	vmul.f32 v8, v6  }
0x3ca: {  	[tilespmem:s12+$0x0] =	vst v10;
	s1 =	sadd.s32 s1, s0;
	v3 =	vmul.f32 v4, v3  }
0x3cb: {  	s26 =	sor.u32 s4, s0;
	[tilespmem:s1+$0x0] =	vst v6;
	v4 =	vmul.f32 v7, v5  }
0x3cc: {  	s2 =	sadd.s32 s2, s0;
	[tilespmem:s26+$0x0] =	vst v3;
	v3 =	vmul.f32 v11, v9  }
0x3cd: {  	s0 =	sor.u32 s5, s0;
	[tilespmem:s2+$0x0] =	vst v4  }
0x3ce: {  	[tilespmem:s0+$0x0] =	vst v3  }
0x3cf: {  	s0 =	rddreg [dreg:$0xf]  }
0x3d0: {  	s28 =	rddreg [dreg:$0x1e];
	v3 =	vld [tilespmem:s0+$0x5B90]  }
0x3d1: {  	v4 =	vld [tilespmem:s28+$0x80];
	_ =	sdelay $0x6  }
0x3d2: {  	v3 =	vld.idx.msk [tilespmem:v3+s6+$0x0], $0xffff  }
0x3d3: {  	v4 =	vld.idx.msk [tilespmem:v4+s6+$0x0], $0xffff;
	_ =	sdelay $0x3  }
0x3d4: {  	s31 =	sadd.s32 $0x0, s21;
	s2 =	sld [smem:$0x7E5]  }
0x3d5: {  	s4 =	sadd.s32 $0x1F70, s31;
	v3 =	vmul.f32 v4, v3  }
0x3d6: {  	s1 =	sand.u32 $0x70, s4  }
0x3d7: {  	s1 =	sor.u32 s1, s2;
	[tilespmem:$0x1E250] =	vst v3  }
0x3d8: {  	s10 =	sld [smem:$0x7E7];
	v3 =	vld [tilespmem:s1+$0x5B90]  }
0x3d9: {  	s7 =	sadd.s32 $0x1F50, s31;
	s11 =	sld [smem:$0x7E8];
	v4 =	vld [tilespmem:s1+$0x5C10]  }
0x3da: {  	s9 =	sld [smem:$0x7E6];
	s0 =	sadd.s32 $0x1F60, s31;
	s2 =	sand.u32 $0x70, s7  }
0x3db: {  	s5 =	sadd.s32 $0x1F40, s31;
	s0 =	sand.u32 $0x70, s0;
	s2 =	sor.u32 s2, s10  }
0x3dc: {  	s0 =	sor.u32 s0, s11;
	s1 =	sand.u32 $0x70, s5;
	v7 =	vld [tilespmem:s2+$0x5B90]  }
0x3dd: {  	v10 =	vld [tilespmem:s0+$0x5C10];
	s1 =	sor.u32 s1, s9  }
0x3de: {  	v5 =	vld [tilespmem:s1+$0x5B90]  }
0x3df: {  	v6 =	vld [tilespmem:s1+$0x5C10]  }
0x3e0: {  	v8 =	vld.idx.msk [tilespmem:v3+s6+$0x0], $0xffff  }
0x3e1: {  	v9 =	vld.idx.msk [tilespmem:v4+s6+$0x0], $0xffff  }
0x3e2: {  	v3 =	vld [tilespmem:s2+$0x5C10]  }
0x3e3: {  	v4 =	vld [tilespmem:s0+$0x5B90]  }
0x3e4: {  	s12 =	sadd.s32 $0x40, s21;
	s23 =	rddreg [dreg:$0x19];
	v7 =	vld.idx.msk [tilespmem:v7+s6+$0x0], $0xffff  }
0x3e5: {  	s24 =	sadd.s32 $0x1F70, s12;
	s18 =	sadd.s32 $0x1F40, s12;
	s0 =	sadd.s32 $0x80, s23;
	v10 =	vld.idx.msk [tilespmem:v10+s6+$0x0], $0xffff  }
0x3e6: {  	s26 =	simm.s32 $0x0;
	s1 =	sand.u32 $0x70, s24;
	s25 =	sand.u32 $0x7F00, s0;
	v11 =	vld.idx.msk [tilespmem:v5+s6+$0x0], $0xffff  }
0x3e7: {  	s13 =	sadd.s32 $0x1F50, s12;
	s15 =	sand.u32 $0x780, s26;
	v6 =	vld.idx.msk [tilespmem:v6+s6+$0x0], $0xffff;
	s1 =	sor.u32 s1, s25  }
0x3e8: {  	s13 =	sand.u32 $0x70, s13;
	s15 =	sadd.s32 $0x1E290, s15;
	s28 =	simm.s32 $0x10;
	v12 =	vld [tilespmem:s1+$0x5B90]  }
0x3e9: {  	s31 =	sand.u32 $0x50, s28;
	s7 =	simm.s32 $0x20;
	s19 =	sadd.s32 $0xFFFFFFA0, s0;
	v13 =	vld [tilespmem:s1+$0x5C10]  }
0x3ea: {  	s31 =	sadd.s32 s31, s15;
	s5 =	sand.u32 $0x70, s18;
	s11 =	sand.u32 $0x7F00, s19;
	v14 =	vld.idx.msk [tilespmem:v3+s6+$0x0], $0xffff  }
0x3eb: {  	s10 =	sand.u32 $0x40, s26;
	s14 =	sadd.s32 $0xFFFFFFC0, s0;
	s5 =	sor.u32 s5, s11;
	v15 =	vld.idx.msk [tilespmem:v4+s6+$0x0], $0xffff  }
0x3ec: {  	s2 =	sadd.s32 $0x1F60, s12;
	s14 =	sand.u32 $0x7F00, s14;
	s25 =	sadd.s32 $0xFFFFFFE0, s0;
	v3 =	vld [tilespmem:s5+$0x5B90]  }
0x3ed: {  	s2 =	sand.u32 $0x70, s2;
	s13 =	sor.u32 s13, s14;
	v8 =	vmul.f32 v9, v8;
	v9 =	vmul.f32 v6, v11;
	v4 =	vld [tilespmem:s5+$0x5C10];
	s5 =	sand.u32 $0x7F00, s25  }
0x3ee: {  	s28 =	sor.u32 s10, s15;
	s23 =	simm.s32 $0x30;
	v5 =	vld [tilespmem:s13+$0x5B90];
	s11 =	sor.u32 s2, s5  }
0x3ef: {  	s7 =	sand.u32 $0x60, s7;
	s26 =	simm.s32 $0x50;
	s24 =	sand.u32 $0x70, s23;
	[tilespmem:s28+$0x0] =	vst v9;
	v9 =	vld [tilespmem:s11+$0x5B90]  }
0x3f0: {  	s18 =	simm.s32 $0x60;
	s9 =	simm.s32 $0x40;
	s4 =	sadd.s32 s24, s15;
	v6 =	vld.idx.msk [tilespmem:v12+s6+$0x0], $0xffff;
	v11 =	vmul.f32 v14, v7  }
0x3f1: {  	s12 =	sor.u32 s7, s15;
	s7 =	simm.s32 $0x80;
	s1 =	simm.s32 $0x4;
	[tilespmem:s4+$0x0] =	vst v8;
	v8 =	vld.idx.msk [tilespmem:v13+s6+$0x0], $0xffff  }
0x3f2: {  	s4 =	sand.u32 $0x40, s9;
	s2 =	sand.u32 $0x50, s26;
	s5 =	sand.u32 $0x60, s18;
	v7 =	vld [tilespmem:s13+$0x5C10];
	v10 =	vmul.f32 v10, v15;
	[tilespmem:s31+$0x0] =	vst v11  }
.LBB2_34:
0x3f3: {  	s10 =	sadd.s32 s7, s21  }
0x3f4: {  	s13 =	sand.u32 $0x780, s9;
	v11 =	vld [tilespmem:s11+$0x5C10];
	s0 =	sadd.s32 $0x80, s0;
	[tilespmem:s12+$0x0] =	vst v10;
	s1 =	sadd.s32 $0x4, s1  }
0x3f5: {  	s9 =	sadd.s32 $0x30, s9;
	s11 =	sadd.s32 $0x1F70, s10;
	v3 =	vld.idx.msk [tilespmem:v3+s6+$0x0], $0xffff;
	s12 =	sand.u32 $0x7F00, s0  }
0x3f6: {  	p1 =	slt.u32 s1, $0x78;
	s9 =	sand.u32 $0x70, s9;
	s11 =	sand.u32 $0x70, s11;
	v4 =	vld.idx.msk [tilespmem:v4+s6+$0x0], $0xffff  }
0x3f7: {  	s14 =	sadd.s32 $0x1F50, s10;
	s11 =	sor.u32 s11, s12;
	s12 =	sadd.s32 $0x1E290, s13;
	v10 =	vld.idx.msk [tilespmem:v5+s6+$0x0], $0xffff;
	v5 =	vmul.f32 v8, v6  }
0x3f8: {  	s13 =	sadd.s32 $0x1F40, s10;
	s10 =	sadd.s32 $0x1F60, s10;
	v6 =	vld [tilespmem:s11+$0x5B90];
	s9 =	sadd.s32 s9, s12  }
0x3f9: {  	s15 =	sadd.s32 $0xFFFFFFA0, s0;
	s18 =	sadd.s32 $0xFFFFFFC0, s0;
	s10 =	sand.u32 $0x70, s10;
	v8 =	vld [tilespmem:s11+$0x5C10];
	[tilespmem:s9+$0x0] =	vst v5  }
0x3fa: {  	s9 =	sand.u32 $0x70, s13;
	s11 =	sand.u32 $0x70, s14;
	s13 =	sadd.s32 $0xFFFFFFE0, s0;
	v7 =	vld.idx.msk [tilespmem:v7+s6+$0x0], $0xffff  }
0x3fb: {  	s4 =	sor.u32 s4, s12;
	s14 =	sand.u32 $0x7F00, s15;
	s15 =	sand.u32 $0x7F00, s18;
	v9 =	vld.idx.msk [tilespmem:v9+s6+$0x0], $0xffff  }
0x3fc: {  	s9 =	sor.u32 s9, s14;
	s14 =	sor.u32 s11, s15;
	s11 =	sand.u32 $0x7F00, s13;
	v12 =	vmul.f32 v4, v3;
	v11 =	vld.idx.msk [tilespmem:v11+s6+$0x0], $0xffff  }
0x3fd: {  	s13 =	sadd.s32 $0x10, s7;
	s15 =	sadd.s32 $0x20, s7;
	s11 =	sor.u32 s10, s11;
	v3 =	vld [tilespmem:s9+$0x5B90]  }
0x3fe: {  	s10 =	sand.u32 $0x50, s13;
	s13 =	sand.u32 $0x60, s15;
	v4 =	vld [tilespmem:s9+$0x5C10];
	s9 =	sand.u32 $0x40, s7  }
.Ltmp18:
0x3ff: {  	s15 =	sadd.s32 s2, s12;
	s12 =	sor.u32 s5, s12;
	v5 =	vld [tilespmem:s14+$0x5B90];
	(pc) =	sbr.rel @p1 .LBB2_34-.Ltmp18, $4  }
0x400: {  	s2 =	smov.u32 s10;
	s5 =	smov.u32 s13;
	v10 =	vmul.f32 v7, v10;
	v6 =	vld.idx.msk [tilespmem:v6+s6+$0x0], $0xffff;
	[tilespmem:s4+$0x0] =	vst v12;
	s4 =	smov.u32 s9  }
0x401: {  	s9 =	smov.u32 s7;
	v8 =	vld.idx.msk [tilespmem:v8+s6+$0x0], $0xffff  }
0x402: {  	v7 =	vld [tilespmem:s14+$0x5C10];
	[tilespmem:s15+$0x0] =	vst v10;
	v10 =	vmul.f32 v11, v9  }
0x403: {  	s7 =	sadd.s32 $0x40, s7;
	v9 =	vld [tilespmem:s11+$0x5B90]  }
0x404: {  	_ = 	snop  }
0x405: {  	v11 =	vld [tilespmem:s11+$0x5C10];
	_ =	sdelay $0x2  }
0x406: {  	v3 =	vld.idx.msk [tilespmem:v3+s6+$0x0], $0xffff  }
0x407: {  	v4 =	vld.idx.msk [tilespmem:v4+s6+$0x0], $0xffff  }
0x408: {  	v5 =	vld.idx.msk [tilespmem:v5+s6+$0x0], $0xffff  }
0x409: {  	v7 =	vld.idx.msk [tilespmem:v7+s6+$0x0], $0xffff  }
0x40a: {  	v9 =	vld.idx.msk [tilespmem:v9+s6+$0x0], $0xffff  }
0x40b: {  	v11 =	vld.idx.msk [tilespmem:v11+s6+$0x0], $0xffff  }
0x40c: {  	s0 =	sand.u32 $0x780, s9;
	s1 =	sadd.s32 $0x30, s9  }
0x40d: {  	s0 =	sadd.s32 $0x1E290, s0;
	s1 =	sand.u32 $0x70, s1;
	v6 =	vmul.f32 v8, v6  }
0x40e: {  	[tilespmem:s12+$0x0] =	vst v10;
	s1 =	sadd.s32 s1, s0;
	v3 =	vmul.f32 v4, v3  }
0x40f: {  	s13 =	sor.u32 s4, s0;
	[tilespmem:s1+$0x0] =	vst v6;
	v63 =	vmul.f32 v7, v5  }
0x410: {  	s2 =	sadd.s32 s2, s0;
	[tilespmem:s13+$0x0] =	vst v3;
	v3 =	vmul.f32 v11, v9  }
0x411: {  	s0 =	sor.u32 s5, s0;
	[tilespmem:s2+$0x0] =	vst v63  }
0x412: {  	[tilespmem:s0+$0x0] =	vst v3  }
0x413: {  	v3 =	vld [tilespmem:s20+$0xA990]  }
0x414: {  	v4 =	vld [tilespmem:s20+$0xAA10];
	_ =	sdelay $0x6  }
0x415: {  	v3 =	vld.idx.msk [tilespmem:v3+s6+$0x0], $0xffff  }
0x416: {  	v4 =	vld.idx.msk [tilespmem:v4+s6+$0x0], $0xffff;
	_ =	sdelay $0x4  }
0x417: {  	v3 =	vmul.f32 v4, v3;
	_ =	sdelay $0x1  }
0x418: {  	s14 =	rddreg [dreg:$0x4];
	s15 =	simm.s32 $0x19A90;
	s18 =	simm.s32 $0x1C290;
	[tilespmem:$0x1EA50] =	vst v3  }
0x419: {  	[spmem:s14] =	stream.indirect.scatter.add.f32 [tilespmem:s18], [sflag:$0x3], $0x1, s15, s3, $0xb8;
	[tilespmem:$0x1EF90] =	vst v63  }
0x41a: {  	s19 =	simm.s32 $0x1A290;
	s20 =	simm.s32 $0x1CA90  }
0x41b: {  	[spmem:s14] =	stream.indirect.scatter.add.f32 [tilespmem:s20], [sflag:$0x3], $0x1, s19, s3, $0xb8;
	[tilespmem:$0x1EF90] =	vst v63  }
0x41c: {  	s23 =	simm.s32 $0x1AA90;
	s24 =	simm.s32 $0x1D290  }
0x41d: {  	[spmem:s14] =	stream.indirect.scatter.add.f32 [tilespmem:s24], [sflag:$0x3], $0x1, s23, s3, $0xb8;
	[tilespmem:$0x1EF90] =	vst v63  }
.Ltmp19:
0x41e: {  	_ = 	snop;
	(pc) =	sbr.rel @p0 .LBB2_39-.Ltmp19, $4  }
0x41f: {  	s25 =	simm.s32 $0x1B290;
	s26 =	simm.s32 $0x1DA90;
	s1 =	sld [smem:$0x7FB]  }
0x420: {  	[spmem:s14] =	stream.indirect.scatter.add.f32 [tilespmem:s26], [sflag:$0x3], $0x1, s25, s3, $0xb8;
	[tilespmem:$0x1EF90] =	vst v63  }
0x421: {  	s28 =	simm.s32 $0x1BA90;
	s31 =	simm.s32 $0x1E290;
	s18 =	rddreg [dreg:$0xa]  }
0x422: {  	[spmem:s14] =	stream.indirect.scatter.add.f32 [tilespmem:s31], [sflag:$0x3], $0x1, s28, s3, $0xb8;
	[tilespmem:$0x1EF90] =	vst v63  }
0x423: {  	s4 =	rddreg [dreg:$0x9]  }
0x424: {  	s1 =	sadd.s32 $0x30, s4  }
0x425: {  	s0 =	sadd.s32 $0x10, s4;
	v3 =	vor.u32 s1, v2  }
0x426: {  	s2 =	sadd.s32 $0x20, s4;
	v4 =	vor.u32 s0, v2;
	vm0 =	vlt.s32 v3, $0x270F  }
0x427: {  	v5 =	vor.u32 s2, v2;
	vm1 =	vlt.s32 v4, $0x270F;
	v3 =	vnsel vm0, $0x270F, v3  }
0x428: {  	v6 =	vor.u32 s4, v2;
	v4 =	vnsel vm1, $0x270F, v4;
	vm0 =	vlt.s32 v5, $0x270F  }
0x429: {  	v7 =	vmov s4;
	s4 =	sadd.s32 $0x40, s4;
	vm1 =	vlt.s32 v6, $0x270F;
	v5 =	vnsel vm0, $0x270F, v5  }
0x42a: {  	v8 =	vmov s0;
	s0 =	sadd.s32 $0x30, s4;
	s5 =	sadd.s32 $0x20, s4;
	v6 =	vnsel vm1, $0x270F, v6  }
0x42b: {  	v9 =	vor.u32 s4, v2;
	v10 =	vor.u32 s0, v2;
	v11 =	vor.u32 s5, v2  }
0x42c: {  	vm5 =	vlt.s32 v10, $0x270F;
	vm0 =	vlt.u32 v8, $0x2710;
	v8 =	vmov s2;
	v3 =	vld.idx.msk [tilespmem:v3+s6+$0x0], $0xffff  }
0x42d: {  	s31 =	sadd.s32 $0x10, s4;
	vm1 =	vlt.u32 v7, $0x2710;
	v7 =	vmov s4;
	vm2 =	vlt.u32 v8, $0x2710;
	v8 =	vld.idx.msk [tilespmem:v4+s6+$0x0], $0xffff  }
0x42e: {  	v10 =	vnsel vm5, $0x270F, v10;
	vm0 =	vmmov vm0;
	v4 =	vor.u32 s31, v2;
	v5 =	vld.idx.msk [tilespmem:v5+s6+$0x0], $0xffff  }
0x42f: {  	vm3 =	vmmov vm1;
	vm1 =	vlt.s32 v9, $0x270F;
	v6 =	vld.idx.msk [tilespmem:v6+s6+$0x0], $0xffff;
	vm4 =	vlt.s32 v4, $0x270F  }
0x430: {  	vm2 =	vmmov vm2;
	v12 =	vnsel vm4, $0x270F, v4;
	vm4 =	vlt.s32 v11, $0x270F  }
0x431: {  	v4 =	vnsel vm4, $0x270F, v11;
	v11 =	vmov s1;
	v13 =	vmul.f32 v3, v3  }
0x432: {  	v3 =	vnsel vm1, $0x270F, v9;
	v8 =	vmul.f32 v8, v8;
	v9 =	vmov s31  }
0x433: {  	vm1 =	vlt.u32 v11, $0x2710;
	v11 =	vmul.f32 v5, v5;
	vm5 =	vlt.u32 v9, $0x2710  }
0x434: {  	s1 =	simm.s32 $0x1ED30;
	v9 =	vmov s5;
	v63 =	vmul.f32 v6, v6;
	v5 =	vnsel vm1, $0x0, v13  }
0x435: {  	vm1 =	vlt.u32 v7, $0x2710;
	vm4 =	vlt.u32 v9, $0x2710;
	v8 =	vnsel vm0, $0x0, v8;
	v6 =	vld.idx.msk [tilespmem:v12+s6+$0x0], $0xffff;
	[tilespmem:s1+$0x10] =	vst v5  }
0x436: {  	s2 =	simm.s32 $0x4;
	s4 =	sadd.s32 $0x40, s4;
	vm0 =	vmmov vm5;
	v5 =	vld.idx.msk [tilespmem:v10+s6+$0x0], $0xffff;
	v7 =	vnsel vm3, $0x0, v63;
	[tilespmem:s1+$0xFFFFFFF0] =	vst v8;
	v8 =	vnsel vm2, $0x0, v11  }
.LBB2_37:
0x437: {  	v9 =	vmov s4  }
0x438: {  	v10 =	vor.u32 s4, v2;
	s5 =	sadd.s32 $0x10, s4;
	s7 =	sadd.s32 $0x30, s4;
	s2 =	sadd.s32 $0x4, s2;
	v11 =	vld.idx.msk [tilespmem:v4+s6+$0x0], $0xffff;
	[tilespmem:s1+$0x0] =	vst v8;
	vm3 =	vmmov vm1;
	vm2 =	vmmov vm4  }
0x439: {  	s9 =	sadd.s32 $0x20, s4;
	vm1 =	vlt.s32 v10, $0x270F;
	v4 =	vor.u32 s5, v2;
	v8 =	vor.u32 s7, v2;
	p1 =	slt.u32 s2, $0x24;
	v12 =	vld.idx.msk [tilespmem:v3+s6+$0x0], $0xffff;
	[tilespmem:s1+$0xFFFFFFE0] =	vst v7  }
0x43a: {  	v3 =	vor.u32 s9, v2;
	vm4 =	vlt.s32 v4, $0x270F;
	vm5 =	vlt.s32 v8, $0x270F  }
0x43b: {  	v7 =	vnsel vm4, $0x270F, v4;
	vm4 =	vlt.s32 v3, $0x270F;
	v8 =	vnsel vm5, $0x270F, v8  }
0x43c: {  	v13 =	vmov s0;
	v5 =	vmul.f32 v5, v5;
	s0 =	smov.u32 s7;
	v4 =	vnsel vm4, $0x270F, v3  }
.Ltmp20:
0x43d: {  	v6 =	vmul.f32 v6, v6;
	v3 =	vnsel vm1, $0x270F, v10;
	vm1 =	vlt.u32 v13, $0x2710;
	(pc) =	sbr.rel @p1 .LBB2_37-.Ltmp20, $4  }
0x43e: {  	s1 =	sadd.s32 $0x40, s1;
	v10 =	vmov s5;
	v11 =	vmul.f32 v11, v11;
	v5 =	vnsel vm1, $0x0, v5  }
0x43f: {  	vm5 =	vlt.u32 v10, $0x2710;
	v10 =	vmov s9;
	v12 =	vmul.f32 v12, v12;
	[tilespmem:s1+$0x10] =	vst v5  }
0x440: {  	vm1 =	vlt.u32 v9, $0x2710;
	vm4 =	vlt.u32 v10, $0x2710;
	v5 =	vld.idx.msk [tilespmem:v8+s6+$0x0], $0xffff;
	v8 =	vnsel vm0, $0x0, v6  }
0x441: {  	s4 =	sadd.s32 $0x40, s4;
	vm0 =	vmmov vm5;
	v6 =	vld.idx.msk [tilespmem:v7+s6+$0x0], $0xffff;
	v7 =	vnsel vm3, $0x0, v12;
	[tilespmem:s1+$0xFFFFFFF0] =	vst v8;
	v8 =	vnsel vm2, $0x0, v11  }
.Ltmp21:
0x442: {  	_ = 	snop;
	(pc) =	sbr.rel .LBB2_38-.Ltmp21, $1  }
0x443: {  	_ =	sdelay $0x3  }
.LBB2_40:
0x444: {  	_ =	sfence.sel $0x180000  }
0x445: {  	[bflag:$0x0] =	sbarrier.arrive $0xFFFF  }
0x446: {  	_ =	strace $0x90000047  }
0x447: {  	s0 =	stileid.u32;
	[bflag:$0x2] =	sbarrier.arrive $0xFFFF  }
0x448: {  	p0 =	sne.s32 s0, $0x0;
	s0 =	rddreg [dreg:$0x6]  }
0x449: {  	s0 =	sadd.s32 @!p0 $0x100000, s0  }
0x44a: {  	[sflag:s0] =	ssyncadd.tile.s32 @!p0 $0x1;
	_ =	shalt  }
.Lfunc_end2:
_tile_overlayer_lowered:
.L_overlay_start_2:
0x44b: {  	(tag) =	ssettag $0x2  }
0x44c: {  	s0 =	rddreg [dreg:$0x0];
	s2 =	stileid.u32  }
0x44d: {  	s1 =	rddreg [dreg:$0x1];
	p0 =	sne.s32 s2, $0x0  }
0x44e: {  	s3 =	rddreg [dreg:$0x2];
	[bflag:$0x3] =	sbarrier.arrive $0xFFFF;
	s2 =	simm.s32 @!p0 $0x1C06  }
0x44f: {  	[timem:s3], [sflag:s2] =	dma.local @!p0 [hbm:s0], s1  }
0x450: {  	s0 =	simm.s32 @!p0 $0x6  }
0x451: {  	_ =	swait.ge @!p0 [sflag:s0], s1  }
0x452: {  	s1 =	ssub.s32 @!p0 $0x0, s1;
	[sflag:s0] =	ssyncset.done @!p0 $0x0  }
0x453: {  	[sflag:s0] =	ssyncadd.s32 @!p0 s1  }
0x454: {  	[bflag:$0x3] =	sbarrier.arrive $0xFFFF  }
0x455: {  	_ =	shalt  }

</sc_bundles>
